<compile_context>
chip_gen: v7x
topology: tpu7x:2x2x1
jax: 0.10.2.dev20260603
libtpu: 0.0.44.dev20260713+nightly
codegen_flags: <defaults>
</compile_context>

<pallas_src>
import functools

import jax
import jax.numpy as jnp
from jax import lax
from jax.experimental import pallas as pl
from jax.experimental.pallas import tpu as pltpu
from jax.experimental.pallas import tpu_sc as plsc

N = 10000
NP = 10240
E = 160000
EP = 163840
D = 256
H = 128
NT = 16
RPT = NP // NT
KA = 64
CH_A = (EP // NT) // KA
IB = 16
NBLK = CH_A // IB
KD = 128
CH_D = (EP // 32) // KD

_mesh = plsc.VectorSubcoreMesh(core_axis_name="c", subcore_axis_name="s")


@functools.partial(
    pl.kernel,
    out_type=jax.ShapeDtypeStruct((2, NP), jnp.float32),
    mesh=_mesh,
    scratch_types=[
        pltpu.VMEM((CH_D, KD), jnp.int32),
        pltpu.VMEM((KD,), jnp.float32),
        pltpu.VMEM((RPT,), jnp.float32),
        pltpu.VMEM_SHARED((NP,), jnp.float32),
    ],
)
def _deg_kernel(dst_hbm, out_hbm, idx_v, ones_v, buf_v, acc):
    c = lax.axis_index("c")
    s = lax.axis_index("s")
    w = s * 2 + c
    init = jnp.where(c == 0, 1.0, 0.0)

    def fill(i, _):
        buf_v[pl.ds(i * 16, 16)] = jnp.broadcast_to(init, (16,))
        return 0

    lax.fori_loop(0, RPT // 16, fill, 0)
    for i in range(KD // 16):
        ones_v[pl.ds(i * 16, 16)] = jnp.ones((16,), jnp.float32)
    pltpu.sync_copy(buf_v, acc.at[pl.ds(s * RPT, RPT)])
    pltpu.sync_copy(dst_hbm.at[w], idx_v)
    plsc.subcore_barrier()

    def body(j, _):
        pltpu.sync_copy(ones_v, acc.at[idx_v.at[j]], add=True)
        return 0

    lax.fori_loop(0, CH_D, body, 0)
    plsc.subcore_barrier()
    pltpu.sync_copy(acc.at[pl.ds(s * RPT, RPT)], out_hbm.at[c, pl.ds(s * RPT, RPT)])


@functools.partial(
    pl.kernel,
    out_type=[
        jax.ShapeDtypeStruct((NP, H), jnp.float32),
        jax.ShapeDtypeStruct((NP, H), jnp.float32),
    ],
    mesh=_mesh,
    scratch_types=[
        pltpu.VMEM((IB, KA), jnp.int32),
        pltpu.VMEM((IB, KA), jnp.int32),
        pltpu.VMEM((KA, H), jnp.float32),
        pltpu.VMEM((KA, H), jnp.float32),
        pltpu.VMEM_SHARED((NP, H), jnp.float32),
        pltpu.SemaphoreType.DMA,
        pltpu.SemaphoreType.DMA,
    ],
)
def _agg_kernel(g0_hbm, g1_hbm, src_hbm, dst_hbm, o0_hbm, o1_hbm,
                sidx, didx, ba, bb, acc, sema, semb):
    c = lax.axis_index("c")
    s = lax.axis_index("s")

    def run(g_hbm, o_hbm):
        pltpu.sync_copy(g_hbm.at[pl.ds(s * RPT, RPT)], acc.at[pl.ds(s * RPT, RPT)])
        plsc.subcore_barrier()

        def group(gi, _):
            pltpu.sync_copy(src_hbm.at[s, pl.ds(gi * IB, IB)], sidx)
            pltpu.sync_copy(dst_hbm.at[s, pl.ds(gi * IB, IB)], didx)

            def pair(p, _):
                j = 2 * p
                ca = pltpu.async_copy(g_hbm.at[sidx.at[j]], ba, sema)
                cb = pltpu.async_copy(g_hbm.at[sidx.at[j + 1]], bb, semb)
                ca.wait()
                pltpu.sync_copy(ba, acc.at[didx.at[j]], add=True)
                cb.wait()
                pltpu.sync_copy(bb, acc.at[didx.at[j + 1]], add=True)
                return 0

            lax.fori_loop(0, IB // 2, pair, 0)
            return 0

        lax.fori_loop(0, NBLK, group, 0)
        plsc.subcore_barrier()
        pltpu.sync_copy(acc.at[pl.ds(s * RPT, RPT)], o_hbm.at[pl.ds(s * RPT, RPT)])

    @pl.when(c == 0)
    def _():
        run(g0_hbm, o0_hbm)

    @pl.when(c == 1)
    def _():
        run(g1_hbm, o1_hbm)


_MB = 512
_GRID = NP // _MB


def _mm1_body(x_ref, w_ref, degp_ref, g0_ref, g1_ref, dinv_ref):
    deg = degp_ref[0, :] + degp_ref[1, :]
    di = lax.rsqrt(deg)
    h = jnp.dot(x_ref[...], w_ref[...], preferred_element_type=jnp.float32)
    g = h * di[:, None]
    g0_ref[...] = g[:, :H]
    g1_ref[...] = g[:, H:]
    dinv_ref[...] = di[None, :]


def _mid_body(a0_ref, a1_ref, dinv_ref, b_ref, w_ref, g0_ref, g1_ref):
    di = dinv_ref[0, :]
    agg = jnp.concatenate([a0_ref[...], a1_ref[...]], axis=1)
    x2 = jnp.maximum(agg * di[:, None] + b_ref[...], 0.0)
    h = jnp.dot(x2, w_ref[...], preferred_element_type=jnp.float32)
    g = h * di[:, None]
    g0_ref[...] = g[:, :H]
    g1_ref[...] = g[:, H:]


def _fin_body(a0_ref, a1_ref, dinv_ref, b_ref, o_ref):
    di = dinv_ref[0, :]
    agg = jnp.concatenate([a0_ref[...], a1_ref[...]], axis=1)
    o_ref[...] = agg * di[:, None] + b_ref[...]


def _mm1(x_p, w1, degp):
    return pl.pallas_call(
        _mm1_body,
        grid=(_GRID,),
        in_specs=[
            pl.BlockSpec((_MB, D), lambda i: (i, 0)),
            pl.BlockSpec((D, D), lambda i: (0, 0)),
            pl.BlockSpec((2, _MB), lambda i: (0, i)),
        ],
        out_specs=[
            pl.BlockSpec((_MB, H), lambda i: (i, 0)),
            pl.BlockSpec((_MB, H), lambda i: (i, 0)),
            pl.BlockSpec((1, _MB), lambda i: (0, i)),
        ],
        out_shape=[
            jax.ShapeDtypeStruct((NP, H), jnp.float32),
            jax.ShapeDtypeStruct((NP, H), jnp.float32),
            jax.ShapeDtypeStruct((1, NP), jnp.float32),
        ],
    )(x_p, w1, degp)


def _mid(a0, a1, dinv, b1, w2):
    return pl.pallas_call(
        _mid_body,
        grid=(_GRID,),
        in_specs=[
            pl.BlockSpec((_MB, H), lambda i: (i, 0)),
            pl.BlockSpec((_MB, H), lambda i: (i, 0)),
            pl.BlockSpec((1, _MB), lambda i: (0, i)),
            pl.BlockSpec((1, D), lambda i: (0, 0)),
            pl.BlockSpec((D, D), lambda i: (0, 0)),
        ],
        out_specs=[
            pl.BlockSpec((_MB, H), lambda i: (i, 0)),
            pl.BlockSpec((_MB, H), lambda i: (i, 0)),
        ],
        out_shape=[
            jax.ShapeDtypeStruct((NP, H), jnp.float32),
            jax.ShapeDtypeStruct((NP, H), jnp.float32),
        ],
    )(a0, a1, dinv, b1, w2)


def _fin(a0, a1, dinv, b2):
    return pl.pallas_call(
        _fin_body,
        grid=(_GRID,),
        in_specs=[
            pl.BlockSpec((_MB, H), lambda i: (i, 0)),
            pl.BlockSpec((_MB, H), lambda i: (i, 0)),
            pl.BlockSpec((1, _MB), lambda i: (0, i)),
            pl.BlockSpec((1, D), lambda i: (0, 0)),
        ],
        out_specs=pl.BlockSpec((_MB, D), lambda i: (i, 0)),
        out_shape=jax.ShapeDtypeStruct((NP, D), jnp.float32),
    )(a0, a1, dinv, b2)


@jax.jit
def kernel(x, edge_index, W1, b1, W2, b2):
    src = edge_index[0].astype(jnp.int32)
    dst = edge_index[1].astype(jnp.int32)
    pad = EP - E
    src_p = jnp.concatenate([src, jnp.zeros((pad,), jnp.int32)])
    dst_p = jnp.concatenate([dst, jnp.full((pad,), N, jnp.int32)])
    src3 = src_p.reshape(NT, CH_A, KA)
    dst3 = dst_p.reshape(NT, CH_A, KA)
    dst3d = dst_p.reshape(32, CH_D, KD)
    x_p = jnp.pad(x, ((0, NP - N), (0, 0)))

    degp = _deg_kernel(dst3d)
    g0, g1, dinv = _mm1(x_p, W1, degp)
    a0, a1 = _agg_kernel(g0, g1, src3, dst3)
    g0, g1 = _mid(a0, a1, dinv, b1[None, :], W2)
    a0, a1 = _agg_kernel(g0, g1, src3, dst3)
    out = _fin(a0, a1, dinv, b2[None, :])
    return out[:N]

# --- scband reference (transcript-rebuilt; emitter-appended) ---
"""Pipeline reference for scband-gcngfn-55559696941640 (READ-ONLY COPY).

The authoritative reference and input builder live on the scoring server;
editing this copy changes nothing except your own understanding.
"""

import jax, jax.numpy as jnp
import numpy as np

N = 10000
E = 160000
D_IN = 256
D_HID = 256
D_OUT = 256


def setup_inputs(seed: int = 0) -> dict:
    key = jax.random.key(seed)
    k1, k2, k3, k4, k5 = jax.random.split(key, 5)
    x = jax.random.normal(k1, (N, D_IN), dtype=jnp.float32)
    edge_index = jax.random.randint(k2, (2, E), 0, N)
    W1 = jax.random.normal(k3, (D_IN, D_HID), dtype=jnp.float32) * (1.0 / np.sqrt(D_IN))
    b1 = jnp.zeros((D_HID,), dtype=jnp.float32)
    W2 = jax.random.normal(k4, (D_HID, D_OUT), dtype=jnp.float32) * (1.0 / np.sqrt(D_HID))
    b2 = jnp.zeros((D_OUT,), dtype=jnp.float32)
    return {"x": x, "edge_index": edge_index, "W1": W1, "b1": b1, "W2": W2, "b2": b2}


def _gcn_layer(x, src, dst, W, b):
    # GCNConv with normalize=True: add self-loops, symmetric deg^-1/2 normalization,
    # linear transform, scatter-add aggregation over destination nodes, then bias.
    n = x.shape[0]
    loop = jnp.arange(n, dtype=src.dtype)
    s = jnp.concatenate([src, loop], axis=0)
    d = jnp.concatenate([dst, loop], axis=0)
    ones = jnp.ones((s.shape[0],), dtype=jnp.float32)
    deg = jax.ops.segment_sum(ones, d, num_segments=n)
    dinv = jnp.where(deg > 0, jax.lax.rsqrt(deg), 0.0)
    norm = dinv[s] * dinv[d]
    h = x @ W
    msg = h[s] * norm[:, None]
    out = jax.ops.segment_sum(msg, d, num_segments=n)
    return out + b


def reference(x, edge_index, W1, b1, W2, b2):
    # Eval-mode forward (forward_with_fixed_gfn): dropout is identity,
    # GFN edge sampler is fixed so edge_index1 == edge_index2 == edge_index.
    src = edge_index[0]
    dst = edge_index[1]
    h = jax.nn.relu(_gcn_layer(x, src, dst, W1, b1))
    out = _gcn_layer(h, src, dst, W2, b2)
    return out

if __name__ == "__main__":
    import jax
    _d = setup_inputs()
    print(jax.jit(kernel)(*tuple(_d.values())))

</pallas_src>

<mosaic_0001>
#map = affine_map<(d0, d1) -> (0, 0, 0)>
#map1 = affine_map<(d0, d1) -> (0, 0)>
module attributes {stable_mosaic.version = 14 : i64} {
  func.func @_deg_kernel(%arg0: i32, %arg1: i32, %arg2: memref<32x40x128xi32, #tpu.memory_space<hbm>>, %arg3: memref<2x10240xf32, #tpu.memory_space<hbm>>, %arg4: memref<40x128xi32, #tpu.memory_space<vmem>>, %arg5: memref<128xf32, #tpu.memory_space<vmem>>, %arg6: memref<640xf32, #tpu.memory_space<vmem>>, %arg7: memref<10240xf32, #tpu.memory_space<vmem_shared>>) attributes {dimension_semantics = [#tpu.dimension_semantics<core_parallel>, #tpu.dimension_semantics<subcore_parallel>], iteration_bounds = array<i64: 2, 16>, scalar_prefetch = 0 : i64, scratch_operands = 4 : i64, tpu.core_type = #tpu.core_type<sc_vector_subcore>, window_params = [{transform_indices = #map}, {transform_indices = #map1}]} {
    %mul3A = arith.constant 2 : i32
    %mul3A_0 = arith.muli %arg1, %mul3A : i32
    %add3A = arith.addi %mul3A_0, %arg0 : i32
    %eq3A = arith.constant 0 : i32
    %eq3A_1 = arith.cmpi eq, %arg0, %eq3A : i32
    %jit3A = arith.constant 1.000000e+00 : f32
    %jit3A_2 = arith.constant 0.000000e+00 : f32
    %select_n3A = arith.select %eq3A_1, %jit3A, %jit3A_2 : f32
    %scan3A = arith.constant 0 : i32
    %scan3A_3 = arith.constant 0 : i32
    %scan3A_4 = arith.constant 40 : i32
    %scan3A_5 = arith.addi %scan3A_3, %scan3A_4 : i32
    %scan3A_6 = arith.constant 1 : i32
    %scan3A_7 = scf.for %scan3A_69 = %scan3A_3 to %scan3A_5 step %scan3A_6 iter_args(%scan3A_70 = %scan3A) -> (i32)  : i32 {
      %broadcast_in_dim3A_71 = vector.broadcast %select_n3A : f32 to vector<16xf32>
      %mul3A_72 = arith.constant 16 : i32
      %mul3A_73 = arith.muli %scan3A_69, %mul3A_72 : i32
      %swap3A_74 = arith.index_cast %mul3A_73 : i32 to index
      %swap3A_75 = tpu.vector_load %arg6[%swap3A_74] {strides = array<i32>} : memref<640xf32, #tpu.memory_space<vmem>>, vector<16xf32>,
      %swap3A_76 = vector.shape_cast %swap3A_75 : vector<16xf32> to vector<16xf32>
      %swap3A_77 = vector.shape_cast %broadcast_in_dim3A_71 : vector<16xf32> to vector<16xf32>
      tpu.vector_store %arg6[%swap3A_74], %swap3A_77 {strides = array<i32>} : memref<640xf32, #tpu.memory_space<vmem>>, vector<16xf32>,
      %scan3A_78 = arith.constant 0 : i32
      scf.yield %scan3A_78 : i32
    }
    %scan3A_8 = arith.constant 40 : i32
    %broadcast_in_dim3A = arith.constant 1.000000e+00 : f32
    %broadcast_in_dim3A_9 = vector.broadcast %broadcast_in_dim3A : f32 to vector<16xf32>
    %swap3A = arith.constant 0 : index
    %swap3A_10 = tpu.vector_load %arg5[%swap3A] {strides = array<i32>} : memref<128xf32, #tpu.memory_space<vmem>>, vector<16xf32>,
    %swap3A_11 = vector.shape_cast %swap3A_10 : vector<16xf32> to vector<16xf32>
    %swap3A_12 = vector.shape_cast %broadcast_in_dim3A_9 : vector<16xf32> to vector<16xf32>
    tpu.vector_store %arg5[%swap3A], %swap3A_12 {strides = array<i32>} : memref<128xf32, #tpu.memory_space<vmem>>, vector<16xf32>,
    %broadcast_in_dim3A_13 = arith.constant 1.000000e+00 : f32
    %broadcast_in_dim3A_14 = vector.broadcast %broadcast_in_dim3A_13 : f32 to vector<16xf32>
    %swap3A_15 = arith.constant 16 : index
    %swap3A_16 = tpu.vector_load %arg5[%swap3A_15] {strides = array<i32>} : memref<128xf32, #tpu.memory_space<vmem>>, vector<16xf32>,
    %swap3A_17 = vector.shape_cast %swap3A_16 : vector<16xf32> to vector<16xf32>
    %swap3A_18 = vector.shape_cast %broadcast_in_dim3A_14 : vector<16xf32> to vector<16xf32>
    tpu.vector_store %arg5[%swap3A_15], %swap3A_18 {strides = array<i32>} : memref<128xf32, #tpu.memory_space<vmem>>, vector<16xf32>,
    %broadcast_in_dim3A_19 = arith.constant 1.000000e+00 : f32
    %broadcast_in_dim3A_20 = vector.broadcast %broadcast_in_dim3A_19 : f32 to vector<16xf32>
    %swap3A_21 = arith.constant 32 : index
    %swap3A_22 = tpu.vector_load %arg5[%swap3A_21] {strides = array<i32>} : memref<128xf32, #tpu.memory_space<vmem>>, vector<16xf32>,
    %swap3A_23 = vector.shape_cast %swap3A_22 : vector<16xf32> to vector<16xf32>
    %swap3A_24 = vector.shape_cast %broadcast_in_dim3A_20 : vector<16xf32> to vector<16xf32>
    tpu.vector_store %arg5[%swap3A_21], %swap3A_24 {strides = array<i32>} : memref<128xf32, #tpu.memory_space<vmem>>, vector<16xf32>,
    %broadcast_in_dim3A_25 = arith.constant 1.000000e+00 : f32
    %broadcast_in_dim3A_26 = vector.broadcast %broadcast_in_dim3A_25 : f32 to vector<16xf32>
    %swap3A_27 = arith.constant 48 : index
    %swap3A_28 = tpu.vector_load %arg5[%swap3A_27] {strides = array<i32>} : memref<128xf32, #tpu.memory_space<vmem>>, vector<16xf32>,
    %swap3A_29 = vector.shape_cast %swap3A_28 : vector<16xf32> to vector<16xf32>
    %swap3A_30 = vector.shape_cast %broadcast_in_dim3A_26 : vector<16xf32> to vector<16xf32>
    tpu.vector_store %arg5[%swap3A_27], %swap3A_30 {strides = array<i32>} : memref<128xf32, #tpu.memory_space<vmem>>, vector<16xf32>,
    %broadcast_in_dim3A_31 = arith.constant 1.000000e+00 : f32
    %broadcast_in_dim3A_32 = vector.broadcast %broadcast_in_dim3A_31 : f32 to vector<16xf32>
    %swap3A_33 = arith.constant 64 : index
    %swap3A_34 = tpu.vector_load %arg5[%swap3A_33] {strides = array<i32>} : memref<128xf32, #tpu.memory_space<vmem>>, vector<16xf32>,
    %swap3A_35 = vector.shape_cast %swap3A_34 : vector<16xf32> to vector<16xf32>
    %swap3A_36 = vector.shape_cast %broadcast_in_dim3A_32 : vector<16xf32> to vector<16xf32>
    tpu.vector_store %arg5[%swap3A_33], %swap3A_36 {strides = array<i32>} : memref<128xf32, #tpu.memory_space<vmem>>, vector<16xf32>,
    %broadcast_in_dim3A_37 = arith.constant 1.000000e+00 : f32
    %broadcast_in_dim3A_38 = vector.broadcast %broadcast_in_dim3A_37 : f32 to vector<16xf32>
    %swap3A_39 = arith.constant 80 : index
    %swap3A_40 = tpu.vector_load %arg5[%swap3A_39] {strides = array<i32>} : memref<128xf32, #tpu.memory_space<vmem>>, vector<16xf32>,
    %swap3A_41 = vector.shape_cast %swap3A_40 : vector<16xf32> to vector<16xf32>
    %swap3A_42 = vector.shape_cast %broadcast_in_dim3A_38 : vector<16xf32> to vector<16xf32>
    tpu.vector_store %arg5[%swap3A_39], %swap3A_42 {strides = array<i32>} : memref<128xf32, #tpu.memory_space<vmem>>, vector<16xf32>,
    %broadcast_in_dim3A_43 = arith.constant 1.000000e+00 : f32
    %broadcast_in_dim3A_44 = vector.broadcast %broadcast_in_dim3A_43 : f32 to vector<16xf32>
    %swap3A_45 = arith.constant 96 : index
    %swap3A_46 = tpu.vector_load %arg5[%swap3A_45] {strides = array<i32>} : memref<128xf32, #tpu.memory_space<vmem>>, vector<16xf32>,
    %swap3A_47 = vector.shape_cast %swap3A_46 : vector<16xf32> to vector<16xf32>
    %swap3A_48 = vector.shape_cast %broadcast_in_dim3A_44 : vector<16xf32> to vector<16xf32>
    tpu.vector_store %arg5[%swap3A_45], %swap3A_48 {strides = array<i32>} : memref<128xf32, #tpu.memory_space<vmem>>, vector<16xf32>,
    %broadcast_in_dim3A_49 = arith.constant 1.000000e+00 : f32
    %broadcast_in_dim3A_50 = vector.broadcast %broadcast_in_dim3A_49 : f32 to vector<16xf32>
    %swap3A_51 = arith.constant 112 : index
    %swap3A_52 = tpu.vector_load %arg5[%swap3A_51] {strides = array<i32>} : memref<128xf32, #tpu.memory_space<vmem>>, vector<16xf32>,
    %swap3A_53 = vector.shape_cast %swap3A_52 : vector<16xf32> to vector<16xf32>
    %swap3A_54 = vector.shape_cast %broadcast_in_dim3A_50 : vector<16xf32> to vector<16xf32>
    tpu.vector_store %arg5[%swap3A_51], %swap3A_54 {strides = array<i32>} : memref<128xf32, #tpu.memory_space<vmem>>, vector<16xf32>,
    %mul3A_55 = arith.constant 640 : i32
    %mul3A_56 = arith.muli %arg1, %mul3A_55 : i32
    "tpu.region"() ({
      %run_scoped3A = tpu.sem_alloc : memref<!tpu.dma_semaphore, #tpu.memory_space<semaphore_mem>>
      %dma_start3A = tpu.memref_slice %arg7[%mul3A_56] : memref<10240xf32, #tpu.memory_space<vmem_shared>> -> memref<640xf32, #tpu.memory_space<vmem_shared>>
      %dma_start3A_69 = tpu.memref_slice %arg7[%mul3A_56] : memref<10240xf32, #tpu.memory_space<vmem_shared>> -> memref<640xf32, #tpu.memory_space<vmem_shared>>
      tpu.enqueue_dma source(%arg6 : memref<640xf32, #tpu.memory_space<vmem>>) target(%dma_start3A_69 : memref<640xf32, #tpu.memory_space<vmem_shared>>) target_semaphore(%run_scoped3A : memref<!tpu.dma_semaphore, #tpu.memory_space<semaphore_mem>>)
      %dma_wait3A = tpu.memref_slice %arg7[%mul3A_56] : memref<10240xf32, #tpu.memory_space<vmem_shared>> -> memref<640xf32, #tpu.memory_space<vmem_shared>>
      %dma_wait3A_70 = tpu.memref_slice %arg7[%mul3A_56] : memref<10240xf32, #tpu.memory_space<vmem_shared>> -> memref<640xf32, #tpu.memory_space<vmem_shared>>
      tpu.wait_dma2 semaphore(%run_scoped3A : memref<!tpu.dma_semaphore, #tpu.memory_space<semaphore_mem>>) src(%arg6 : memref<640xf32, #tpu.memory_space<vmem>>) dst(%dma_wait3A_70 : memref<640xf32, #tpu.memory_space<vmem_shared>>)
      tpu.yield
    }) : () -> ()
    "tpu.region"() ({
      %run_scoped3A = tpu.sem_alloc : memref<!tpu.dma_semaphore, #tpu.memory_space<semaphore_mem>>
      %dma_start3A = arith.constant 0 : i32
      %dma_start3A_69 = arith.constant 0 : i32
      %dma_start3A_70 = tpu.memref_slice %arg2[%add3A, %dma_start3A, %dma_start3A_69] : memref<32x40x128xi32, #tpu.memory_space<hbm>> -> memref<1x40x128xi32, #tpu.memory_space<hbm>>
      %dma_start3A_71 = tpu.memref_squeeze %dma_start3A_70 : memref<1x40x128xi32, #tpu.memory_space<hbm>> -> memref<40x128xi32, #tpu.memory_space<hbm>>
      %dma_start3A_72 = arith.constant 0 : i32
      %dma_start3A_73 = arith.constant 0 : i32
      %dma_start3A_74 = tpu.memref_slice %arg2[%add3A, %dma_start3A_72, %dma_start3A_73] : memref<32x40x128xi32, #tpu.memory_space<hbm>> -> memref<1x40x128xi32, #tpu.memory_space<hbm>>
      %dma_start3A_75 = tpu.memref_squeeze %dma_start3A_74 : memref<1x40x128xi32, #tpu.memory_space<hbm>> -> memref<40x128xi32, #tpu.memory_space<hbm>>
      tpu.enqueue_dma source(%dma_start3A_75 : memref<40x128xi32, #tpu.memory_space<hbm>>) target(%arg4 : memref<40x128xi32, #tpu.memory_space<vmem>>) target_semaphore(%run_scoped3A : memref<!tpu.dma_semaphore, #tpu.memory_space<semaphore_mem>>)
      %dma_wait3A = arith.constant 0 : i32
      %dma_wait3A_76 = arith.constant 0 : i32
      %dma_wait3A_77 = tpu.memref_slice %arg2[%add3A, %dma_wait3A, %dma_wait3A_76] : memref<32x40x128xi32, #tpu.memory_space<hbm>> -> memref<1x40x128xi32, #tpu.memory_space<hbm>>
      %dma_wait3A_78 = tpu.memref_squeeze %dma_wait3A_77 : memref<1x40x128xi32, #tpu.memory_space<hbm>> -> memref<40x128xi32, #tpu.memory_space<hbm>>
      %dma_wait3A_79 = arith.constant 0 : i32
      %dma_wait3A_80 = arith.constant 0 : i32
      %dma_wait3A_81 = tpu.memref_slice %arg2[%add3A, %dma_wait3A_79, %dma_wait3A_80] : memref<32x40x128xi32, #tpu.memory_space<hbm>> -> memref<1x40x128xi32, #tpu.memory_space<hbm>>
      %dma_wait3A_82 = tpu.memref_squeeze %dma_wait3A_81 : memref<1x40x128xi32, #tpu.memory_space<hbm>> -> memref<40x128xi32, #tpu.memory_space<hbm>>
      tpu.wait_dma2 semaphore(%run_scoped3A : memref<!tpu.dma_semaphore, #tpu.memory_space<semaphore_mem>>) src(%dma_wait3A_82 : memref<40x128xi32, #tpu.memory_space<hbm>>) dst(%arg4 : memref<40x128xi32, #tpu.memory_space<vmem>>)
      tpu.yield
    }) : () -> ()
    %barrier3A = arith.constant 0 : index
    tpu.barrier barrier_id(%barrier3A)
    %scan3A_57 = arith.constant 0 : i32
    %scan3A_58 = arith.constant 0 : i32
    %scan3A_59 = arith.constant 40 : i32
    %scan3A_60 = arith.addi %scan3A_58, %scan3A_59 : i32
    %scan3A_61 = arith.constant 1 : i32
    %scan3A_62 = scf.for %scan3A_69 = %scan3A_58 to %scan3A_60 step %scan3A_61 iter_args(%scan3A_70 = %scan3A_57) -> (i32)  : i32 {
      "tpu.region"() ({
        %run_scoped3A = tpu.sem_alloc : memref<!tpu.dma_semaphore, #tpu.memory_space<semaphore_mem>>
        %dma_start3A = arith.constant 0 : i32
        %dma_start3A_72 = tpu.memref_slice %arg4[%scan3A_69, %dma_start3A] : memref<40x128xi32, #tpu.memory_space<vmem>> -> memref<1x128xi32, #tpu.memory_space<vmem>>
        %dma_start3A_73 = tpu.memref_squeeze %dma_start3A_72 : memref<1x128xi32, #tpu.memory_space<vmem>> -> memref<128xi32, #tpu.memory_space<vmem>>
        %dma_start3A_74 = arith.constant 0 : i32
        %dma_start3A_75 = tpu.memref_slice %arg7[%dma_start3A_74] : memref<10240xf32, #tpu.memory_space<vmem_shared>> -> memref<10240xf32, #tpu.memory_space<vmem_shared>>
        tpu.enqueue_indirect_dma source(%arg5 : memref<128xf32, #tpu.memory_space<vmem>>) target(%dma_start3A_75 : memref<10240xf32, #tpu.memory_space<vmem_shared>>) offsets(%dma_start3A_73 : memref<128xi32, #tpu.memory_space<vmem>>) semaphore(%run_scoped3A : memref<!tpu.dma_semaphore, #tpu.memory_space<semaphore_mem>>) {add = true}
        %dma_wait3A = arith.constant 0 : i32
        %dma_wait3A_76 = tpu.memref_slice %arg4[%scan3A_69, %dma_wait3A] : memref<40x128xi32, #tpu.memory_space<vmem>> -> memref<1x128xi32, #tpu.memory_space<vmem>>
        %dma_wait3A_77 = tpu.memref_squeeze %dma_wait3A_76 : memref<1x128xi32, #tpu.memory_space<vmem>> -> memref<128xi32, #tpu.memory_space<vmem>>
        %dma_wait3A_78 = arith.constant 0 : i32
        %dma_wait3A_79 = tpu.memref_slice %arg7[%dma_wait3A_78] : memref<10240xf32, #tpu.memory_space<vmem_shared>> -> memref<10240xf32, #tpu.memory_space<vmem_shared>>
        tpu.wait_indirect_dma semaphore(%run_scoped3A : memref<!tpu.dma_semaphore, #tpu.memory_space<semaphore_mem>>) src(%arg5 : memref<128xf32, #tpu.memory_space<vmem>>) dst(%dma_wait3A_79 : memref<10240xf32, #tpu.memory_space<vmem_shared>>)
        tpu.yield
      }) : () -> ()
      %scan3A_71 = arith.constant 0 : i32
      scf.yield %scan3A_71 : i32
    }
    %scan3A_63 = arith.constant 40 : i32
    %barrier3A_64 = arith.constant 0 : index
    tpu.barrier barrier_id(%barrier3A_64)
    %mul3A_65 = arith.constant 640 : i32
    %mul3A_66 = arith.muli %arg1, %mul3A_65 : i32
    %mul3A_67 = arith.constant 640 : i32
    %mul3A_68 = arith.muli %arg1, %mul3A_67 : i32
    "tpu.region"() ({
      %run_scoped3A = tpu.sem_alloc : memref<!tpu.dma_semaphore, #tpu.memory_space<semaphore_mem>>
      %dma_start3A = tpu.memref_slice %arg3[%arg0, %mul3A_68] : memref<2x10240xf32, #tpu.memory_space<hbm>> -> memref<1x640xf32, #tpu.memory_space<hbm>>
      %dma_start3A_69 = tpu.memref_squeeze %dma_start3A : memref<1x640xf32, #tpu.memory_space<hbm>> -> memref<640xf32, #tpu.memory_space<hbm>>
      %dma_start3A_70 = tpu.memref_slice %arg7[%mul3A_66] : memref<10240xf32, #tpu.memory_space<vmem_shared>> -> memref<640xf32, #tpu.memory_space<vmem_shared>>
      tpu.enqueue_dma source(%dma_start3A_70 : memref<640xf32, #tpu.memory_space<vmem_shared>>) target(%dma_start3A_69 : memref<640xf32, #tpu.memory_space<hbm>>) target_semaphore(%run_scoped3A : memref<!tpu.dma_semaphore, #tpu.memory_space<semaphore_mem>>)
      %dma_wait3A = tpu.memref_slice %arg3[%arg0, %mul3A_68] : memref<2x10240xf32, #tpu.memory_space<hbm>> -> memref<1x640xf32, #tpu.memory_space<hbm>>
      %dma_wait3A_71 = tpu.memref_squeeze %dma_wait3A : memref<1x640xf32, #tpu.memory_space<hbm>> -> memref<640xf32, #tpu.memory_space<hbm>>
      %dma_wait3A_72 = tpu.memref_slice %arg7[%mul3A_66] : memref<10240xf32, #tpu.memory_space<vmem_shared>> -> memref<640xf32, #tpu.memory_space<vmem_shared>>
      tpu.wait_dma2 semaphore(%run_scoped3A : memref<!tpu.dma_semaphore, #tpu.memory_space<semaphore_mem>>) src(%dma_wait3A_72 : memref<640xf32, #tpu.memory_space<vmem_shared>>) dst(%dma_wait3A_71 : memref<640xf32, #tpu.memory_space<hbm>>)
      tpu.yield
    }) : () -> ()
    return
  }
}

#map = affine_map<(d0, d1) -> (0, 0)>
#map1 = affine_map<(d0, d1) -> (0, 0, 0)>
module attributes {stable_mosaic.version = 14 : i64} {
  func.func @_agg_kernel(%arg0: i32, %arg1: i32, %arg2: memref<10240x128xf32, #tpu.memory_space<hbm>>, %arg3: memref<10240x128xf32, #tpu.memory_space<hbm>>, %arg4: memref<16x160x64xi32, #tpu.memory_space<hbm>>, %arg5: memref<16x160x64xi32, #tpu.memory_space<hbm>>, %arg6: memref<10240x128xf32, #tpu.memory_space<hbm>>, %arg7: memref<10240x128xf32, #tpu.memory_space<hbm>>, %arg8: memref<16x64xi32, #tpu.memory_space<vmem>>, %arg9: memref<16x64xi32, #tpu.memory_space<vmem>>, %arg10: memref<64x128xf32, #tpu.memory_space<vmem>>, %arg11: memref<64x128xf32, #tpu.memory_space<vmem>>, %arg12: memref<10240x128xf32, #tpu.memory_space<vmem_shared>>, %arg13: memref<!tpu.dma_semaphore, #tpu.memory_space<semaphore_mem>>, %arg14: memref<!tpu.dma_semaphore, #tpu.memory_space<semaphore_mem>>) attributes {dimension_semantics = [#tpu.dimension_semantics<core_parallel>, #tpu.dimension_semantics<subcore_parallel>], iteration_bounds = array<i64: 2, 16>, scalar_prefetch = 0 : i64, scratch_operands = 7 : i64, tpu.core_type = #tpu.core_type<sc_vector_subcore>, window_params = [{transform_indices = #map}, {transform_indices = #map}, {transform_indices = #map1}, {transform_indices = #map1}, {transform_indices = #map}, {transform_indices = #map}]} {
    %eq3A = arith.constant 0 : i32
    %eq3A_0 = arith.cmpi eq, %arg0, %eq3A : i32
    %convert_element_type3A = arith.extui %eq3A_0 : i1 to i32
    %cond3A = arith.constant 0 : i32
    %cond3A_1 = arith.cmpi ne, %convert_element_type3A, %cond3A : i32
    scf.if %cond3A_1 {
      %mul3A = arith.constant 640 : i32
      %mul3A_7 = arith.muli %arg1, %mul3A : i32
      %mul3A_8 = arith.constant 640 : i32
      %mul3A_9 = arith.muli %arg1, %mul3A_8 : i32
      "tpu.region"() ({
        %run_scoped3A = tpu.sem_alloc : memref<!tpu.dma_semaphore, #tpu.memory_space<semaphore_mem>>
        %dma_start3A = arith.constant 0 : i32
        %dma_start3A_21 = tpu.memref_slice %arg12[%mul3A_9, %dma_start3A] : memref<10240x128xf32, #tpu.memory_space<vmem_shared>> -> memref<640x128xf32, #tpu.memory_space<vmem_shared>>
        %dma_start3A_22 = arith.constant 0 : i32
        %dma_start3A_23 = tpu.memref_slice %arg2[%mul3A_7, %dma_start3A_22] : memref<10240x128xf32, #tpu.memory_space<hbm>> -> memref<640x128xf32, #tpu.memory_space<hbm>>
        tpu.enqueue_dma source(%dma_start3A_23 : memref<640x128xf32, #tpu.memory_space<hbm>>) target(%dma_start3A_21 : memref<640x128xf32, #tpu.memory_space<vmem_shared>>) target_semaphore(%run_scoped3A : memref<!tpu.dma_semaphore, #tpu.memory_space<semaphore_mem>>)
        %dma_wait3A = arith.constant 0 : i32
        %dma_wait3A_24 = tpu.memref_slice %arg12[%mul3A_9, %dma_wait3A] : memref<10240x128xf32, #tpu.memory_space<vmem_shared>> -> memref<640x128xf32, #tpu.memory_space<vmem_shared>>
        %dma_wait3A_25 = arith.constant 0 : i32
        %dma_wait3A_26 = tpu.memref_slice %arg2[%mul3A_7, %dma_wait3A_25] : memref<10240x128xf32, #tpu.memory_space<hbm>> -> memref<640x128xf32, #tpu.memory_space<hbm>>
        tpu.wait_dma2 semaphore(%run_scoped3A : memref<!tpu.dma_semaphore, #tpu.memory_space<semaphore_mem>>) src(%dma_wait3A_26 : memref<640x128xf32, #tpu.memory_space<hbm>>) dst(%dma_wait3A_24 : memref<640x128xf32, #tpu.memory_space<vmem_shared>>)
        tpu.yield
      }) : () -> ()
      %barrier3A = arith.constant 0 : index
      tpu.barrier barrier_id(%barrier3A)
      %scan3A = arith.constant 0 : i32
      %scan3A_10 = arith.constant 0 : i32
      %scan3A_11 = arith.constant 10 : i32
      %scan3A_12 = arith.addi %scan3A_10, %scan3A_11 : i32
      %scan3A_13 = arith.constant 1 : i32
      %scan3A_14 = scf.for %scan3A_21 = %scan3A_10 to %scan3A_12 step %scan3A_13 iter_args(%scan3A_22 = %scan3A) -> (i32)  : i32 {
        %mul3A_23 = arith.constant 16 : i32
        %mul3A_24 = arith.muli %scan3A_21, %mul3A_23 : i32
        "tpu.region"() ({
          %run_scoped3A = tpu.sem_alloc : memref<!tpu.dma_semaphore, #tpu.memory_space<semaphore_mem>>
          %dma_start3A = arith.constant 0 : i32
          %dma_start3A_35 = tpu.memref_slice %arg4[%arg1, %mul3A_24, %dma_start3A] : memref<16x160x64xi32, #tpu.memory_space<hbm>> -> memref<1x16x64xi32, #tpu.memory_space<hbm>>
          %dma_start3A_36 = tpu.memref_squeeze %dma_start3A_35 : memref<1x16x64xi32, #tpu.memory_space<hbm>> -> memref<16x64xi32, #tpu.memory_space<hbm>>
          %dma_start3A_37 = arith.constant 0 : i32
          %dma_start3A_38 = tpu.memref_slice %arg4[%arg1, %mul3A_24, %dma_start3A_37] : memref<16x160x64xi32, #tpu.memory_space<hbm>> -> memref<1x16x64xi32, #tpu.memory_space<hbm>>
          %dma_start3A_39 = tpu.memref_squeeze %dma_start3A_38 : memref<1x16x64xi32, #tpu.memory_space<hbm>> -> memref<16x64xi32, #tpu.memory_space<hbm>>
          tpu.enqueue_dma source(%dma_start3A_39 : memref<16x64xi32, #tpu.memory_space<hbm>>) target(%arg8 : memref<16x64xi32, #tpu.memory_space<vmem>>) target_semaphore(%run_scoped3A : memref<!tpu.dma_semaphore, #tpu.memory_space<semaphore_mem>>)
          %dma_wait3A = arith.constant 0 : i32
          %dma_wait3A_40 = tpu.memref_slice %arg4[%arg1, %mul3A_24, %dma_wait3A] : memref<16x160x64xi32, #tpu.memory_space<hbm>> -> memref<1x16x64xi32, #tpu.memory_space<hbm>>
          %dma_wait3A_41 = tpu.memref_squeeze %dma_wait3A_40 : memref<1x16x64xi32, #tpu.memory_space<hbm>> -> memref<16x64xi32, #tpu.memory_space<hbm>>
          %dma_wait3A_42 = arith.constant 0 : i32
          %dma_wait3A_43 = tpu.memref_slice %arg4[%arg1, %mul3A_24, %dma_wait3A_42] : memref<16x160x64xi32, #tpu.memory_space<hbm>> -> memref<1x16x64xi32, #tpu.memory_space<hbm>>
          %dma_wait3A_44 = tpu.memref_squeeze %dma_wait3A_43 : memref<1x16x64xi32, #tpu.memory_space<hbm>> -> memref<16x64xi32, #tpu.memory_space<hbm>>
          tpu.wait_dma2 semaphore(%run_scoped3A : memref<!tpu.dma_semaphore, #tpu.memory_space<semaphore_mem>>) src(%dma_wait3A_44 : memref<16x64xi32, #tpu.memory_space<hbm>>) dst(%arg8 : memref<16x64xi32, #tpu.memory_space<vmem>>)
          tpu.yield
        }) : () -> ()
        %mul3A_25 = arith.constant 16 : i32
        %mul3A_26 = arith.muli %scan3A_21, %mul3A_25 : i32
        "tpu.region"() ({
          %run_scoped3A = tpu.sem_alloc : memref<!tpu.dma_semaphore, #tpu.memory_space<semaphore_mem>>
          %dma_start3A = arith.constant 0 : i32
          %dma_start3A_35 = tpu.memref_slice %arg5[%arg1, %mul3A_26, %dma_start3A] : memref<16x160x64xi32, #tpu.memory_space<hbm>> -> memref<1x16x64xi32, #tpu.memory_space<hbm>>
          %dma_start3A_36 = tpu.memref_squeeze %dma_start3A_35 : memref<1x16x64xi32, #tpu.memory_space<hbm>> -> memref<16x64xi32, #tpu.memory_space<hbm>>
          %dma_start3A_37 = arith.constant 0 : i32
          %dma_start3A_38 = tpu.memref_slice %arg5[%arg1, %mul3A_26, %dma_start3A_37] : memref<16x160x64xi32, #tpu.memory_space<hbm>> -> memref<1x16x64xi32, #tpu.memory_space<hbm>>
          %dma_start3A_39 = tpu.memref_squeeze %dma_start3A_38 : memref<1x16x64xi32, #tpu.memory_space<hbm>> -> memref<16x64xi32, #tpu.memory_space<hbm>>
          tpu.enqueue_dma source(%dma_start3A_39 : memref<16x64xi32, #tpu.memory_space<hbm>>) target(%arg9 : memref<16x64xi32, #tpu.memory_space<vmem>>) target_semaphore(%run_scoped3A : memref<!tpu.dma_semaphore, #tpu.memory_space<semaphore_mem>>)
          %dma_wait3A = arith.constant 0 : i32
          %dma_wait3A_40 = tpu.memref_slice %arg5[%arg1, %mul3A_26, %dma_wait3A] : memref<16x160x64xi32, #tpu.memory_space<hbm>> -> memref<1x16x64xi32, #tpu.memory_space<hbm>>
          %dma_wait3A_41 = tpu.memref_squeeze %dma_wait3A_40 : memref<1x16x64xi32, #tpu.memory_space<hbm>> -> memref<16x64xi32, #tpu.memory_space<hbm>>
          %dma_wait3A_42 = arith.constant 0 : i32
          %dma_wait3A_43 = tpu.memref_slice %arg5[%arg1, %mul3A_26, %dma_wait3A_42] : memref<16x160x64xi32, #tpu.memory_space<hbm>> -> memref<1x16x64xi32, #tpu.memory_space<hbm>>
          %dma_wait3A_44 = tpu.memref_squeeze %dma_wait3A_43 : memref<1x16x64xi32, #tpu.memory_space<hbm>> -> memref<16x64xi32, #tpu.memory_space<hbm>>
          tpu.wait_dma2 semaphore(%run_scoped3A : memref<!tpu.dma_semaphore, #tpu.memory_space<semaphore_mem>>) src(%dma_wait3A_44 : memref<16x64xi32, #tpu.memory_space<hbm>>) dst(%arg9 : memref<16x64xi32, #tpu.memory_space<vmem>>)
          tpu.yield
        }) : () -> ()
        %scan3A_27 = arith.constant 0 : i32
        %scan3A_28 = arith.constant 0 : i32
        %scan3A_29 = arith.constant 8 : i32
        %scan3A_30 = arith.addi %scan3A_28, %scan3A_29 : i32
        %scan3A_31 = arith.constant 1 : i32
        %scan3A_32 = scf.for %scan3A_35 = %scan3A_28 to %scan3A_30 step %scan3A_31 iter_args(%scan3A_36 = %scan3A_27) -> (i32)  : i32 {
          %mul3A_37 = arith.constant 2 : i32
          %mul3A_38 = arith.muli %mul3A_37, %scan3A_35 : i32
          %dma_start3A = arith.constant 0 : i32
          %dma_start3A_39 = tpu.memref_slice %arg8[%mul3A_38, %dma_start3A] : memref<16x64xi32, #tpu.memory_space<vmem>> -> memref<1x64xi32, #tpu.memory_space<vmem>>
          %dma_start3A_40 = tpu.memref_squeeze %dma_start3A_39 : memref<1x64xi32, #tpu.memory_space<vmem>> -> memref<64xi32, #tpu.memory_space<vmem>>
          %dma_start3A_41 = arith.constant 0 : i32
          %dma_start3A_42 = arith.constant 0 : i32
          %dma_start3A_43 = tpu.memref_slice %arg2[%dma_start3A_41, %dma_start3A_42] : memref<10240x128xf32, #tpu.memory_space<hbm>> -> memref<10240x128xf32, #tpu.memory_space<hbm>>
          tpu.enqueue_indirect_dma source(%dma_start3A_43 : memref<10240x128xf32, #tpu.memory_space<hbm>>) target(%arg10 : memref<64x128xf32, #tpu.memory_space<vmem>>) offsets(%dma_start3A_40 : memref<64xi32, #tpu.memory_space<vmem>>) semaphore(%arg13 : memref<!tpu.dma_semaphore, #tpu.memory_space<semaphore_mem>>)
          %add3A = arith.constant 1 : i32
          %add3A_44 = arith.addi %mul3A_38, %add3A : i32
          %dma_start3A_45 = arith.constant 0 : i32
          %dma_start3A_46 = tpu.memref_slice %arg8[%add3A_44, %dma_start3A_45] : memref<16x64xi32, #tpu.memory_space<vmem>> -> memref<1x64xi32, #tpu.memory_space<vmem>>
          %dma_start3A_47 = tpu.memref_squeeze %dma_start3A_46 : memref<1x64xi32, #tpu.memory_space<vmem>> -> memref<64xi32, #tpu.memory_space<vmem>>
          %dma_start3A_48 = arith.constant 0 : i32
          %dma_start3A_49 = arith.constant 0 : i32
          %dma_start3A_50 = tpu.memref_slice %arg2[%dma_start3A_48, %dma_start3A_49] : memref<10240x128xf32, #tpu.memory_space<hbm>> -> memref<10240x128xf32, #tpu.memory_space<hbm>>
          tpu.enqueue_indirect_dma source(%dma_start3A_50 : memref<10240x128xf32, #tpu.memory_space<hbm>>) target(%arg11 : memref<64x128xf32, #tpu.memory_space<vmem>>) offsets(%dma_start3A_47 : memref<64xi32, #tpu.memory_space<vmem>>) semaphore(%arg14 : memref<!tpu.dma_semaphore, #tpu.memory_space<semaphore_mem>>)
          %dma_wait3A = arith.constant 0 : i32
          %dma_wait3A_51 = tpu.memref_slice %arg8[%mul3A_38, %dma_wait3A] : memref<16x64xi32, #tpu.memory_space<vmem>> -> memref<1x64xi32, #tpu.memory_space<vmem>>
          %dma_wait3A_52 = tpu.memref_squeeze %dma_wait3A_51 : memref<1x64xi32, #tpu.memory_space<vmem>> -> memref<64xi32, #tpu.memory_space<vmem>>
          %dma_wait3A_53 = arith.constant 0 : i32
          %dma_wait3A_54 = arith.constant 0 : i32
          %dma_wait3A_55 = tpu.memref_slice %arg2[%dma_wait3A_53, %dma_wait3A_54] : memref<10240x128xf32, #tpu.memory_space<hbm>> -> memref<10240x128xf32, #tpu.memory_space<hbm>>
          tpu.wait_indirect_dma semaphore(%arg13 : memref<!tpu.dma_semaphore, #tpu.memory_space<semaphore_mem>>) src(%dma_wait3A_55 : memref<10240x128xf32, #tpu.memory_space<hbm>>) dst(%arg10 : memref<64x128xf32, #tpu.memory_space<vmem>>)
          "tpu.region"() ({
            %run_scoped3A = tpu.sem_alloc : memref<!tpu.dma_semaphore, #tpu.memory_space<semaphore_mem>>
            %dma_start3A_65 = arith.constant 0 : i32
            %dma_start3A_66 = tpu.memref_slice %arg9[%mul3A_38, %dma_start3A_65] : memref<16x64xi32, #tpu.memory_space<vmem>> -> memref<1x64xi32, #tpu.memory_space<vmem>>
            %dma_start3A_67 = tpu.memref_squeeze %dma_start3A_66 : memref<1x64xi32, #tpu.memory_space<vmem>> -> memref<64xi32, #tpu.memory_space<vmem>>
            %dma_start3A_68 = arith.constant 0 : i32
            %dma_start3A_69 = arith.constant 0 : i32
            %dma_start3A_70 = tpu.memref_slice %arg12[%dma_start3A_68, %dma_start3A_69] : memref<10240x128xf32, #tpu.memory_space<vmem_shared>> -> memref<10240x128xf32, #tpu.memory_space<vmem_shared>>
            tpu.enqueue_indirect_dma source(%arg10 : memref<64x128xf32, #tpu.memory_space<vmem>>) target(%dma_start3A_70 : memref<10240x128xf32, #tpu.memory_space<vmem_shared>>) offsets(%dma_start3A_67 : memref<64xi32, #tpu.memory_space<vmem>>) semaphore(%run_scoped3A : memref<!tpu.dma_semaphore, #tpu.memory_space<semaphore_mem>>) {add = true}
            %dma_wait3A_71 = arith.constant 0 : i32
            %dma_wait3A_72 = tpu.memref_slice %arg9[%mul3A_38, %dma_wait3A_71] : memref<16x64xi32, #tpu.memory_space<vmem>> -> memref<1x64xi32, #tpu.memory_space<vmem>>
            %dma_wait3A_73 = tpu.memref_squeeze %dma_wait3A_72 : memref<1x64xi32, #tpu.memory_space<vmem>> -> memref<64xi32, #tpu.memory_space<vmem>>
            %dma_wait3A_74 = arith.constant 0 : i32
            %dma_wait3A_75 = arith.constant 0 : i32
            %dma_wait3A_76 = tpu.memref_slice %arg12[%dma_wait3A_74, %dma_wait3A_75] : memref<10240x128xf32, #tpu.memory_space<vmem_shared>> -> memref<10240x128xf32, #tpu.memory_space<vmem_shared>>
            tpu.wait_indirect_dma semaphore(%run_scoped3A : memref<!tpu.dma_semaphore, #tpu.memory_space<semaphore_mem>>) src(%arg10 : memref<64x128xf32, #tpu.memory_space<vmem>>) dst(%dma_wait3A_76 : memref<10240x128xf32, #tpu.memory_space<vmem_shared>>)
            tpu.yield
          }) : () -> ()
          %dma_wait3A_56 = arith.constant 0 : i32
          %dma_wait3A_57 = tpu.memref_slice %arg8[%add3A_44, %dma_wait3A_56] : memref<16x64xi32, #tpu.memory_space<vmem>> -> memref<1x64xi32, #tpu.memory_space<vmem>>
          %dma_wait3A_58 = tpu.memref_squeeze %dma_wait3A_57 : memref<1x64xi32, #tpu.memory_space<vmem>> -> memref<64xi32, #tpu.memory_space<vmem>>
          %dma_wait3A_59 = arith.constant 0 : i32
          %dma_wait3A_60 = arith.constant 0 : i32
          %dma_wait3A_61 = tpu.memref_slice %arg2[%dma_wait3A_59, %dma_wait3A_60] : memref<10240x128xf32, #tpu.memory_space<hbm>> -> memref<10240x128xf32, #tpu.memory_space<hbm>>
          tpu.wait_indirect_dma semaphore(%arg14 : memref<!tpu.dma_semaphore, #tpu.memory_space<semaphore_mem>>) src(%dma_wait3A_61 : memref<10240x128xf32, #tpu.memory_space<hbm>>) dst(%arg11 : memref<64x128xf32, #tpu.memory_space<vmem>>)
          %add3A_62 = arith.constant 1 : i32
          %add3A_63 = arith.addi %mul3A_38, %add3A_62 : i32
          "tpu.region"() ({
            %run_scoped3A = tpu.sem_alloc : memref<!tpu.dma_semaphore, #tpu.memory_space<semaphore_mem>>
            %dma_start3A_65 = arith.constant 0 : i32
            %dma_start3A_66 = tpu.memref_slice %arg9[%add3A_63, %dma_start3A_65] : memref<16x64xi32, #tpu.memory_space<vmem>> -> memref<1x64xi32, #tpu.memory_space<vmem>>
            %dma_start3A_67 = tpu.memref_squeeze %dma_start3A_66 : memref<1x64xi32, #tpu.memory_space<vmem>> -> memref<64xi32, #tpu.memory_space<vmem>>
            %dma_start3A_68 = arith.constant 0 : i32
            %dma_start3A_69 = arith.constant 0 : i32
            %dma_start3A_70 = tpu.memref_slice %arg12[%dma_start3A_68, %dma_start3A_69] : memref<10240x128xf32, #tpu.memory_space<vmem_shared>> -> memref<10240x128xf32, #tpu.memory_space<vmem_shared>>
            tpu.enqueue_indirect_dma source(%arg11 : memref<64x128xf32, #tpu.memory_space<vmem>>) target(%dma_start3A_70 : memref<10240x128xf32, #tpu.memory_space<vmem_shared>>) offsets(%dma_start3A_67 : memref<64xi32, #tpu.memory_space<vmem>>) semaphore(%run_scoped3A : memref<!tpu.dma_semaphore, #tpu.memory_space<semaphore_mem>>) {add = true}
            %dma_wait3A_71 = arith.constant 0 : i32
            %dma_wait3A_72 = tpu.memref_slice %arg9[%add3A_63, %dma_wait3A_71] : memref<16x64xi32, #tpu.memory_space<vmem>> -> memref<1x64xi32, #tpu.memory_space<vmem>>
            %dma_wait3A_73 = tpu.memref_squeeze %dma_wait3A_72 : memref<1x64xi32, #tpu.memory_space<vmem>> -> memref<64xi32, #tpu.memory_space<vmem>>
            %dma_wait3A_74 = arith.constant 0 : i32
            %dma_wait3A_75 = arith.constant 0 : i32
            %dma_wait3A_76 = tpu.memref_slice %arg12[%dma_wait3A_74, %dma_wait3A_75] : memref<10240x128xf32, #tpu.memory_space<vmem_shared>> -> memref<10240x128xf32, #tpu.memory_space<vmem_shared>>
            tpu.wait_indirect_dma semaphore(%run_scoped3A : memref<!tpu.dma_semaphore, #tpu.memory_space<semaphore_mem>>) src(%arg11 : memref<64x128xf32, #tpu.memory_space<vmem>>) dst(%dma_wait3A_76 : memref<10240x128xf32, #tpu.memory_space<vmem_shared>>)
            tpu.yield
          }) : () -> ()
          %scan3A_64 = arith.constant 0 : i32
          scf.yield %scan3A_64 : i32
        }
        %scan3A_33 = arith.constant 8 : i32
        %scan3A_34 = arith.constant 0 : i32
        scf.yield %scan3A_34 : i32
      }
      %scan3A_15 = arith.constant 10 : i32
      %barrier3A_16 = arith.constant 0 : index
      tpu.barrier barrier_id(%barrier3A_16)
      %mul3A_17 = arith.constant 640 : i32
      %mul3A_18 = arith.muli %arg1, %mul3A_17 : i32
      %mul3A_19 = arith.constant 640 : i32
      %mul3A_20 = arith.muli %arg1, %mul3A_19 : i32
      "tpu.region"() ({
        %run_scoped3A = tpu.sem_alloc : memref<!tpu.dma_semaphore, #tpu.memory_space<semaphore_mem>>
        %dma_start3A = arith.constant 0 : i32
        %dma_start3A_21 = tpu.memref_slice %arg6[%mul3A_20, %dma_start3A] : memref<10240x128xf32, #tpu.memory_space<hbm>> -> memref<640x128xf32, #tpu.memory_space<hbm>>
        %dma_start3A_22 = arith.constant 0 : i32
        %dma_start3A_23 = tpu.memref_slice %arg12[%mul3A_18, %dma_start3A_22] : memref<10240x128xf32, #tpu.memory_space<vmem_shared>> -> memref<640x128xf32, #tpu.memory_space<vmem_shared>>
        tpu.enqueue_dma source(%dma_start3A_23 : memref<640x128xf32, #tpu.memory_space<vmem_shared>>) target(%dma_start3A_21 : memref<640x128xf32, #tpu.memory_space<hbm>>) target_semaphore(%run_scoped3A : memref<!tpu.dma_semaphore, #tpu.memory_space<semaphore_mem>>)
        %dma_wait3A = arith.constant 0 : i32
        %dma_wait3A_24 = tpu.memref_slice %arg6[%mul3A_20, %dma_wait3A] : memref<10240x128xf32, #tpu.memory_space<hbm>> -> memref<640x128xf32, #tpu.memory_space<hbm>>
        %dma_wait3A_25 = arith.constant 0 : i32
        %dma_wait3A_26 = tpu.memref_slice %arg12[%mul3A_18, %dma_wait3A_25] : memref<10240x128xf32, #tpu.memory_space<vmem_shared>> -> memref<640x128xf32, #tpu.memory_space<vmem_shared>>
        tpu.wait_dma2 semaphore(%run_scoped3A : memref<!tpu.dma_semaphore, #tpu.memory_space<semaphore_mem>>) src(%dma_wait3A_26 : memref<640x128xf32, #tpu.memory_space<vmem_shared>>) dst(%dma_wait3A_24 : memref<640x128xf32, #tpu.memory_space<hbm>>)
        tpu.yield
      }) : () -> ()
    } else {
    }
    %eq3A_2 = arith.constant 1 : i32
    %eq3A_3 = arith.cmpi eq, %arg0, %eq3A_2 : i32
    %convert_element_type3A_4 = arith.extui %eq3A_3 : i1 to i32
    %cond3A_5 = arith.constant 0 : i32
    %cond3A_6 = arith.cmpi ne, %convert_element_type3A_4, %cond3A_5 : i32
    scf.if %cond3A_6 {
      %mul3A = arith.constant 640 : i32
      %mul3A_7 = arith.muli %arg1, %mul3A : i32
      %mul3A_8 = arith.constant 640 : i32
      %mul3A_9 = arith.muli %arg1, %mul3A_8 : i32
      "tpu.region"() ({
        %run_scoped3A = tpu.sem_alloc : memref<!tpu.dma_semaphore, #tpu.memory_space<semaphore_mem>>
        %dma_start3A = arith.constant 0 : i32
        %dma_start3A_21 = tpu.memref_slice %arg12[%mul3A_9, %dma_start3A] : memref<10240x128xf32, #tpu.memory_space<vmem_shared>> -> memref<640x128xf32, #tpu.memory_space<vmem_shared>>
        %dma_start3A_22 = arith.constant 0 : i32
        %dma_start3A_23 = tpu.memref_slice %arg3[%mul3A_7, %dma_start3A_22] : memref<10240x128xf32, #tpu.memory_space<hbm>> -> memref<640x128xf32, #tpu.memory_space<hbm>>
        tpu.enqueue_dma source(%dma_start3A_23 : memref<640x128xf32, #tpu.memory_space<hbm>>) target(%dma_start3A_21 : memref<640x128xf32, #tpu.memory_space<vmem_shared>>) target_semaphore(%run_scoped3A : memref<!tpu.dma_semaphore, #tpu.memory_space<semaphore_mem>>)
        %dma_wait3A = arith.constant 0 : i32
        %dma_wait3A_24 = tpu.memref_slice %arg12[%mul3A_9, %dma_wait3A] : memref<10240x128xf32, #tpu.memory_space<vmem_shared>> -> memref<640x128xf32, #tpu.memory_space<vmem_shared>>
        %dma_wait3A_25 = arith.constant 0 : i32
        %dma_wait3A_26 = tpu.memref_slice %arg3[%mul3A_7, %dma_wait3A_25] : memref<10240x128xf32, #tpu.memory_space<hbm>> -> memref<640x128xf32, #tpu.memory_space<hbm>>
        tpu.wait_dma2 semaphore(%run_scoped3A : memref<!tpu.dma_semaphore, #tpu.memory_space<semaphore_mem>>) src(%dma_wait3A_26 : memref<640x128xf32, #tpu.memory_space<hbm>>) dst(%dma_wait3A_24 : memref<640x128xf32, #tpu.memory_space<vmem_shared>>)
        tpu.yield
      }) : () -> ()
      %barrier3A = arith.constant 0 : index
      tpu.barrier barrier_id(%barrier3A)
      %scan3A = arith.constant 0 : i32
      %scan3A_10 = arith.constant 0 : i32
      %scan3A_11 = arith.constant 10 : i32
      %scan3A_12 = arith.addi %scan3A_10, %scan3A_11 : i32
      %scan3A_13 = arith.constant 1 : i32
      %scan3A_14 = scf.for %scan3A_21 = %scan3A_10 to %scan3A_12 step %scan3A_13 iter_args(%scan3A_22 = %scan3A) -> (i32)  : i32 {
        %mul3A_23 = arith.constant 16 : i32
        %mul3A_24 = arith.muli %scan3A_21, %mul3A_23 : i32
        "tpu.region"() ({
          %run_scoped3A = tpu.sem_alloc : memref<!tpu.dma_semaphore, #tpu.memory_space<semaphore_mem>>
          %dma_start3A = arith.constant 0 : i32
          %dma_start3A_35 = tpu.memref_slice %arg4[%arg1, %mul3A_24, %dma_start3A] : memref<16x160x64xi32, #tpu.memory_space<hbm>> -> memref<1x16x64xi32, #tpu.memory_space<hbm>>
          %dma_start3A_36 = tpu.memref_squeeze %dma_start3A_35 : memref<1x16x64xi32, #tpu.memory_space<hbm>> -> memref<16x64xi32, #tpu.memory_space<hbm>>
          %dma_start3A_37 = arith.constant 0 : i32
          %dma_start3A_38 = tpu.memref_slice %arg4[%arg1, %mul3A_24, %dma_start3A_37] : memref<16x160x64xi32, #tpu.memory_space<hbm>> -> memref<1x16x64xi32, #tpu.memory_space<hbm>>
          %dma_start3A_39 = tpu.memref_squeeze %dma_start3A_38 : memref<1x16x64xi32, #tpu.memory_space<hbm>> -> memref<16x64xi32, #tpu.memory_space<hbm>>
          tpu.enqueue_dma source(%dma_start3A_39 : memref<16x64xi32, #tpu.memory_space<hbm>>) target(%arg8 : memref<16x64xi32, #tpu.memory_space<vmem>>) target_semaphore(%run_scoped3A : memref<!tpu.dma_semaphore, #tpu.memory_space<semaphore_mem>>)
          %dma_wait3A = arith.constant 0 : i32
          %dma_wait3A_40 = tpu.memref_slice %arg4[%arg1, %mul3A_24, %dma_wait3A] : memref<16x160x64xi32, #tpu.memory_space<hbm>> -> memref<1x16x64xi32, #tpu.memory_space<hbm>>
          %dma_wait3A_41 = tpu.memref_squeeze %dma_wait3A_40 : memref<1x16x64xi32, #tpu.memory_space<hbm>> -> memref<16x64xi32, #tpu.memory_space<hbm>>
          %dma_wait3A_42 = arith.constant 0 : i32
          %dma_wait3A_43 = tpu.memref_slice %arg4[%arg1, %mul3A_24, %dma_wait3A_42] : memref<16x160x64xi32, #tpu.memory_space<hbm>> -> memref<1x16x64xi32, #tpu.memory_space<hbm>>
          %dma_wait3A_44 = tpu.memref_squeeze %dma_wait3A_43 : memref<1x16x64xi32, #tpu.memory_space<hbm>> -> memref<16x64xi32, #tpu.memory_space<hbm>>
          tpu.wait_dma2 semaphore(%run_scoped3A : memref<!tpu.dma_semaphore, #tpu.memory_space<semaphore_mem>>) src(%dma_wait3A_44 : memref<16x64xi32, #tpu.memory_space<hbm>>) dst(%arg8 : memref<16x64xi32, #tpu.memory_space<vmem>>)
          tpu.yield
        }) : () -> ()
        %mul3A_25 = arith.constant 16 : i32
        %mul3A_26 = arith.muli %scan3A_21, %mul3A_25 : i32
        "tpu.region"() ({
          %run_scoped3A = tpu.sem_alloc : memref<!tpu.dma_semaphore, #tpu.memory_space<semaphore_mem>>
          %dma_start3A = arith.constant 0 : i32
          %dma_start3A_35 = tpu.memref_slice %arg5[%arg1, %mul3A_26, %dma_start3A] : memref<16x160x64xi32, #tpu.memory_space<hbm>> -> memref<1x16x64xi32, #tpu.memory_space<hbm>>
          %dma_start3A_36 = tpu.memref_squeeze %dma_start3A_35 : memref<1x16x64xi32, #tpu.memory_space<hbm>> -> memref<16x64xi32, #tpu.memory_space<hbm>>
          %dma_start3A_37 = arith.constant 0 : i32
          %dma_start3A_38 = tpu.memref_slice %arg5[%arg1, %mul3A_26, %dma_start3A_37] : memref<16x160x64xi32, #tpu.memory_space<hbm>> -> memref<1x16x64xi32, #tpu.memory_space<hbm>>
          %dma_start3A_39 = tpu.memref_squeeze %dma_start3A_38 : memref<1x16x64xi32, #tpu.memory_space<hbm>> -> memref<16x64xi32, #tpu.memory_space<hbm>>
          tpu.enqueue_dma source(%dma_start3A_39 : memref<16x64xi32, #tpu.memory_space<hbm>>) target(%arg9 : memref<16x64xi32, #tpu.memory_space<vmem>>) target_semaphore(%run_scoped3A : memref<!tpu.dma_semaphore, #tpu.memory_space<semaphore_mem>>)
          %dma_wait3A = arith.constant 0 : i32
          %dma_wait3A_40 = tpu.memref_slice %arg5[%arg1, %mul3A_26, %dma_wait3A] : memref<16x160x64xi32, #tpu.memory_space<hbm>> -> memref<1x16x64xi32, #tpu.memory_space<hbm>>
          %dma_wait3A_41 = tpu.memref_squeeze %dma_wait3A_40 : memref<1x16x64xi32, #tpu.memory_space<hbm>> -> memref<16x64xi32, #tpu.memory_space<hbm>>
          %dma_wait3A_42 = arith.constant 0 : i32
          %dma_wait3A_43 = tpu.memref_slice %arg5[%arg1, %mul3A_26, %dma_wait3A_42] : memref<16x160x64xi32, #tpu.memory_space<hbm>> -> memref<1x16x64xi32, #tpu.memory_space<hbm>>
          %dma_wait3A_44 = tpu.memref_squeeze %dma_wait3A_43 : memref<1x16x64xi32, #tpu.memory_space<hbm>> -> memref<16x64xi32, #tpu.memory_space<hbm>>
          tpu.wait_dma2 semaphore(%run_scoped3A : memref<!tpu.dma_semaphore, #tpu.memory_space<semaphore_mem>>) src(%dma_wait3A_44 : memref<16x64xi32, #tpu.memory_space<hbm>>) dst(%arg9 : memref<16x64xi32, #tpu.memory_space<vmem>>)
          tpu.yield
        }) : () -> ()
        %scan3A_27 = arith.constant 0 : i32
        %scan3A_28 = arith.constant 0 : i32
        %scan3A_29 = arith.constant 8 : i32
        %scan3A_30 = arith.addi %scan3A_28, %scan3A_29 : i32
        %scan3A_31 = arith.constant 1 : i32
        %scan3A_32 = scf.for %scan3A_35 = %scan3A_28 to %scan3A_30 step %scan3A_31 iter_args(%scan3A_36 = %scan3A_27) -> (i32)  : i32 {
          %mul3A_37 = arith.constant 2 : i32
          %mul3A_38 = arith.muli %mul3A_37, %scan3A_35 : i32
          %dma_start3A = arith.constant 0 : i32
          %dma_start3A_39 = tpu.memref_slice %arg8[%mul3A_38, %dma_start3A] : memref<16x64xi32, #tpu.memory_space<vmem>> -> memref<1x64xi32, #tpu.memory_space<vmem>>
          %dma_start3A_40 = tpu.memref_squeeze %dma_start3A_39 : memref<1x64xi32, #tpu.memory_space<vmem>> -> memref<64xi32, #tpu.memory_space<vmem>>
          %dma_start3A_41 = arith.constant 0 : i32
          %dma_start3A_42 = arith.constant 0 : i32
          %dma_start3A_43 = tpu.memref_slice %arg3[%dma_start3A_41, %dma_start3A_42] : memref<10240x128xf32, #tpu.memory_space<hbm>> -> memref<10240x128xf32, #tpu.memory_space<hbm>>
          tpu.enqueue_indirect_dma source(%dma_start3A_43 : memref<10240x128xf32, #tpu.memory_space<hbm>>) target(%arg10 : memref<64x128xf32, #tpu.memory_space<vmem>>) offsets(%dma_start3A_40 : memref<64xi32, #tpu.memory_space<vmem>>) semaphore(%arg13 : memref<!tpu.dma_semaphore, #tpu.memory_space<semaphore_mem>>)
          %add3A = arith.constant 1 : i32
          %add3A_44 = arith.addi %mul3A_38, %add3A : i32
          %dma_start3A_45 = arith.constant 0 : i32
          %dma_start3A_46 = tpu.memref_slice %arg8[%add3A_44, %dma_start3A_45] : memref<16x64xi32, #tpu.memory_space<vmem>> -> memref<1x64xi32, #tpu.memory_space<vmem>>
          %dma_start3A_47 = tpu.memref_squeeze %dma_start3A_46 : memref<1x64xi32, #tpu.memory_space<vmem>> -> memref<64xi32, #tpu.memory_space<vmem>>
          %dma_start3A_48 = arith.constant 0 : i32
          %dma_start3A_49 = arith.constant 0 : i32
          %dma_start3A_50 = tpu.memref_slice %arg3[%dma_start3A_48, %dma_start3A_49] : memref<10240x128xf32, #tpu.memory_space<hbm>> -> memref<10240x128xf32, #tpu.memory_space<hbm>>
          tpu.enqueue_indirect_dma source(%dma_start3A_50 : memref<10240x128xf32, #tpu.memory_space<hbm>>) target(%arg11 : memref<64x128xf32, #tpu.memory_space<vmem>>) offsets(%dma_start3A_47 : memref<64xi32, #tpu.memory_space<vmem>>) semaphore(%arg14 : memref<!tpu.dma_semaphore, #tpu.memory_space<semaphore_mem>>)
          %dma_wait3A = arith.constant 0 : i32
          %dma_wait3A_51 = tpu.memref_slice %arg8[%mul3A_38, %dma_wait3A] : memref<16x64xi32, #tpu.memory_space<vmem>> -> memref<1x64xi32, #tpu.memory_space<vmem>>
          %dma_wait3A_52 = tpu.memref_squeeze %dma_wait3A_51 : memref<1x64xi32, #tpu.memory_space<vmem>> -> memref<64xi32, #tpu.memory_space<vmem>>
          %dma_wait3A_53 = arith.constant 0 : i32
          %dma_wait3A_54 = arith.constant 0 : i32
          %dma_wait3A_55 = tpu.memref_slice %arg3[%dma_wait3A_53, %dma_wait3A_54] : memref<10240x128xf32, #tpu.memory_space<hbm>> -> memref<10240x128xf32, #tpu.memory_space<hbm>>
          tpu.wait_indirect_dma semaphore(%arg13 : memref<!tpu.dma_semaphore, #tpu.memory_space<semaphore_mem>>) src(%dma_wait3A_55 : memref<10240x128xf32, #tpu.memory_space<hbm>>) dst(%arg10 : memref<64x128xf32, #tpu.memory_space<vmem>>)
          "tpu.region"() ({
            %run_scoped3A = tpu.sem_alloc : memref<!tpu.dma_semaphore, #tpu.memory_space<semaphore_mem>>
            %dma_start3A_65 = arith.constant 0 : i32
            %dma_start3A_66 = tpu.memref_slice %arg9[%mul3A_38, %dma_start3A_65] : memref<16x64xi32, #tpu.memory_space<vmem>> -> memref<1x64xi32, #tpu.memory_space<vmem>>
            %dma_start3A_67 = tpu.memref_squeeze %dma_start3A_66 : memref<1x64xi32, #tpu.memory_space<vmem>> -> memref<64xi32, #tpu.memory_space<vmem>>
            %dma_start3A_68 = arith.constant 0 : i32
            %dma_start3A_69 = arith.constant 0 : i32
            %dma_start3A_70 = tpu.memref_slice %arg12[%dma_start3A_68, %dma_start3A_69] : memref<10240x128xf32, #tpu.memory_space<vmem_shared>> -> memref<10240x128xf32, #tpu.memory_space<vmem_shared>>
            tpu.enqueue_indirect_dma source(%arg10 : memref<64x128xf32, #tpu.memory_space<vmem>>) target(%dma_start3A_70 : memref<10240x128xf32, #tpu.memory_space<vmem_shared>>) offsets(%dma_start3A_67 : memref<64xi32, #tpu.memory_space<vmem>>) semaphore(%run_scoped3A : memref<!tpu.dma_semaphore, #tpu.memory_space<semaphore_mem>>) {add = true}
            %dma_wait3A_71 = arith.constant 0 : i32
            %dma_wait3A_72 = tpu.memref_slice %arg9[%mul3A_38, %dma_wait3A_71] : memref<16x64xi32, #tpu.memory_space<vmem>> -> memref<1x64xi32, #tpu.memory_space<vmem>>
            %dma_wait3A_73 = tpu.memref_squeeze %dma_wait3A_72 : memref<1x64xi32, #tpu.memory_space<vmem>> -> memref<64xi32, #tpu.memory_space<vmem>>
            %dma_wait3A_74 = arith.constant 0 : i32
            %dma_wait3A_75 = arith.constant 0 : i32
            %dma_wait3A_76 = tpu.memref_slice %arg12[%dma_wait3A_74, %dma_wait3A_75] : memref<10240x128xf32, #tpu.memory_space<vmem_shared>> -> memref<10240x128xf32, #tpu.memory_space<vmem_shared>>
            tpu.wait_indirect_dma semaphore(%run_scoped3A : memref<!tpu.dma_semaphore, #tpu.memory_space<semaphore_mem>>) src(%arg10 : memref<64x128xf32, #tpu.memory_space<vmem>>) dst(%dma_wait3A_76 : memref<10240x128xf32, #tpu.memory_space<vmem_shared>>)
            tpu.yield
          }) : () -> ()
          %dma_wait3A_56 = arith.constant 0 : i32
          %dma_wait3A_57 = tpu.memref_slice %arg8[%add3A_44, %dma_wait3A_56] : memref<16x64xi32, #tpu.memory_space<vmem>> -> memref<1x64xi32, #tpu.memory_space<vmem>>
          %dma_wait3A_58 = tpu.memref_squeeze %dma_wait3A_57 : memref<1x64xi32, #tpu.memory_space<vmem>> -> memref<64xi32, #tpu.memory_space<vmem>>
          %dma_wait3A_59 = arith.constant 0 : i32
          %dma_wait3A_60 = arith.constant 0 : i32
          %dma_wait3A_61 = tpu.memref_slice %arg3[%dma_wait3A_59, %dma_wait3A_60] : memref<10240x128xf32, #tpu.memory_space<hbm>> -> memref<10240x128xf32, #tpu.memory_space<hbm>>
          tpu.wait_indirect_dma semaphore(%arg14 : memref<!tpu.dma_semaphore, #tpu.memory_space<semaphore_mem>>) src(%dma_wait3A_61 : memref<10240x128xf32, #tpu.memory_space<hbm>>) dst(%arg11 : memref<64x128xf32, #tpu.memory_space<vmem>>)
          %add3A_62 = arith.constant 1 : i32
          %add3A_63 = arith.addi %mul3A_38, %add3A_62 : i32
          "tpu.region"() ({
            %run_scoped3A = tpu.sem_alloc : memref<!tpu.dma_semaphore, #tpu.memory_space<semaphore_mem>>
            %dma_start3A_65 = arith.constant 0 : i32
            %dma_start3A_66 = tpu.memref_slice %arg9[%add3A_63, %dma_start3A_65] : memref<16x64xi32, #tpu.memory_space<vmem>> -> memref<1x64xi32, #tpu.memory_space<vmem>>
            %dma_start3A_67 = tpu.memref_squeeze %dma_start3A_66 : memref<1x64xi32, #tpu.memory_space<vmem>> -> memref<64xi32, #tpu.memory_space<vmem>>
            %dma_start3A_68 = arith.constant 0 : i32
            %dma_start3A_69 = arith.constant 0 : i32
            %dma_start3A_70 = tpu.memref_slice %arg12[%dma_start3A_68, %dma_start3A_69] : memref<10240x128xf32, #tpu.memory_space<vmem_shared>> -> memref<10240x128xf32, #tpu.memory_space<vmem_shared>>
            tpu.enqueue_indirect_dma source(%arg11 : memref<64x128xf32, #tpu.memory_space<vmem>>) target(%dma_start3A_70 : memref<10240x128xf32, #tpu.memory_space<vmem_shared>>) offsets(%dma_start3A_67 : memref<64xi32, #tpu.memory_space<vmem>>) semaphore(%run_scoped3A : memref<!tpu.dma_semaphore, #tpu.memory_space<semaphore_mem>>) {add = true}
            %dma_wait3A_71 = arith.constant 0 : i32
            %dma_wait3A_72 = tpu.memref_slice %arg9[%add3A_63, %dma_wait3A_71] : memref<16x64xi32, #tpu.memory_space<vmem>> -> memref<1x64xi32, #tpu.memory_space<vmem>>
            %dma_wait3A_73 = tpu.memref_squeeze %dma_wait3A_72 : memref<1x64xi32, #tpu.memory_space<vmem>> -> memref<64xi32, #tpu.memory_space<vmem>>
            %dma_wait3A_74 = arith.constant 0 : i32
            %dma_wait3A_75 = arith.constant 0 : i32
            %dma_wait3A_76 = tpu.memref_slice %arg12[%dma_wait3A_74, %dma_wait3A_75] : memref<10240x128xf32, #tpu.memory_space<vmem_shared>> -> memref<10240x128xf32, #tpu.memory_space<vmem_shared>>
            tpu.wait_indirect_dma semaphore(%run_scoped3A : memref<!tpu.dma_semaphore, #tpu.memory_space<semaphore_mem>>) src(%arg11 : memref<64x128xf32, #tpu.memory_space<vmem>>) dst(%dma_wait3A_76 : memref<10240x128xf32, #tpu.memory_space<vmem_shared>>)
            tpu.yield
          }) : () -> ()
          %scan3A_64 = arith.constant 0 : i32
          scf.yield %scan3A_64 : i32
        }
        %scan3A_33 = arith.constant 8 : i32
        %scan3A_34 = arith.constant 0 : i32
        scf.yield %scan3A_34 : i32
      }
      %scan3A_15 = arith.constant 10 : i32
      %barrier3A_16 = arith.constant 0 : index
      tpu.barrier barrier_id(%barrier3A_16)
      %mul3A_17 = arith.constant 640 : i32
      %mul3A_18 = arith.muli %arg1, %mul3A_17 : i32
      %mul3A_19 = arith.constant 640 : i32
      %mul3A_20 = arith.muli %arg1, %mul3A_19 : i32
      "tpu.region"() ({
        %run_scoped3A = tpu.sem_alloc : memref<!tpu.dma_semaphore, #tpu.memory_space<semaphore_mem>>
        %dma_start3A = arith.constant 0 : i32
        %dma_start3A_21 = tpu.memref_slice %arg7[%mul3A_20, %dma_start3A] : memref<10240x128xf32, #tpu.memory_space<hbm>> -> memref<640x128xf32, #tpu.memory_space<hbm>>
        %dma_start3A_22 = arith.constant 0 : i32
        %dma_start3A_23 = tpu.memref_slice %arg12[%mul3A_18, %dma_start3A_22] : memref<10240x128xf32, #tpu.memory_space<vmem_shared>> -> memref<640x128xf32, #tpu.memory_space<vmem_shared>>
        tpu.enqueue_dma source(%dma_start3A_23 : memref<640x128xf32, #tpu.memory_space<vmem_shared>>) target(%dma_start3A_21 : memref<640x128xf32, #tpu.memory_space<hbm>>) target_semaphore(%run_scoped3A : memref<!tpu.dma_semaphore, #tpu.memory_space<semaphore_mem>>)
        %dma_wait3A = arith.constant 0 : i32
        %dma_wait3A_24 = tpu.memref_slice %arg7[%mul3A_20, %dma_wait3A] : memref<10240x128xf32, #tpu.memory_space<hbm>> -> memref<640x128xf32, #tpu.memory_space<hbm>>
        %dma_wait3A_25 = arith.constant 0 : i32
        %dma_wait3A_26 = tpu.memref_slice %arg12[%mul3A_18, %dma_wait3A_25] : memref<10240x128xf32, #tpu.memory_space<vmem_shared>> -> memref<640x128xf32, #tpu.memory_space<vmem_shared>>
        tpu.wait_dma2 semaphore(%run_scoped3A : memref<!tpu.dma_semaphore, #tpu.memory_space<semaphore_mem>>) src(%dma_wait3A_26 : memref<640x128xf32, #tpu.memory_space<vmem_shared>>) dst(%dma_wait3A_24 : memref<640x128xf32, #tpu.memory_space<hbm>>)
        tpu.yield
      }) : () -> ()
    } else {
    }
    return
  }
}

#map = affine_map<(d0, d1) -> (0, 0)>
#map1 = affine_map<(d0, d1) -> (0, 0, 0)>
module attributes {stable_mosaic.version = 14 : i64} {
  func.func @_agg_kernel(%arg0: i32, %arg1: i32, %arg2: memref<10240x128xf32, #tpu.memory_space<hbm>>, %arg3: memref<10240x128xf32, #tpu.memory_space<hbm>>, %arg4: memref<16x160x64xi32, #tpu.memory_space<hbm>>, %arg5: memref<16x160x64xi32, #tpu.memory_space<hbm>>, %arg6: memref<10240x128xf32, #tpu.memory_space<hbm>>, %arg7: memref<10240x128xf32, #tpu.memory_space<hbm>>, %arg8: memref<16x64xi32, #tpu.memory_space<vmem>>, %arg9: memref<16x64xi32, #tpu.memory_space<vmem>>, %arg10: memref<64x128xf32, #tpu.memory_space<vmem>>, %arg11: memref<64x128xf32, #tpu.memory_space<vmem>>, %arg12: memref<10240x128xf32, #tpu.memory_space<vmem_shared>>, %arg13: memref<!tpu.dma_semaphore, #tpu.memory_space<semaphore_mem>>, %arg14: memref<!tpu.dma_semaphore, #tpu.memory_space<semaphore_mem>>) attributes {dimension_semantics = [#tpu.dimension_semantics<core_parallel>, #tpu.dimension_semantics<subcore_parallel>], iteration_bounds = array<i64: 2, 16>, scalar_prefetch = 0 : i64, scratch_operands = 7 : i64, tpu.core_type = #tpu.core_type<sc_vector_subcore>, window_params = [{transform_indices = #map}, {transform_indices = #map}, {transform_indices = #map1}, {transform_indices = #map1}, {transform_indices = #map}, {transform_indices = #map}]} {
    %eq3A = arith.constant 0 : i32
    %eq3A_0 = arith.cmpi eq, %arg0, %eq3A : i32
    %convert_element_type3A = arith.extui %eq3A_0 : i1 to i32
    %cond3A = arith.constant 0 : i32
    %cond3A_1 = arith.cmpi ne, %convert_element_type3A, %cond3A : i32
    scf.if %cond3A_1 {
      %mul3A = arith.constant 640 : i32
      %mul3A_7 = arith.muli %arg1, %mul3A : i32
      %mul3A_8 = arith.constant 640 : i32
      %mul3A_9 = arith.muli %arg1, %mul3A_8 : i32
      "tpu.region"() ({
        %run_scoped3A = tpu.sem_alloc : memref<!tpu.dma_semaphore, #tpu.memory_space<semaphore_mem>>
        %dma_start3A = arith.constant 0 : i32
        %dma_start3A_21 = tpu.memref_slice %arg12[%mul3A_9, %dma_start3A] : memref<10240x128xf32, #tpu.memory_space<vmem_shared>> -> memref<640x128xf32, #tpu.memory_space<vmem_shared>>
        %dma_start3A_22 = arith.constant 0 : i32
        %dma_start3A_23 = tpu.memref_slice %arg2[%mul3A_7, %dma_start3A_22] : memref<10240x128xf32, #tpu.memory_space<hbm>> -> memref<640x128xf32, #tpu.memory_space<hbm>>
        tpu.enqueue_dma source(%dma_start3A_23 : memref<640x128xf32, #tpu.memory_space<hbm>>) target(%dma_start3A_21 : memref<640x128xf32, #tpu.memory_space<vmem_shared>>) target_semaphore(%run_scoped3A : memref<!tpu.dma_semaphore, #tpu.memory_space<semaphore_mem>>)
        %dma_wait3A = arith.constant 0 : i32
        %dma_wait3A_24 = tpu.memref_slice %arg12[%mul3A_9, %dma_wait3A] : memref<10240x128xf32, #tpu.memory_space<vmem_shared>> -> memref<640x128xf32, #tpu.memory_space<vmem_shared>>
        %dma_wait3A_25 = arith.constant 0 : i32
        %dma_wait3A_26 = tpu.memref_slice %arg2[%mul3A_7, %dma_wait3A_25] : memref<10240x128xf32, #tpu.memory_space<hbm>> -> memref<640x128xf32, #tpu.memory_space<hbm>>
        tpu.wait_dma2 semaphore(%run_scoped3A : memref<!tpu.dma_semaphore, #tpu.memory_space<semaphore_mem>>) src(%dma_wait3A_26 : memref<640x128xf32, #tpu.memory_space<hbm>>) dst(%dma_wait3A_24 : memref<640x128xf32, #tpu.memory_space<vmem_shared>>)
        tpu.yield
      }) : () -> ()
      %barrier3A = arith.constant 0 : index
      tpu.barrier barrier_id(%barrier3A)
      %scan3A = arith.constant 0 : i32
      %scan3A_10 = arith.constant 0 : i32
      %scan3A_11 = arith.constant 10 : i32
      %scan3A_12 = arith.addi %scan3A_10, %scan3A_11 : i32
      %scan3A_13 = arith.constant 1 : i32
      %scan3A_14 = scf.for %scan3A_21 = %scan3A_10 to %scan3A_12 step %scan3A_13 iter_args(%scan3A_22 = %scan3A) -> (i32)  : i32 {
        %mul3A_23 = arith.constant 16 : i32
        %mul3A_24 = arith.muli %scan3A_21, %mul3A_23 : i32
        "tpu.region"() ({
          %run_scoped3A = tpu.sem_alloc : memref<!tpu.dma_semaphore, #tpu.memory_space<semaphore_mem>>
          %dma_start3A = arith.constant 0 : i32
          %dma_start3A_35 = tpu.memref_slice %arg4[%arg1, %mul3A_24, %dma_start3A] : memref<16x160x64xi32, #tpu.memory_space<hbm>> -> memref<1x16x64xi32, #tpu.memory_space<hbm>>
          %dma_start3A_36 = tpu.memref_squeeze %dma_start3A_35 : memref<1x16x64xi32, #tpu.memory_space<hbm>> -> memref<16x64xi32, #tpu.memory_space<hbm>>
          %dma_start3A_37 = arith.constant 0 : i32
          %dma_start3A_38 = tpu.memref_slice %arg4[%arg1, %mul3A_24, %dma_start3A_37] : memref<16x160x64xi32, #tpu.memory_space<hbm>> -> memref<1x16x64xi32, #tpu.memory_space<hbm>>
          %dma_start3A_39 = tpu.memref_squeeze %dma_start3A_38 : memref<1x16x64xi32, #tpu.memory_space<hbm>> -> memref<16x64xi32, #tpu.memory_space<hbm>>
          tpu.enqueue_dma source(%dma_start3A_39 : memref<16x64xi32, #tpu.memory_space<hbm>>) target(%arg8 : memref<16x64xi32, #tpu.memory_space<vmem>>) target_semaphore(%run_scoped3A : memref<!tpu.dma_semaphore, #tpu.memory_space<semaphore_mem>>)
          %dma_wait3A = arith.constant 0 : i32
          %dma_wait3A_40 = tpu.memref_slice %arg4[%arg1, %mul3A_24, %dma_wait3A] : memref<16x160x64xi32, #tpu.memory_space<hbm>> -> memref<1x16x64xi32, #tpu.memory_space<hbm>>
          %dma_wait3A_41 = tpu.memref_squeeze %dma_wait3A_40 : memref<1x16x64xi32, #tpu.memory_space<hbm>> -> memref<16x64xi32, #tpu.memory_space<hbm>>
          %dma_wait3A_42 = arith.constant 0 : i32
          %dma_wait3A_43 = tpu.memref_slice %arg4[%arg1, %mul3A_24, %dma_wait3A_42] : memref<16x160x64xi32, #tpu.memory_space<hbm>> -> memref<1x16x64xi32, #tpu.memory_space<hbm>>
          %dma_wait3A_44 = tpu.memref_squeeze %dma_wait3A_43 : memref<1x16x64xi32, #tpu.memory_space<hbm>> -> memref<16x64xi32, #tpu.memory_space<hbm>>
          tpu.wait_dma2 semaphore(%run_scoped3A : memref<!tpu.dma_semaphore, #tpu.memory_space<semaphore_mem>>) src(%dma_wait3A_44 : memref<16x64xi32, #tpu.memory_space<hbm>>) dst(%arg8 : memref<16x64xi32, #tpu.memory_space<vmem>>)
          tpu.yield
        }) : () -> ()
        %mul3A_25 = arith.constant 16 : i32
        %mul3A_26 = arith.muli %scan3A_21, %mul3A_25 : i32
        "tpu.region"() ({
          %run_scoped3A = tpu.sem_alloc : memref<!tpu.dma_semaphore, #tpu.memory_space<semaphore_mem>>
          %dma_start3A = arith.constant 0 : i32
          %dma_start3A_35 = tpu.memref_slice %arg5[%arg1, %mul3A_26, %dma_start3A] : memref<16x160x64xi32, #tpu.memory_space<hbm>> -> memref<1x16x64xi32, #tpu.memory_space<hbm>>
          %dma_start3A_36 = tpu.memref_squeeze %dma_start3A_35 : memref<1x16x64xi32, #tpu.memory_space<hbm>> -> memref<16x64xi32, #tpu.memory_space<hbm>>
          %dma_start3A_37 = arith.constant 0 : i32
          %dma_start3A_38 = tpu.memref_slice %arg5[%arg1, %mul3A_26, %dma_start3A_37] : memref<16x160x64xi32, #tpu.memory_space<hbm>> -> memref<1x16x64xi32, #tpu.memory_space<hbm>>
          %dma_start3A_39 = tpu.memref_squeeze %dma_start3A_38 : memref<1x16x64xi32, #tpu.memory_space<hbm>> -> memref<16x64xi32, #tpu.memory_space<hbm>>
          tpu.enqueue_dma source(%dma_start3A_39 : memref<16x64xi32, #tpu.memory_space<hbm>>) target(%arg9 : memref<16x64xi32, #tpu.memory_space<vmem>>) target_semaphore(%run_scoped3A : memref<!tpu.dma_semaphore, #tpu.memory_space<semaphore_mem>>)
          %dma_wait3A = arith.constant 0 : i32
          %dma_wait3A_40 = tpu.memref_slice %arg5[%arg1, %mul3A_26, %dma_wait3A] : memref<16x160x64xi32, #tpu.memory_space<hbm>> -> memref<1x16x64xi32, #tpu.memory_space<hbm>>
          %dma_wait3A_41 = tpu.memref_squeeze %dma_wait3A_40 : memref<1x16x64xi32, #tpu.memory_space<hbm>> -> memref<16x64xi32, #tpu.memory_space<hbm>>
          %dma_wait3A_42 = arith.constant 0 : i32
          %dma_wait3A_43 = tpu.memref_slice %arg5[%arg1, %mul3A_26, %dma_wait3A_42] : memref<16x160x64xi32, #tpu.memory_space<hbm>> -> memref<1x16x64xi32, #tpu.memory_space<hbm>>
          %dma_wait3A_44 = tpu.memref_squeeze %dma_wait3A_43 : memref<1x16x64xi32, #tpu.memory_space<hbm>> -> memref<16x64xi32, #tpu.memory_space<hbm>>
          tpu.wait_dma2 semaphore(%run_scoped3A : memref<!tpu.dma_semaphore, #tpu.memory_space<semaphore_mem>>) src(%dma_wait3A_44 : memref<16x64xi32, #tpu.memory_space<hbm>>) dst(%arg9 : memref<16x64xi32, #tpu.memory_space<vmem>>)
          tpu.yield
        }) : () -> ()
        %scan3A_27 = arith.constant 0 : i32
        %scan3A_28 = arith.constant 0 : i32
        %scan3A_29 = arith.constant 8 : i32
        %scan3A_30 = arith.addi %scan3A_28, %scan3A_29 : i32
        %scan3A_31 = arith.constant 1 : i32
        %scan3A_32 = scf.for %scan3A_35 = %scan3A_28 to %scan3A_30 step %scan3A_31 iter_args(%scan3A_36 = %scan3A_27) -> (i32)  : i32 {
          %mul3A_37 = arith.constant 2 : i32
          %mul3A_38 = arith.muli %mul3A_37, %scan3A_35 : i32
          %dma_start3A = arith.constant 0 : i32
          %dma_start3A_39 = tpu.memref_slice %arg8[%mul3A_38, %dma_start3A] : memref<16x64xi32, #tpu.memory_space<vmem>> -> memref<1x64xi32, #tpu.memory_space<vmem>>
          %dma_start3A_40 = tpu.memref_squeeze %dma_start3A_39 : memref<1x64xi32, #tpu.memory_space<vmem>> -> memref<64xi32, #tpu.memory_space<vmem>>
          %dma_start3A_41 = arith.constant 0 : i32
          %dma_start3A_42 = arith.constant 0 : i32
          %dma_start3A_43 = tpu.memref_slice %arg2[%dma_start3A_41, %dma_start3A_42] : memref<10240x128xf32, #tpu.memory_space<hbm>> -> memref<10240x128xf32, #tpu.memory_space<hbm>>
          tpu.enqueue_indirect_dma source(%dma_start3A_43 : memref<10240x128xf32, #tpu.memory_space<hbm>>) target(%arg10 : memref<64x128xf32, #tpu.memory_space<vmem>>) offsets(%dma_start3A_40 : memref<64xi32, #tpu.memory_space<vmem>>) semaphore(%arg13 : memref<!tpu.dma_semaphore, #tpu.memory_space<semaphore_mem>>)
          %add3A = arith.constant 1 : i32
          %add3A_44 = arith.addi %mul3A_38, %add3A : i32
          %dma_start3A_45 = arith.constant 0 : i32
          %dma_start3A_46 = tpu.memref_slice %arg8[%add3A_44, %dma_start3A_45] : memref<16x64xi32, #tpu.memory_space<vmem>> -> memref<1x64xi32, #tpu.memory_space<vmem>>
          %dma_start3A_47 = tpu.memref_squeeze %dma_start3A_46 : memref<1x64xi32, #tpu.memory_space<vmem>> -> memref<64xi32, #tpu.memory_space<vmem>>
          %dma_start3A_48 = arith.constant 0 : i32
          %dma_start3A_49 = arith.constant 0 : i32
          %dma_start3A_50 = tpu.memref_slice %arg2[%dma_start3A_48, %dma_start3A_49] : memref<10240x128xf32, #tpu.memory_space<hbm>> -> memref<10240x128xf32, #tpu.memory_space<hbm>>
          tpu.enqueue_indirect_dma source(%dma_start3A_50 : memref<10240x128xf32, #tpu.memory_space<hbm>>) target(%arg11 : memref<64x128xf32, #tpu.memory_space<vmem>>) offsets(%dma_start3A_47 : memref<64xi32, #tpu.memory_space<vmem>>) semaphore(%arg14 : memref<!tpu.dma_semaphore, #tpu.memory_space<semaphore_mem>>)
          %dma_wait3A = arith.constant 0 : i32
          %dma_wait3A_51 = tpu.memref_slice %arg8[%mul3A_38, %dma_wait3A] : memref<16x64xi32, #tpu.memory_space<vmem>> -> memref<1x64xi32, #tpu.memory_space<vmem>>
          %dma_wait3A_52 = tpu.memref_squeeze %dma_wait3A_51 : memref<1x64xi32, #tpu.memory_space<vmem>> -> memref<64xi32, #tpu.memory_space<vmem>>
          %dma_wait3A_53 = arith.constant 0 : i32
          %dma_wait3A_54 = arith.constant 0 : i32
          %dma_wait3A_55 = tpu.memref_slice %arg2[%dma_wait3A_53, %dma_wait3A_54] : memref<10240x128xf32, #tpu.memory_space<hbm>> -> memref<10240x128xf32, #tpu.memory_space<hbm>>
          tpu.wait_indirect_dma semaphore(%arg13 : memref<!tpu.dma_semaphore, #tpu.memory_space<semaphore_mem>>) src(%dma_wait3A_55 : memref<10240x128xf32, #tpu.memory_space<hbm>>) dst(%arg10 : memref<64x128xf32, #tpu.memory_space<vmem>>)
          "tpu.region"() ({
            %run_scoped3A = tpu.sem_alloc : memref<!tpu.dma_semaphore, #tpu.memory_space<semaphore_mem>>
            %dma_start3A_65 = arith.constant 0 : i32
            %dma_start3A_66 = tpu.memref_slice %arg9[%mul3A_38, %dma_start3A_65] : memref<16x64xi32, #tpu.memory_space<vmem>> -> memref<1x64xi32, #tpu.memory_space<vmem>>
            %dma_start3A_67 = tpu.memref_squeeze %dma_start3A_66 : memref<1x64xi32, #tpu.memory_space<vmem>> -> memref<64xi32, #tpu.memory_space<vmem>>
            %dma_start3A_68 = arith.constant 0 : i32
            %dma_start3A_69 = arith.constant 0 : i32
            %dma_start3A_70 = tpu.memref_slice %arg12[%dma_start3A_68, %dma_start3A_69] : memref<10240x128xf32, #tpu.memory_space<vmem_shared>> -> memref<10240x128xf32, #tpu.memory_space<vmem_shared>>
            tpu.enqueue_indirect_dma source(%arg10 : memref<64x128xf32, #tpu.memory_space<vmem>>) target(%dma_start3A_70 : memref<10240x128xf32, #tpu.memory_space<vmem_shared>>) offsets(%dma_start3A_67 : memref<64xi32, #tpu.memory_space<vmem>>) semaphore(%run_scoped3A : memref<!tpu.dma_semaphore, #tpu.memory_space<semaphore_mem>>) {add = true}
            %dma_wait3A_71 = arith.constant 0 : i32
            %dma_wait3A_72 = tpu.memref_slice %arg9[%mul3A_38, %dma_wait3A_71] : memref<16x64xi32, #tpu.memory_space<vmem>> -> memref<1x64xi32, #tpu.memory_space<vmem>>
            %dma_wait3A_73 = tpu.memref_squeeze %dma_wait3A_72 : memref<1x64xi32, #tpu.memory_space<vmem>> -> memref<64xi32, #tpu.memory_space<vmem>>
            %dma_wait3A_74 = arith.constant 0 : i32
            %dma_wait3A_75 = arith.constant 0 : i32
            %dma_wait3A_76 = tpu.memref_slice %arg12[%dma_wait3A_74, %dma_wait3A_75] : memref<10240x128xf32, #tpu.memory_space<vmem_shared>> -> memref<10240x128xf32, #tpu.memory_space<vmem_shared>>
            tpu.wait_indirect_dma semaphore(%run_scoped3A : memref<!tpu.dma_semaphore, #tpu.memory_space<semaphore_mem>>) src(%arg10 : memref<64x128xf32, #tpu.memory_space<vmem>>) dst(%dma_wait3A_76 : memref<10240x128xf32, #tpu.memory_space<vmem_shared>>)
            tpu.yield
          }) : () -> ()
          %dma_wait3A_56 = arith.constant 0 : i32
          %dma_wait3A_57 = tpu.memref_slice %arg8[%add3A_44, %dma_wait3A_56] : memref<16x64xi32, #tpu.memory_space<vmem>> -> memref<1x64xi32, #tpu.memory_space<vmem>>
          %dma_wait3A_58 = tpu.memref_squeeze %dma_wait3A_57 : memref<1x64xi32, #tpu.memory_space<vmem>> -> memref<64xi32, #tpu.memory_space<vmem>>
          %dma_wait3A_59 = arith.constant 0 : i32
          %dma_wait3A_60 = arith.constant 0 : i32
          %dma_wait3A_61 = tpu.memref_slice %arg2[%dma_wait3A_59, %dma_wait3A_60] : memref<10240x128xf32, #tpu.memory_space<hbm>> -> memref<10240x128xf32, #tpu.memory_space<hbm>>
          tpu.wait_indirect_dma semaphore(%arg14 : memref<!tpu.dma_semaphore, #tpu.memory_space<semaphore_mem>>) src(%dma_wait3A_61 : memref<10240x128xf32, #tpu.memory_space<hbm>>) dst(%arg11 : memref<64x128xf32, #tpu.memory_space<vmem>>)
          %add3A_62 = arith.constant 1 : i32
          %add3A_63 = arith.addi %mul3A_38, %add3A_62 : i32
          "tpu.region"() ({
            %run_scoped3A = tpu.sem_alloc : memref<!tpu.dma_semaphore, #tpu.memory_space<semaphore_mem>>
            %dma_start3A_65 = arith.constant 0 : i32
            %dma_start3A_66 = tpu.memref_slice %arg9[%add3A_63, %dma_start3A_65] : memref<16x64xi32, #tpu.memory_space<vmem>> -> memref<1x64xi32, #tpu.memory_space<vmem>>
            %dma_start3A_67 = tpu.memref_squeeze %dma_start3A_66 : memref<1x64xi32, #tpu.memory_space<vmem>> -> memref<64xi32, #tpu.memory_space<vmem>>
            %dma_start3A_68 = arith.constant 0 : i32
            %dma_start3A_69 = arith.constant 0 : i32
            %dma_start3A_70 = tpu.memref_slice %arg12[%dma_start3A_68, %dma_start3A_69] : memref<10240x128xf32, #tpu.memory_space<vmem_shared>> -> memref<10240x128xf32, #tpu.memory_space<vmem_shared>>
            tpu.enqueue_indirect_dma source(%arg11 : memref<64x128xf32, #tpu.memory_space<vmem>>) target(%dma_start3A_70 : memref<10240x128xf32, #tpu.memory_space<vmem_shared>>) offsets(%dma_start3A_67 : memref<64xi32, #tpu.memory_space<vmem>>) semaphore(%run_scoped3A : memref<!tpu.dma_semaphore, #tpu.memory_space<semaphore_mem>>) {add = true}
            %dma_wait3A_71 = arith.constant 0 : i32
            %dma_wait3A_72 = tpu.memref_slice %arg9[%add3A_63, %dma_wait3A_71] : memref<16x64xi32, #tpu.memory_space<vmem>> -> memref<1x64xi32, #tpu.memory_space<vmem>>
            %dma_wait3A_73 = tpu.memref_squeeze %dma_wait3A_72 : memref<1x64xi32, #tpu.memory_space<vmem>> -> memref<64xi32, #tpu.memory_space<vmem>>
            %dma_wait3A_74 = arith.constant 0 : i32
            %dma_wait3A_75 = arith.constant 0 : i32
            %dma_wait3A_76 = tpu.memref_slice %arg12[%dma_wait3A_74, %dma_wait3A_75] : memref<10240x128xf32, #tpu.memory_space<vmem_shared>> -> memref<10240x128xf32, #tpu.memory_space<vmem_shared>>
            tpu.wait_indirect_dma semaphore(%run_scoped3A : memref<!tpu.dma_semaphore, #tpu.memory_space<semaphore_mem>>) src(%arg11 : memref<64x128xf32, #tpu.memory_space<vmem>>) dst(%dma_wait3A_76 : memref<10240x128xf32, #tpu.memory_space<vmem_shared>>)
            tpu.yield
          }) : () -> ()
          %scan3A_64 = arith.constant 0 : i32
          scf.yield %scan3A_64 : i32
        }
        %scan3A_33 = arith.constant 8 : i32
        %scan3A_34 = arith.constant 0 : i32
        scf.yield %scan3A_34 : i32
      }
      %scan3A_15 = arith.constant 10 : i32
      %barrier3A_16 = arith.constant 0 : index
      tpu.barrier barrier_id(%barrier3A_16)
      %mul3A_17 = arith.constant 640 : i32
      %mul3A_18 = arith.muli %arg1, %mul3A_17 : i32
      %mul3A_19 = arith.constant 640 : i32
      %mul3A_20 = arith.muli %arg1, %mul3A_19 : i32
      "tpu.region"() ({
        %run_scoped3A = tpu.sem_alloc : memref<!tpu.dma_semaphore, #tpu.memory_space<semaphore_mem>>
        %dma_start3A = arith.constant 0 : i32
        %dma_start3A_21 = tpu.memref_slice %arg6[%mul3A_20, %dma_start3A] : memref<10240x128xf32, #tpu.memory_space<hbm>> -> memref<640x128xf32, #tpu.memory_space<hbm>>
        %dma_start3A_22 = arith.constant 0 : i32
        %dma_start3A_23 = tpu.memref_slice %arg12[%mul3A_18, %dma_start3A_22] : memref<10240x128xf32, #tpu.memory_space<vmem_shared>> -> memref<640x128xf32, #tpu.memory_space<vmem_shared>>
        tpu.enqueue_dma source(%dma_start3A_23 : memref<640x128xf32, #tpu.memory_space<vmem_shared>>) target(%dma_start3A_21 : memref<640x128xf32, #tpu.memory_space<hbm>>) target_semaphore(%run_scoped3A : memref<!tpu.dma_semaphore, #tpu.memory_space<semaphore_mem>>)
        %dma_wait3A = arith.constant 0 : i32
        %dma_wait3A_24 = tpu.memref_slice %arg6[%mul3A_20, %dma_wait3A] : memref<10240x128xf32, #tpu.memory_space<hbm>> -> memref<640x128xf32, #tpu.memory_space<hbm>>
        %dma_wait3A_25 = arith.constant 0 : i32
        %dma_wait3A_26 = tpu.memref_slice %arg12[%mul3A_18, %dma_wait3A_25] : memref<10240x128xf32, #tpu.memory_space<vmem_shared>> -> memref<640x128xf32, #tpu.memory_space<vmem_shared>>
        tpu.wait_dma2 semaphore(%run_scoped3A : memref<!tpu.dma_semaphore, #tpu.memory_space<semaphore_mem>>) src(%dma_wait3A_26 : memref<640x128xf32, #tpu.memory_space<vmem_shared>>) dst(%dma_wait3A_24 : memref<640x128xf32, #tpu.memory_space<hbm>>)
        tpu.yield
      }) : () -> ()
    } else {
    }
    %eq3A_2 = arith.constant 1 : i32
    %eq3A_3 = arith.cmpi eq, %arg0, %eq3A_2 : i32
    %convert_element_type3A_4 = arith.extui %eq3A_3 : i1 to i32
    %cond3A_5 = arith.constant 0 : i32
    %cond3A_6 = arith.cmpi ne, %convert_element_type3A_4, %cond3A_5 : i32
    scf.if %cond3A_6 {
      %mul3A = arith.constant 640 : i32
      %mul3A_7 = arith.muli %arg1, %mul3A : i32
      %mul3A_8 = arith.constant 640 : i32
      %mul3A_9 = arith.muli %arg1, %mul3A_8 : i32
      "tpu.region"() ({
        %run_scoped3A = tpu.sem_alloc : memref<!tpu.dma_semaphore, #tpu.memory_space<semaphore_mem>>
        %dma_start3A = arith.constant 0 : i32
        %dma_start3A_21 = tpu.memref_slice %arg12[%mul3A_9, %dma_start3A] : memref<10240x128xf32, #tpu.memory_space<vmem_shared>> -> memref<640x128xf32, #tpu.memory_space<vmem_shared>>
        %dma_start3A_22 = arith.constant 0 : i32
        %dma_start3A_23 = tpu.memref_slice %arg3[%mul3A_7, %dma_start3A_22] : memref<10240x128xf32, #tpu.memory_space<hbm>> -> memref<640x128xf32, #tpu.memory_space<hbm>>
        tpu.enqueue_dma source(%dma_start3A_23 : memref<640x128xf32, #tpu.memory_space<hbm>>) target(%dma_start3A_21 : memref<640x128xf32, #tpu.memory_space<vmem_shared>>) target_semaphore(%run_scoped3A : memref<!tpu.dma_semaphore, #tpu.memory_space<semaphore_mem>>)
        %dma_wait3A = arith.constant 0 : i32
        %dma_wait3A_24 = tpu.memref_slice %arg12[%mul3A_9, %dma_wait3A] : memref<10240x128xf32, #tpu.memory_space<vmem_shared>> -> memref<640x128xf32, #tpu.memory_space<vmem_shared>>
        %dma_wait3A_25 = arith.constant 0 : i32
        %dma_wait3A_26 = tpu.memref_slice %arg3[%mul3A_7, %dma_wait3A_25] : memref<10240x128xf32, #tpu.memory_space<hbm>> -> memref<640x128xf32, #tpu.memory_space<hbm>>
        tpu.wait_dma2 semaphore(%run_scoped3A : memref<!tpu.dma_semaphore, #tpu.memory_space<semaphore_mem>>) src(%dma_wait3A_26 : memref<640x128xf32, #tpu.memory_space<hbm>>) dst(%dma_wait3A_24 : memref<640x128xf32, #tpu.memory_space<vmem_shared>>)
        tpu.yield
      }) : () -> ()
      %barrier3A = arith.constant 0 : index
      tpu.barrier barrier_id(%barrier3A)
      %scan3A = arith.constant 0 : i32
      %scan3A_10 = arith.constant 0 : i32
      %scan3A_11 = arith.constant 10 : i32
      %scan3A_12 = arith.addi %scan3A_10, %scan3A_11 : i32
      %scan3A_13 = arith.constant 1 : i32
      %scan3A_14 = scf.for %scan3A_21 = %scan3A_10 to %scan3A_12 step %scan3A_13 iter_args(%scan3A_22 = %scan3A) -> (i32)  : i32 {
        %mul3A_23 = arith.constant 16 : i32
        %mul3A_24 = arith.muli %scan3A_21, %mul3A_23 : i32
        "tpu.region"() ({
          %run_scoped3A = tpu.sem_alloc : memref<!tpu.dma_semaphore, #tpu.memory_space<semaphore_mem>>
          %dma_start3A = arith.constant 0 : i32
          %dma_start3A_35 = tpu.memref_slice %arg4[%arg1, %mul3A_24, %dma_start3A] : memref<16x160x64xi32, #tpu.memory_space<hbm>> -> memref<1x16x64xi32, #tpu.memory_space<hbm>>
          %dma_start3A_36 = tpu.memref_squeeze %dma_start3A_35 : memref<1x16x64xi32, #tpu.memory_space<hbm>> -> memref<16x64xi32, #tpu.memory_space<hbm>>
          %dma_start3A_37 = arith.constant 0 : i32
          %dma_start3A_38 = tpu.memref_slice %arg4[%arg1, %mul3A_24, %dma_start3A_37] : memref<16x160x64xi32, #tpu.memory_space<hbm>> -> memref<1x16x64xi32, #tpu.memory_space<hbm>>
          %dma_start3A_39 = tpu.memref_squeeze %dma_start3A_38 : memref<1x16x64xi32, #tpu.memory_space<hbm>> -> memref<16x64xi32, #tpu.memory_space<hbm>>
          tpu.enqueue_dma source(%dma_start3A_39 : memref<16x64xi32, #tpu.memory_space<hbm>>) target(%arg8 : memref<16x64xi32, #tpu.memory_space<vmem>>) target_semaphore(%run_scoped3A : memref<!tpu.dma_semaphore, #tpu.memory_space<semaphore_mem>>)
          %dma_wait3A = arith.constant 0 : i32
          %dma_wait3A_40 = tpu.memref_slice %arg4[%arg1, %mul3A_24, %dma_wait3A] : memref<16x160x64xi32, #tpu.memory_space<hbm>> -> memref<1x16x64xi32, #tpu.memory_space<hbm>>
          %dma_wait3A_41 = tpu.memref_squeeze %dma_wait3A_40 : memref<1x16x64xi32, #tpu.memory_space<hbm>> -> memref<16x64xi32, #tpu.memory_space<hbm>>
          %dma_wait3A_42 = arith.constant 0 : i32
          %dma_wait3A_43 = tpu.memref_slice %arg4[%arg1, %mul3A_24, %dma_wait3A_42] : memref<16x160x64xi32, #tpu.memory_space<hbm>> -> memref<1x16x64xi32, #tpu.memory_space<hbm>>
          %dma_wait3A_44 = tpu.memref_squeeze %dma_wait3A_43 : memref<1x16x64xi32, #tpu.memory_space<hbm>> -> memref<16x64xi32, #tpu.memory_space<hbm>>
          tpu.wait_dma2 semaphore(%run_scoped3A : memref<!tpu.dma_semaphore, #tpu.memory_space<semaphore_mem>>) src(%dma_wait3A_44 : memref<16x64xi32, #tpu.memory_space<hbm>>) dst(%arg8 : memref<16x64xi32, #tpu.memory_space<vmem>>)
          tpu.yield
        }) : () -> ()
        %mul3A_25 = arith.constant 16 : i32
        %mul3A_26 = arith.muli %scan3A_21, %mul3A_25 : i32
        "tpu.region"() ({
          %run_scoped3A = tpu.sem_alloc : memref<!tpu.dma_semaphore, #tpu.memory_space<semaphore_mem>>
          %dma_start3A = arith.constant 0 : i32
          %dma_start3A_35 = tpu.memref_slice %arg5[%arg1, %mul3A_26, %dma_start3A] : memref<16x160x64xi32, #tpu.memory_space<hbm>> -> memref<1x16x64xi32, #tpu.memory_space<hbm>>
          %dma_start3A_36 = tpu.memref_squeeze %dma_start3A_35 : memref<1x16x64xi32, #tpu.memory_space<hbm>> -> memref<16x64xi32, #tpu.memory_space<hbm>>
          %dma_start3A_37 = arith.constant 0 : i32
          %dma_start3A_38 = tpu.memref_slice %arg5[%arg1, %mul3A_26, %dma_start3A_37] : memref<16x160x64xi32, #tpu.memory_space<hbm>> -> memref<1x16x64xi32, #tpu.memory_space<hbm>>
          %dma_start3A_39 = tpu.memref_squeeze %dma_start3A_38 : memref<1x16x64xi32, #tpu.memory_space<hbm>> -> memref<16x64xi32, #tpu.memory_space<hbm>>
          tpu.enqueue_dma source(%dma_start3A_39 : memref<16x64xi32, #tpu.memory_space<hbm>>) target(%arg9 : memref<16x64xi32, #tpu.memory_space<vmem>>) target_semaphore(%run_scoped3A : memref<!tpu.dma_semaphore, #tpu.memory_space<semaphore_mem>>)
          %dma_wait3A = arith.constant 0 : i32
          %dma_wait3A_40 = tpu.memref_slice %arg5[%arg1, %mul3A_26, %dma_wait3A] : memref<16x160x64xi32, #tpu.memory_space<hbm>> -> memref<1x16x64xi32, #tpu.memory_space<hbm>>
          %dma_wait3A_41 = tpu.memref_squeeze %dma_wait3A_40 : memref<1x16x64xi32, #tpu.memory_space<hbm>> -> memref<16x64xi32, #tpu.memory_space<hbm>>
          %dma_wait3A_42 = arith.constant 0 : i32
          %dma_wait3A_43 = tpu.memref_slice %arg5[%arg1, %mul3A_26, %dma_wait3A_42] : memref<16x160x64xi32, #tpu.memory_space<hbm>> -> memref<1x16x64xi32, #tpu.memory_space<hbm>>
          %dma_wait3A_44 = tpu.memref_squeeze %dma_wait3A_43 : memref<1x16x64xi32, #tpu.memory_space<hbm>> -> memref<16x64xi32, #tpu.memory_space<hbm>>
          tpu.wait_dma2 semaphore(%run_scoped3A : memref<!tpu.dma_semaphore, #tpu.memory_space<semaphore_mem>>) src(%dma_wait3A_44 : memref<16x64xi32, #tpu.memory_space<hbm>>) dst(%arg9 : memref<16x64xi32, #tpu.memory_space<vmem>>)
          tpu.yield
        }) : () -> ()
        %scan3A_27 = arith.constant 0 : i32
        %scan3A_28 = arith.constant 0 : i32
        %scan3A_29 = arith.constant 8 : i32
        %scan3A_30 = arith.addi %scan3A_28, %scan3A_29 : i32
        %scan3A_31 = arith.constant 1 : i32
        %scan3A_32 = scf.for %scan3A_35 = %scan3A_28 to %scan3A_30 step %scan3A_31 iter_args(%scan3A_36 = %scan3A_27) -> (i32)  : i32 {
          %mul3A_37 = arith.constant 2 : i32
          %mul3A_38 = arith.muli %mul3A_37, %scan3A_35 : i32
          %dma_start3A = arith.constant 0 : i32
          %dma_start3A_39 = tpu.memref_slice %arg8[%mul3A_38, %dma_start3A] : memref<16x64xi32, #tpu.memory_space<vmem>> -> memref<1x64xi32, #tpu.memory_space<vmem>>
          %dma_start3A_40 = tpu.memref_squeeze %dma_start3A_39 : memref<1x64xi32, #tpu.memory_space<vmem>> -> memref<64xi32, #tpu.memory_space<vmem>>
          %dma_start3A_41 = arith.constant 0 : i32
          %dma_start3A_42 = arith.constant 0 : i32
          %dma_start3A_43 = tpu.memref_slice %arg3[%dma_start3A_41, %dma_start3A_42] : memref<10240x128xf32, #tpu.memory_space<hbm>> -> memref<10240x128xf32, #tpu.memory_space<hbm>>
          tpu.enqueue_indirect_dma source(%dma_start3A_43 : memref<10240x128xf32, #tpu.memory_space<hbm>>) target(%arg10 : memref<64x128xf32, #tpu.memory_space<vmem>>) offsets(%dma_start3A_40 : memref<64xi32, #tpu.memory_space<vmem>>) semaphore(%arg13 : memref<!tpu.dma_semaphore, #tpu.memory_space<semaphore_mem>>)
          %add3A = arith.constant 1 : i32
          %add3A_44 = arith.addi %mul3A_38, %add3A : i32
          %dma_start3A_45 = arith.constant 0 : i32
          %dma_start3A_46 = tpu.memref_slice %arg8[%add3A_44, %dma_start3A_45] : memref<16x64xi32, #tpu.memory_space<vmem>> -> memref<1x64xi32, #tpu.memory_space<vmem>>
          %dma_start3A_47 = tpu.memref_squeeze %dma_start3A_46 : memref<1x64xi32, #tpu.memory_space<vmem>> -> memref<64xi32, #tpu.memory_space<vmem>>
          %dma_start3A_48 = arith.constant 0 : i32
          %dma_start3A_49 = arith.constant 0 : i32
          %dma_start3A_50 = tpu.memref_slice %arg3[%dma_start3A_48, %dma_start3A_49] : memref<10240x128xf32, #tpu.memory_space<hbm>> -> memref<10240x128xf32, #tpu.memory_space<hbm>>
          tpu.enqueue_indirect_dma source(%dma_start3A_50 : memref<10240x128xf32, #tpu.memory_space<hbm>>) target(%arg11 : memref<64x128xf32, #tpu.memory_space<vmem>>) offsets(%dma_start3A_47 : memref<64xi32, #tpu.memory_space<vmem>>) semaphore(%arg14 : memref<!tpu.dma_semaphore, #tpu.memory_space<semaphore_mem>>)
          %dma_wait3A = arith.constant 0 : i32
          %dma_wait3A_51 = tpu.memref_slice %arg8[%mul3A_38, %dma_wait3A] : memref<16x64xi32, #tpu.memory_space<vmem>> -> memref<1x64xi32, #tpu.memory_space<vmem>>
          %dma_wait3A_52 = tpu.memref_squeeze %dma_wait3A_51 : memref<1x64xi32, #tpu.memory_space<vmem>> -> memref<64xi32, #tpu.memory_space<vmem>>
          %dma_wait3A_53 = arith.constant 0 : i32
          %dma_wait3A_54 = arith.constant 0 : i32
          %dma_wait3A_55 = tpu.memref_slice %arg3[%dma_wait3A_53, %dma_wait3A_54] : memref<10240x128xf32, #tpu.memory_space<hbm>> -> memref<10240x128xf32, #tpu.memory_space<hbm>>
          tpu.wait_indirect_dma semaphore(%arg13 : memref<!tpu.dma_semaphore, #tpu.memory_space<semaphore_mem>>) src(%dma_wait3A_55 : memref<10240x128xf32, #tpu.memory_space<hbm>>) dst(%arg10 : memref<64x128xf32, #tpu.memory_space<vmem>>)
          "tpu.region"() ({
            %run_scoped3A = tpu.sem_alloc : memref<!tpu.dma_semaphore, #tpu.memory_space<semaphore_mem>>
            %dma_start3A_65 = arith.constant 0 : i32
            %dma_start3A_66 = tpu.memref_slice %arg9[%mul3A_38, %dma_start3A_65] : memref<16x64xi32, #tpu.memory_space<vmem>> -> memref<1x64xi32, #tpu.memory_space<vmem>>
            %dma_start3A_67 = tpu.memref_squeeze %dma_start3A_66 : memref<1x64xi32, #tpu.memory_space<vmem>> -> memref<64xi32, #tpu.memory_space<vmem>>
            %dma_start3A_68 = arith.constant 0 : i32
            %dma_start3A_69 = arith.constant 0 : i32
            %dma_start3A_70 = tpu.memref_slice %arg12[%dma_start3A_68, %dma_start3A_69] : memref<10240x128xf32, #tpu.memory_space<vmem_shared>> -> memref<10240x128xf32, #tpu.memory_space<vmem_shared>>
            tpu.enqueue_indirect_dma source(%arg10 : memref<64x128xf32, #tpu.memory_space<vmem>>) target(%dma_start3A_70 : memref<10240x128xf32, #tpu.memory_space<vmem_shared>>) offsets(%dma_start3A_67 : memref<64xi32, #tpu.memory_space<vmem>>) semaphore(%run_scoped3A : memref<!tpu.dma_semaphore, #tpu.memory_space<semaphore_mem>>) {add = true}
            %dma_wait3A_71 = arith.constant 0 : i32
            %dma_wait3A_72 = tpu.memref_slice %arg9[%mul3A_38, %dma_wait3A_71] : memref<16x64xi32, #tpu.memory_space<vmem>> -> memref<1x64xi32, #tpu.memory_space<vmem>>
            %dma_wait3A_73 = tpu.memref_squeeze %dma_wait3A_72 : memref<1x64xi32, #tpu.memory_space<vmem>> -> memref<64xi32, #tpu.memory_space<vmem>>
            %dma_wait3A_74 = arith.constant 0 : i32
            %dma_wait3A_75 = arith.constant 0 : i32
            %dma_wait3A_76 = tpu.memref_slice %arg12[%dma_wait3A_74, %dma_wait3A_75] : memref<10240x128xf32, #tpu.memory_space<vmem_shared>> -> memref<10240x128xf32, #tpu.memory_space<vmem_shared>>
            tpu.wait_indirect_dma semaphore(%run_scoped3A : memref<!tpu.dma_semaphore, #tpu.memory_space<semaphore_mem>>) src(%arg10 : memref<64x128xf32, #tpu.memory_space<vmem>>) dst(%dma_wait3A_76 : memref<10240x128xf32, #tpu.memory_space<vmem_shared>>)
            tpu.yield
          }) : () -> ()
          %dma_wait3A_56 = arith.constant 0 : i32
          %dma_wait3A_57 = tpu.memref_slice %arg8[%add3A_44, %dma_wait3A_56] : memref<16x64xi32, #tpu.memory_space<vmem>> -> memref<1x64xi32, #tpu.memory_space<vmem>>
          %dma_wait3A_58 = tpu.memref_squeeze %dma_wait3A_57 : memref<1x64xi32, #tpu.memory_space<vmem>> -> memref<64xi32, #tpu.memory_space<vmem>>
          %dma_wait3A_59 = arith.constant 0 : i32
          %dma_wait3A_60 = arith.constant 0 : i32
          %dma_wait3A_61 = tpu.memref_slice %arg3[%dma_wait3A_59, %dma_wait3A_60] : memref<10240x128xf32, #tpu.memory_space<hbm>> -> memref<10240x128xf32, #tpu.memory_space<hbm>>
          tpu.wait_indirect_dma semaphore(%arg14 : memref<!tpu.dma_semaphore, #tpu.memory_space<semaphore_mem>>) src(%dma_wait3A_61 : memref<10240x128xf32, #tpu.memory_space<hbm>>) dst(%arg11 : memref<64x128xf32, #tpu.memory_space<vmem>>)
          %add3A_62 = arith.constant 1 : i32
          %add3A_63 = arith.addi %mul3A_38, %add3A_62 : i32
          "tpu.region"() ({
            %run_scoped3A = tpu.sem_alloc : memref<!tpu.dma_semaphore, #tpu.memory_space<semaphore_mem>>
            %dma_start3A_65 = arith.constant 0 : i32
            %dma_start3A_66 = tpu.memref_slice %arg9[%add3A_63, %dma_start3A_65] : memref<16x64xi32, #tpu.memory_space<vmem>> -> memref<1x64xi32, #tpu.memory_space<vmem>>
            %dma_start3A_67 = tpu.memref_squeeze %dma_start3A_66 : memref<1x64xi32, #tpu.memory_space<vmem>> -> memref<64xi32, #tpu.memory_space<vmem>>
            %dma_start3A_68 = arith.constant 0 : i32
            %dma_start3A_69 = arith.constant 0 : i32
            %dma_start3A_70 = tpu.memref_slice %arg12[%dma_start3A_68, %dma_start3A_69] : memref<10240x128xf32, #tpu.memory_space<vmem_shared>> -> memref<10240x128xf32, #tpu.memory_space<vmem_shared>>
            tpu.enqueue_indirect_dma source(%arg11 : memref<64x128xf32, #tpu.memory_space<vmem>>) target(%dma_start3A_70 : memref<10240x128xf32, #tpu.memory_space<vmem_shared>>) offsets(%dma_start3A_67 : memref<64xi32, #tpu.memory_space<vmem>>) semaphore(%run_scoped3A : memref<!tpu.dma_semaphore, #tpu.memory_space<semaphore_mem>>) {add = true}
            %dma_wait3A_71 = arith.constant 0 : i32
            %dma_wait3A_72 = tpu.memref_slice %arg9[%add3A_63, %dma_wait3A_71] : memref<16x64xi32, #tpu.memory_space<vmem>> -> memref<1x64xi32, #tpu.memory_space<vmem>>
            %dma_wait3A_73 = tpu.memref_squeeze %dma_wait3A_72 : memref<1x64xi32, #tpu.memory_space<vmem>> -> memref<64xi32, #tpu.memory_space<vmem>>
            %dma_wait3A_74 = arith.constant 0 : i32
            %dma_wait3A_75 = arith.constant 0 : i32
            %dma_wait3A_76 = tpu.memref_slice %arg12[%dma_wait3A_74, %dma_wait3A_75] : memref<10240x128xf32, #tpu.memory_space<vmem_shared>> -> memref<10240x128xf32, #tpu.memory_space<vmem_shared>>
            tpu.wait_indirect_dma semaphore(%run_scoped3A : memref<!tpu.dma_semaphore, #tpu.memory_space<semaphore_mem>>) src(%arg11 : memref<64x128xf32, #tpu.memory_space<vmem>>) dst(%dma_wait3A_76 : memref<10240x128xf32, #tpu.memory_space<vmem_shared>>)
            tpu.yield
          }) : () -> ()
          %scan3A_64 = arith.constant 0 : i32
          scf.yield %scan3A_64 : i32
        }
        %scan3A_33 = arith.constant 8 : i32
        %scan3A_34 = arith.constant 0 : i32
        scf.yield %scan3A_34 : i32
      }
      %scan3A_15 = arith.constant 10 : i32
      %barrier3A_16 = arith.constant 0 : index
      tpu.barrier barrier_id(%barrier3A_16)
      %mul3A_17 = arith.constant 640 : i32
      %mul3A_18 = arith.muli %arg1, %mul3A_17 : i32
      %mul3A_19 = arith.constant 640 : i32
      %mul3A_20 = arith.muli %arg1, %mul3A_19 : i32
      "tpu.region"() ({
        %run_scoped3A = tpu.sem_alloc : memref<!tpu.dma_semaphore, #tpu.memory_space<semaphore_mem>>
        %dma_start3A = arith.constant 0 : i32
        %dma_start3A_21 = tpu.memref_slice %arg7[%mul3A_20, %dma_start3A] : memref<10240x128xf32, #tpu.memory_space<hbm>> -> memref<640x128xf32, #tpu.memory_space<hbm>>
        %dma_start3A_22 = arith.constant 0 : i32
        %dma_start3A_23 = tpu.memref_slice %arg12[%mul3A_18, %dma_start3A_22] : memref<10240x128xf32, #tpu.memory_space<vmem_shared>> -> memref<640x128xf32, #tpu.memory_space<vmem_shared>>
        tpu.enqueue_dma source(%dma_start3A_23 : memref<640x128xf32, #tpu.memory_space<vmem_shared>>) target(%dma_start3A_21 : memref<640x128xf32, #tpu.memory_space<hbm>>) target_semaphore(%run_scoped3A : memref<!tpu.dma_semaphore, #tpu.memory_space<semaphore_mem>>)
        %dma_wait3A = arith.constant 0 : i32
        %dma_wait3A_24 = tpu.memref_slice %arg7[%mul3A_20, %dma_wait3A] : memref<10240x128xf32, #tpu.memory_space<hbm>> -> memref<640x128xf32, #tpu.memory_space<hbm>>
        %dma_wait3A_25 = arith.constant 0 : i32
        %dma_wait3A_26 = tpu.memref_slice %arg12[%mul3A_18, %dma_wait3A_25] : memref<10240x128xf32, #tpu.memory_space<vmem_shared>> -> memref<640x128xf32, #tpu.memory_space<vmem_shared>>
        tpu.wait_dma2 semaphore(%run_scoped3A : memref<!tpu.dma_semaphore, #tpu.memory_space<semaphore_mem>>) src(%dma_wait3A_26 : memref<640x128xf32, #tpu.memory_space<vmem_shared>>) dst(%dma_wait3A_24 : memref<640x128xf32, #tpu.memory_space<hbm>>)
        tpu.yield
      }) : () -> ()
    } else {
    }
    return
  }
}

module attributes {stable_mosaic.version = 14 : i64} {
  func.func @_mm1_body(%arg0: i32, %arg1: memref<512x256xf32, #tpu.memory_space<vmem>>, %arg2: memref<256x256xf32, #tpu.memory_space<vmem>>, %arg3: memref<2x512xf32, #tpu.memory_space<vmem>>, %arg4: memref<512x128xf32, #tpu.memory_space<vmem>>, %arg5: memref<512x128xf32, #tpu.memory_space<vmem>>, %arg6: memref<1x512xf32, #tpu.memory_space<vmem>>) attributes {dimension_semantics = [#tpu.dimension_semantics<arbitrary>], iteration_bounds = array<i64: 20>, scalar_prefetch = 0 : i64, scratch_operands = 0 : i64, tpu.core_type = #tpu.core_type<tc>, window_params = [{transform_indices = @transform_0, window_bounds = array<i64: 512, 256>}, {pipeline_mode = #tpu.pipeline_mode<synchronous>, transform_indices = @transform_1, window_bounds = array<i64: 256, 256>}, {transform_indices = @transform_2, window_bounds = array<i64: 2, 512>}, {transform_indices = @transform_3, window_bounds = array<i64: 512, 128>}, {transform_indices = @transform_4, window_bounds = array<i64: 512, 128>}, {transform_indices = @transform_5, window_bounds = array<i64: 1, 512>}]} {
    %get3A = arith.constant 0 : index
    %get3A_0 = arith.constant 0 : index
    %get3A_1 = vector.load %arg3[%get3A, %get3A_0] : memref<2x512xf32, #tpu.memory_space<vmem>>, vector<1x512xf32>
    %get3A_2 = vector.shape_cast %get3A_1 : vector<1x512xf32> to vector<512xf32>
    %get3A_3 = arith.constant 1 : index
    %get3A_4 = arith.constant 0 : index
    %get3A_5 = vector.load %arg3[%get3A_3, %get3A_4] : memref<2x512xf32, #tpu.memory_space<vmem>>, vector<1x512xf32>
    %get3A_6 = vector.shape_cast %get3A_5 : vector<1x512xf32> to vector<512xf32>
    %add3A = arith.addf %get3A_2, %get3A_6 : vector<512xf32>
    %rsqrt3A = math.rsqrt %add3A : vector<512xf32>
    %get3A_7 = arith.constant 0 : index
    %get3A_8 = arith.constant 0 : index
    %get3A_9 = vector.load %arg1[%get3A_7, %get3A_8] : memref<512x256xf32, #tpu.memory_space<vmem>>, vector<512x256xf32>
    %get3A_10 = arith.constant 0 : index
    %get3A_11 = arith.constant 0 : index
    %get3A_12 = vector.load %arg2[%get3A_10, %get3A_11] : memref<256x256xf32, #tpu.memory_space<vmem>>, vector<256x256xf32>
    %dot_general3A = arith.constant dense<0.000000e+00> : vector<512x256xf32>
    %dot_general3A_13 = tpu.matmul %get3A_9, %get3A_12, %dot_general3A {dimension_numbers = #tpu.dot_dimension_numbers<[1], [0], [0], [1], [0, 0, 1, 1], [], []>, transpose_lhs_hint = false} : vector<512x256xf32>, vector<256x256xf32>, vector<512x256xf32> -> vector<512x256xf32>
    %broadcast_in_dim3A = vector.shape_cast %rsqrt3A : vector<512xf32> to vector<512x1xf32>
    %mul3A = vector.broadcast %broadcast_in_dim3A : vector<512x1xf32> to vector<512x256xf32>
    %mul3A_14 = arith.mulf %dot_general3A_13, %mul3A : vector<512x256xf32>
    %slice3A = vector.extract_strided_slice %mul3A_14 {offsets = [0, 0], sizes = [512, 128], strides = [1, 1]} : vector<512x256xf32> to vector<512x128xf32>
    %swap3A = arith.constant 0 : index
    %swap3A_15 = arith.constant 0 : index
    %swap3A_16 = vector.load %arg4[%swap3A, %swap3A_15] : memref<512x128xf32, #tpu.memory_space<vmem>>, vector<512x128xf32>
    tpu.vector_store %arg4[%swap3A, %swap3A_15], %slice3A {strides = array<i32>} : memref<512x128xf32, #tpu.memory_space<vmem>>, vector<512x128xf32>,
    %slice3A_17 = vector.extract_strided_slice %mul3A_14 {offsets = [0, 128], sizes = [512, 128], strides = [1, 1]} : vector<512x256xf32> to vector<512x128xf32>
    %swap3A_18 = arith.constant 0 : index
    %swap3A_19 = arith.constant 0 : index
    %swap3A_20 = vector.load %arg5[%swap3A_18, %swap3A_19] : memref<512x128xf32, #tpu.memory_space<vmem>>, vector<512x128xf32>
    tpu.vector_store %arg5[%swap3A_18, %swap3A_19], %slice3A_17 {strides = array<i32>} : memref<512x128xf32, #tpu.memory_space<vmem>>, vector<512x128xf32>,
    %broadcast_in_dim3A_21 = vector.shape_cast %rsqrt3A : vector<512xf32> to vector<1x512xf32>
    %swap3A_22 = arith.constant 0 : index
    %swap3A_23 = arith.constant 0 : index
    %swap3A_24 = vector.load %arg6[%swap3A_22, %swap3A_23] : memref<1x512xf32, #tpu.memory_space<vmem>>, vector<1x512xf32>
    tpu.vector_store %arg6[%swap3A_22, %swap3A_23], %broadcast_in_dim3A_21 {strides = array<i32>} : memref<1x512xf32, #tpu.memory_space<vmem>>, vector<1x512xf32>,
    return
  }
  func.func @transform_0(%arg0: i32) -> (i32, i32) {
    %c0_i32 = arith.constant 0 : i32
    %c0_i32_0 = arith.constant 0 : i32
    return %arg0, %c0_i32 : i32, i32
  }
  func.func @transform_1(%arg0: i32) -> (i32, i32) {
    %c0_i32 = arith.constant 0 : i32
    %c0_i32_0 = arith.constant 0 : i32
    %c0_i32_1 = arith.constant 0 : i32
    return %c0_i32, %c0_i32_0 : i32, i32
  }
  func.func @transform_2(%arg0: i32) -> (i32, i32) {
    %c0_i32 = arith.constant 0 : i32
    %c0_i32_0 = arith.constant 0 : i32
    return %c0_i32, %arg0 : i32, i32
  }
  func.func @transform_3(%arg0: i32) -> (i32, i32) {
    %c0_i32 = arith.constant 0 : i32
    %c0_i32_0 = arith.constant 0 : i32
    return %arg0, %c0_i32 : i32, i32
  }
  func.func @transform_4(%arg0: i32) -> (i32, i32) {
    %c0_i32 = arith.constant 0 : i32
    %c0_i32_0 = arith.constant 0 : i32
    return %arg0, %c0_i32 : i32, i32
  }
  func.func @transform_5(%arg0: i32) -> (i32, i32) {
    %c0_i32 = arith.constant 0 : i32
    %c0_i32_0 = arith.constant 0 : i32
    return %c0_i32, %arg0 : i32, i32
  }
}

module attributes {stable_mosaic.version = 14 : i64} {
  func.func @_mid_body(%arg0: i32, %arg1: memref<512x128xf32, #tpu.memory_space<vmem>>, %arg2: memref<512x128xf32, #tpu.memory_space<vmem>>, %arg3: memref<1x512xf32, #tpu.memory_space<vmem>>, %arg4: memref<1x256xf32, #tpu.memory_space<vmem>>, %arg5: memref<256x256xf32, #tpu.memory_space<vmem>>, %arg6: memref<512x128xf32, #tpu.memory_space<vmem>>, %arg7: memref<512x128xf32, #tpu.memory_space<vmem>>) attributes {dimension_semantics = [#tpu.dimension_semantics<arbitrary>], iteration_bounds = array<i64: 20>, scalar_prefetch = 0 : i64, scratch_operands = 0 : i64, tpu.core_type = #tpu.core_type<tc>, window_params = [{transform_indices = @transform_0, window_bounds = array<i64: 512, 128>}, {transform_indices = @transform_1, window_bounds = array<i64: 512, 128>}, {transform_indices = @transform_2, window_bounds = array<i64: 1, 512>}, {pipeline_mode = #tpu.pipeline_mode<synchronous>, transform_indices = @transform_3, window_bounds = array<i64: 1, 256>}, {pipeline_mode = #tpu.pipeline_mode<synchronous>, transform_indices = @transform_4, window_bounds = array<i64: 256, 256>}, {transform_indices = @transform_5, window_bounds = array<i64: 512, 128>}, {transform_indices = @transform_6, window_bounds = array<i64: 512, 128>}]} {
    %get3A = arith.constant 0 : index
    %get3A_0 = arith.constant 0 : index
    %get3A_1 = vector.load %arg3[%get3A, %get3A_0] : memref<1x512xf32, #tpu.memory_space<vmem>>, vector<1x512xf32>
    %get3A_2 = vector.shape_cast %get3A_1 : vector<1x512xf32> to vector<512xf32>
    %get3A_3 = arith.constant 0 : index
    %get3A_4 = arith.constant 0 : index
    %get3A_5 = vector.load %arg1[%get3A_3, %get3A_4] : memref<512x128xf32, #tpu.memory_space<vmem>>, vector<512x128xf32>
    %get3A_6 = arith.constant 0 : index
    %get3A_7 = arith.constant 0 : index
    %get3A_8 = vector.load %arg2[%get3A_6, %get3A_7] : memref<512x128xf32, #tpu.memory_space<vmem>>, vector<512x128xf32>
    %concatenate3A = tpu.concatenate %get3A_5, %get3A_8 in 1 : vector<512x128xf32>, vector<512x128xf32> -> vector<512x256xf32>
    %broadcast_in_dim3A = vector.shape_cast %get3A_2 : vector<512xf32> to vector<512x1xf32>
    %mul3A = vector.broadcast %broadcast_in_dim3A : vector<512x1xf32> to vector<512x256xf32>
    %mul3A_9 = arith.mulf %concatenate3A, %mul3A : vector<512x256xf32>
    %get3A_10 = arith.constant 0 : index
    %get3A_11 = arith.constant 0 : index
    %get3A_12 = vector.load %arg4[%get3A_10, %get3A_11] : memref<1x256xf32, #tpu.memory_space<vmem>>, vector<1x256xf32>
    %add3A = vector.broadcast %get3A_12 : vector<1x256xf32> to vector<512x256xf32>
    %add3A_13 = arith.addf %mul3A_9, %add3A : vector<512x256xf32>
    %max3A = arith.constant 0.000000e+00 : f32
    %max3A_14 = vector.broadcast %max3A : f32 to vector<512x256xf32>
    %max3A_15 = arith.maximumf %add3A_13, %max3A_14 : vector<512x256xf32>
    %get3A_16 = arith.constant 0 : index
    %get3A_17 = arith.constant 0 : index
    %get3A_18 = vector.load %arg5[%get3A_16, %get3A_17] : memref<256x256xf32, #tpu.memory_space<vmem>>, vector<256x256xf32>
    %dot_general3A = arith.constant dense<0.000000e+00> : vector<512x256xf32>
    %dot_general3A_19 = tpu.matmul %max3A_15, %get3A_18, %dot_general3A {dimension_numbers = #tpu.dot_dimension_numbers<[1], [0], [0], [1], [0, 0, 1, 1], [], []>, transpose_lhs_hint = false} : vector<512x256xf32>, vector<256x256xf32>, vector<512x256xf32> -> vector<512x256xf32>
    %broadcast_in_dim3A_20 = vector.shape_cast %get3A_2 : vector<512xf32> to vector<512x1xf32>
    %mul3A_21 = vector.broadcast %broadcast_in_dim3A_20 : vector<512x1xf32> to vector<512x256xf32>
    %mul3A_22 = arith.mulf %dot_general3A_19, %mul3A_21 : vector<512x256xf32>
    %slice3A = vector.extract_strided_slice %mul3A_22 {offsets = [0, 0], sizes = [512, 128], strides = [1, 1]} : vector<512x256xf32> to vector<512x128xf32>
    %swap3A = arith.constant 0 : index
    %swap3A_23 = arith.constant 0 : index
    %swap3A_24 = vector.load %arg6[%swap3A, %swap3A_23] : memref<512x128xf32, #tpu.memory_space<vmem>>, vector<512x128xf32>
    tpu.vector_store %arg6[%swap3A, %swap3A_23], %slice3A {strides = array<i32>} : memref<512x128xf32, #tpu.memory_space<vmem>>, vector<512x128xf32>,
    %slice3A_25 = vector.extract_strided_slice %mul3A_22 {offsets = [0, 128], sizes = [512, 128], strides = [1, 1]} : vector<512x256xf32> to vector<512x128xf32>
    %swap3A_26 = arith.constant 0 : index
    %swap3A_27 = arith.constant 0 : index
    %swap3A_28 = vector.load %arg7[%swap3A_26, %swap3A_27] : memref<512x128xf32, #tpu.memory_space<vmem>>, vector<512x128xf32>
    tpu.vector_store %arg7[%swap3A_26, %swap3A_27], %slice3A_25 {strides = array<i32>} : memref<512x128xf32, #tpu.memory_space<vmem>>, vector<512x128xf32>,
    return
  }
  func.func @transform_0(%arg0: i32) -> (i32, i32) {
    %c0_i32 = arith.constant 0 : i32
    %c0_i32_0 = arith.constant 0 : i32
    return %arg0, %c0_i32 : i32, i32
  }
  func.func @transform_1(%arg0: i32) -> (i32, i32) {
    %c0_i32 = arith.constant 0 : i32
    %c0_i32_0 = arith.constant 0 : i32
    return %arg0, %c0_i32 : i32, i32
  }
  func.func @transform_2(%arg0: i32) -> (i32, i32) {
    %c0_i32 = arith.constant 0 : i32
    %c0_i32_0 = arith.constant 0 : i32
    return %c0_i32, %arg0 : i32, i32
  }
  func.func @transform_3(%arg0: i32) -> (i32, i32) {
    %c0_i32 = arith.constant 0 : i32
    %c0_i32_0 = arith.constant 0 : i32
    %c0_i32_1 = arith.constant 0 : i32
    return %c0_i32, %c0_i32_0 : i32, i32
  }
  func.func @transform_4(%arg0: i32) -> (i32, i32) {
    %c0_i32 = arith.constant 0 : i32
    %c0_i32_0 = arith.constant 0 : i32
    %c0_i32_1 = arith.constant 0 : i32
    return %c0_i32, %c0_i32_0 : i32, i32
  }
  func.func @transform_5(%arg0: i32) -> (i32, i32) {
    %c0_i32 = arith.constant 0 : i32
    %c0_i32_0 = arith.constant 0 : i32
    return %arg0, %c0_i32 : i32, i32
  }
  func.func @transform_6(%arg0: i32) -> (i32, i32) {
    %c0_i32 = arith.constant 0 : i32
    %c0_i32_0 = arith.constant 0 : i32
    return %arg0, %c0_i32 : i32, i32
  }
}

module attributes {stable_mosaic.version = 14 : i64} {
  func.func @_fin_body(%arg0: i32, %arg1: memref<512x128xf32, #tpu.memory_space<vmem>>, %arg2: memref<512x128xf32, #tpu.memory_space<vmem>>, %arg3: memref<1x512xf32, #tpu.memory_space<vmem>>, %arg4: memref<1x256xf32, #tpu.memory_space<vmem>>, %arg5: memref<512x256xf32, #tpu.memory_space<vmem>>) attributes {dimension_semantics = [#tpu.dimension_semantics<arbitrary>], iteration_bounds = array<i64: 20>, scalar_prefetch = 0 : i64, scratch_operands = 0 : i64, tpu.core_type = #tpu.core_type<tc>, window_params = [{transform_indices = @transform_0, window_bounds = array<i64: 512, 128>}, {transform_indices = @transform_1, window_bounds = array<i64: 512, 128>}, {transform_indices = @transform_2, window_bounds = array<i64: 1, 512>}, {pipeline_mode = #tpu.pipeline_mode<synchronous>, transform_indices = @transform_3, window_bounds = array<i64: 1, 256>}, {transform_indices = @transform_4, window_bounds = array<i64: 512, 256>}]} {
    %get3A = arith.constant 0 : index
    %get3A_0 = arith.constant 0 : index
    %get3A_1 = vector.load %arg3[%get3A, %get3A_0] : memref<1x512xf32, #tpu.memory_space<vmem>>, vector<1x512xf32>
    %get3A_2 = vector.shape_cast %get3A_1 : vector<1x512xf32> to vector<512xf32>
    %get3A_3 = arith.constant 0 : index
    %get3A_4 = arith.constant 0 : index
    %get3A_5 = vector.load %arg1[%get3A_3, %get3A_4] : memref<512x128xf32, #tpu.memory_space<vmem>>, vector<512x128xf32>
    %get3A_6 = arith.constant 0 : index
    %get3A_7 = arith.constant 0 : index
    %get3A_8 = vector.load %arg2[%get3A_6, %get3A_7] : memref<512x128xf32, #tpu.memory_space<vmem>>, vector<512x128xf32>
    %concatenate3A = tpu.concatenate %get3A_5, %get3A_8 in 1 : vector<512x128xf32>, vector<512x128xf32> -> vector<512x256xf32>
    %broadcast_in_dim3A = vector.shape_cast %get3A_2 : vector<512xf32> to vector<512x1xf32>
    %mul3A = vector.broadcast %broadcast_in_dim3A : vector<512x1xf32> to vector<512x256xf32>
    %mul3A_9 = arith.mulf %concatenate3A, %mul3A : vector<512x256xf32>
    %get3A_10 = arith.constant 0 : index
    %get3A_11 = arith.constant 0 : index
    %get3A_12 = vector.load %arg4[%get3A_10, %get3A_11] : memref<1x256xf32, #tpu.memory_space<vmem>>, vector<1x256xf32>
    %add3A = vector.broadcast %get3A_12 : vector<1x256xf32> to vector<512x256xf32>
    %add3A_13 = arith.addf %mul3A_9, %add3A : vector<512x256xf32>
    %swap3A = arith.constant 0 : index
    %swap3A_14 = arith.constant 0 : index
    %swap3A_15 = vector.load %arg5[%swap3A, %swap3A_14] : memref<512x256xf32, #tpu.memory_space<vmem>>, vector<512x256xf32>
    tpu.vector_store %arg5[%swap3A, %swap3A_14], %add3A_13 {strides = array<i32>} : memref<512x256xf32, #tpu.memory_space<vmem>>, vector<512x256xf32>,
    return
  }
  func.func @transform_0(%arg0: i32) -> (i32, i32) {
    %c0_i32 = arith.constant 0 : i32
    %c0_i32_0 = arith.constant 0 : i32
    return %arg0, %c0_i32 : i32, i32
  }
  func.func @transform_1(%arg0: i32) -> (i32, i32) {
    %c0_i32 = arith.constant 0 : i32
    %c0_i32_0 = arith.constant 0 : i32
    return %arg0, %c0_i32 : i32, i32
  }
  func.func @transform_2(%arg0: i32) -> (i32, i32) {
    %c0_i32 = arith.constant 0 : i32
    %c0_i32_0 = arith.constant 0 : i32
    return %c0_i32, %arg0 : i32, i32
  }
  func.func @transform_3(%arg0: i32) -> (i32, i32) {
    %c0_i32 = arith.constant 0 : i32
    %c0_i32_0 = arith.constant 0 : i32
    %c0_i32_1 = arith.constant 0 : i32
    return %c0_i32, %c0_i32_0 : i32, i32
  }
  func.func @transform_4(%arg0: i32) -> (i32, i32) {
    %c0_i32 = arith.constant 0 : i32
    %c0_i32_0 = arith.constant 0 : i32
    return %arg0, %c0_i32 : i32, i32
  }
}

</mosaic_0001>

<sc_bundles>
// kernel: kernel.11.cloned.1.call-start
scs
__scs_entry_jumppad:
0x0: {  	(pc) =	sbr.rel $0x88, $3  }
0x1: {  	(tag) =	ssettag $0x0;
	lr =	simm.s32 $0x1  }
0x2: {  	[smem:$0x3F9B] =	sst lr;
	_ =	strace $0xD0000000  }
0x3: {  	_ = 	snop  }
0x4: {  	_ = 	snop  }
0x5: {  	_ = 	snop  }
0x6: {  	_ = 	snop  }
0x7: {  	_ = 	snop  }
__scs_overlays_trampoline_lowered:
0x8: {  	[smem:$0x3FAA] =	sst s0  }
0x9: {  	[smem:$0x3FAB] =	sst s1  }
0xa: {  	[smem:$0x3FAC] =	sst s2  }
0xb: {  	[smem:$0x3FAD] =	sst s3  }
0xc: {  	[smem:$0x3FAE] =	sst s4  }
0xd: {  	[smem:$0x3FAF] =	sst s5  }
0xe: {  	[smem:$0x3FB0] =	sst s6  }
0xf: {  	[smem:$0x3FB1] =	sst s7  }
0x10: {  	[smem:$0x3FB2] =	sst s8  }
0x11: {  	[smem:$0x3FB3] =	sst s9;
	s0 =	simm.s32 @!p0 $0x0  }
0x12: {  	s1 =	sld [smem:$0x3F99];
	s0 =	simm.s32 @p0 $0x1  }
0x13: {  	[smem:$0x3FB4] =	sst s0;
	s0 =	simm.s32 @!p1 $0x0  }
0x14: {  	s2 =	sld [smem:$0x3F98];
	s0 =	simm.s32 @p1 $0x1  }
0x15: {  	[smem:$0x3FB5] =	sst s0;
	s0 =	simm.s32 @!p2 $0x0  }
0x16: {  	s3 =	sld [smem:$0x3FDB];
	s0 =	simm.s32 @p2 $0x1  }
0x17: {  	s4 =	simm.s32 $0x1BF5;
	[smem:$0x3FB7] =	sst s0  }
0x18: {  	s0 =	sld [smem:$0x3F9A];
	_ =	swait.ge [sflag:s4], $0x0  }
0x19: {  	s7 =	sld [smem:$0x3F9B]  }
0x1a: {  	s8 =	sadd.s32 $0xFFFFE003, lr  }
0x1b: {  	s9 =	sadd.s32 $0xFFFFFEF7, lr;
	s5 =	simm.s32 $0xFFFFFFFF;
	p2 =	slt.u32 s8, $0xFFFFF086  }
0x1c: {  	p1 =	slt.u32 s9, $0xF7A;
	s5 =	simm.s32 @!p2 $0x0  }
0x1d: {  	s5 =	simm.s32 @p1 $0x1;
	p0 =	seq.s32 s7, s2  }
0x1e: {  	s7 =	smul.u32 @!p0 $0xF7A, s2;
	p2 =	seq.s32 @!p0 s5, $0x0  }
0x1f: {  	s9 =	smul.u32 $0xF7A, s1;
	s8 =	simm.s32 @!p0 $0x1BF5;
	p2 =	por !p2, p0  }
0x20: {  	[sflag:s8] =	ssyncset.s32 @!p0 $0xFFFFF086;
	s6 =	sadd.s32 @!p0 s3, s7;
	s7 =	simm.s32 @!p0 $0x108  }
0x21: {  	s3 =	sadd.s32 s3, s9;
	s6 =	sadd.s32 @!p0 $0x88, s6;
	s7 =	simm.s32 @p2 $0x1082  }
0x22: {  	[simem:s7], [sflag:s8] =	dma.local @!p0 [hbm:s6], $0xF7A  }
0x23: {  	s9 =	sor.u32 $0xD0000000, s2;
	s6 =	simm.s32 $0x108;
	_ =	swait.ge @!p0 [sflag:s8], $0x0  }
0x24: {  	s3 =	sadd.s32 $0x88, s3;
	s6 =	simm.s32 @!p1 $0x1082;
	[sflag:s4] =	ssyncset.s32 $0xFFFFF086  }
0x25: {  	[simem:s6], [sflag:s4] =	dma.local [hbm:s3], $0xF7A  }
0x26: {  	[smem:$0x3F9B] =	sst s1;
	(tag) =	ssettag s2;
	_ =	strace s9  }
0x27: {  	s1 =	sld [smem:$0x3FAB]  }
0x28: {  	s2 =	sld [smem:$0x3FAC]  }
0x29: {  	s4 =	sld [smem:$0x3FAE]  }
0x2a: {  	p0 =	seq.s32 s5, $0x0;
	s5 =	sld [smem:$0x3FAF]  }
0x2b: {  	s6 =	sld [smem:$0x3FB0]  }
0x2c: {  	s7 =	sld [smem:$0x3FB1]  }
0x2d: {  	s3 =	simm.s32 $0x108;
	s8 =	sld [smem:$0x3FB2]  }
0x2e: {  	s3 =	simm.s32 @!p0 $0x1082;
	s9 =	sld [smem:$0x3FB3]  }
0x2f: {  	lr =	sadd.s32 s0, s3;
	s0 =	sld [smem:$0x3FAA]  }
0x30: {  	s3 =	sld [smem:$0x3FAD]  }
0x31: {  	[smem:$0x3FB6] =	sst s10  }
0x32: {  	s10 =	sld [smem:$0x3FB4];
	_ =	sdelay $0x3  }
0x33: {  	p0 =	seq.s32 s10, $0x1;
	s10 =	sld [smem:$0x3FB6];
	_ =	sdelay $0x3  }
0x34: {  	[smem:$0x3FB6] =	sst s10  }
0x35: {  	s10 =	sld [smem:$0x3FB5];
	_ =	sdelay $0x3  }
0x36: {  	p1 =	seq.s32 s10, $0x1;
	s10 =	sld [smem:$0x3FB6];
	_ =	sdelay $0x3  }
0x37: {  	[smem:$0x3FB6] =	sst s10  }
0x38: {  	s10 =	sld [smem:$0x3FB7]  }
0x39: {  	_ = 	snop;
	(pc) =	sbr.ind lr, $3  }
0x3a: {  	_ = 	snop  }
0x3b: {  	_ = 	snop  }
0x3c: {  	p2 =	seq.s32 s10, $0x1;
	s10 =	sld [smem:$0x3FB6]  }
0x3d: {  	_ =	shalt  }
0x3e: {  	_ =	shalt  }
0x3f: {  	_ =	shalt  }
0x40: {  	_ =	shalt  }
0x41: {  	_ =	shalt  }
0x42: {  	_ =	shalt  }
0x43: {  	_ =	shalt  }
0x44: {  	_ =	shalt  }
0x45: {  	_ =	shalt  }
0x46: {  	_ =	shalt  }
0x47: {  	_ =	shalt  }
0x48: {  	_ =	shalt  }
0x49: {  	_ =	shalt  }
0x4a: {  	_ =	shalt  }
0x4b: {  	_ =	shalt  }
0x4c: {  	_ =	shalt  }
0x4d: {  	_ =	shalt  }
0x4e: {  	_ =	shalt  }
0x4f: {  	_ =	shalt  }
0x50: {  	_ =	shalt  }
0x51: {  	_ =	shalt  }
0x52: {  	_ =	shalt  }
0x53: {  	_ =	shalt  }
0x54: {  	_ =	shalt  }
0x55: {  	_ =	shalt  }
0x56: {  	_ =	shalt  }
0x57: {  	_ =	shalt  }
0x58: {  	_ =	shalt  }
0x59: {  	_ =	shalt  }
0x5a: {  	_ =	shalt  }
0x5b: {  	_ =	shalt  }
0x5c: {  	_ =	shalt  }
0x5d: {  	_ =	shalt  }
0x5e: {  	_ =	shalt  }
0x5f: {  	_ =	shalt  }
0x60: {  	_ =	shalt  }
0x61: {  	_ =	shalt  }
0x62: {  	_ =	shalt  }
0x63: {  	_ =	shalt  }
0x64: {  	_ =	shalt  }
0x65: {  	_ =	shalt  }
0x66: {  	_ =	shalt  }
0x67: {  	_ =	shalt  }
0x68: {  	_ =	shalt  }
0x69: {  	_ =	shalt  }
0x6a: {  	_ =	shalt  }
0x6b: {  	_ =	shalt  }
0x6c: {  	_ =	shalt  }
0x6d: {  	_ =	shalt  }
0x6e: {  	_ =	shalt  }
0x6f: {  	_ =	shalt  }
0x70: {  	_ =	shalt  }
0x71: {  	_ =	shalt  }
0x72: {  	_ =	shalt  }
0x73: {  	_ =	shalt  }
0x74: {  	_ =	shalt  }
0x75: {  	_ =	shalt  }
0x76: {  	_ =	shalt  }
0x77: {  	_ =	shalt  }
0x78: {  	_ =	shalt  }
0x79: {  	_ =	shalt  }
0x7a: {  	_ =	shalt  }
0x7b: {  	_ =	shalt  }
0x7c: {  	_ =	shalt  }
0x7d: {  	_ =	shalt  }
0x7e: {  	_ =	shalt  }
0x7f: {  	_ =	shalt  }
0x80: {  	_ =	shalt  }
0x81: {  	_ =	shalt  }
0x82: {  	_ =	shalt  }
0x83: {  	_ =	shalt  }
0x84: {  	_ =	shalt  }
0x85: {  	_ =	shalt  }
0x86: {  	_ =	shalt  }
0x87: {  	_ =	shalt  }
.Lfunc_end0:
.L_simem_size_0:
called_computation.1_lowered:
.L_overlay_start_0:
0x88: {  	s2 =	sld [smem:$0x3FD9]  }
0x89: {  	s3 =	sld [smem:$0x3FFE];
	_ =	sdelay $0x1  }
0x8a: {  	s1 =	srdreg.scid  }
0x8b: {  	s0 =	sand.u32 $0x1, s1  }
0x8c: {  	s17 =	sshll.u32 s0, $0xA;
	s2 =	sadd.s32 s3, s2  }
0x8d: {  	s2 =	sadd.s32 s2, s17  }
0x8e: {  	[smem:$0x3FC2] =	sst s2  }
0x8f: {  	_ = 	snop  }
0x90: {  	s2 =	sld [smem:$0x3FD0];
	(tm) =	ssettm $0x1  }
0x91: {  	s18 =	sld [smem:$0x3FFB];
	_ =	sdelay $0x3  }
0x92: {  	_ =	strace s18  }
0x93: {  	s3 =	sld [smem:$0x3FFC];
	_ =	sdelay $0x3  }
0x94: {  	_ =	strace s3  }
0x95: {  	s3 =	sld [smem:$0x3FFD];
	_ =	sdelay $0x3  }
0x96: {  	_ =	strace s3  }
0x97: {  	_ =	strace $0x8FFFFFFF  }
0x98: {  	s19 =	sld [smem:$0x3FDB];
	_ =	sdelay $0x1  }
0x99: {  	s4 =	simm.s32 $_scs_section_size  }
0x9a: {  	s5 =	simm.s32 $_size__tile_overlayer_lowered;
	s6 =	simm.s32 $_tile_overlayer_lowered  }
0x9b: {  	s22 =	simm.s32 $0x1BFF;
	s21 =	sshll.u32 s6, $0x1;
	s3 =	sadd.s32 s4, s19  }
0x9c: {  	s7 =	simm.s32 $0x0;
	s20 =	sshll.u32 s5, $0x1;
	s5 =	sadd.s32 s21, s3  }
0x9d: {  	[timem:s7], [sflag:s22] =	dma.local [hbm:s5], s20  }
0x9e: {  	_ =	swait.ge [sflag:s22], s20  }
0x9f: {  	s4 =	ssub.s32 $0x0, s20;
	[sflag:s22] =	ssyncset.done $0x0  }
0xa0: {  	[sflag:s22] =	ssyncadd.s32 s4;
	_ =	sdelay $0x1  }
0xa1: {  	s23 =	simm.s32 $0x1B8B  }
0xa2: {  	_ =	swait.ge [sflag:s23], $0x1  }
0xa3: {  	[sflag:s23] =	ssyncset.done $0x0  }
0xa4: {  	s25 =	simm.s32 $0x1B8E;
	s24 =	sld [smem:$0x3FFE];
	[sflag:s23] =	ssyncadd.s32 $0xFFFFFFFF  }
0xa5: {  	s26 =	simm.s32 $execute0_lowered;
	[smem:$0x3FD2] =	sst s25  }
0xa6: {  	s5 =	sshll.u32 s26, $0x1;
	_ =	strace $0x80000049;
	[dreg:$0x1] =	wrdreg $0xFFFFFFFF  }
0xa7: {  	s28 =	simm.s32 $_size_execute0_lowered;
	s3 =	sadd.s32 s3, s5;
	[dreg:$0x0] =	wrdreg $0x0  }
0xa8: {  	s5 =	sshll.u32 s28, $0x1;
	[dreg:$0x2] =	wrdreg s3  }
0xa9: {  	[dreg:$0x3] =	wrdreg s5  }
0xaa: {  	[dreg:$0x4] =	wrdreg $0xC0  }
0xab: {  	_ =	task [dreg:s7], $0x5FFFF  }
0xac: {  	[dreg:$0x1] =	wrdreg $0xFFFFFFFF  }
0xad: {  	[dreg:$0x0] =	wrdreg $0x60  }
0xae: {  	[dreg:$0x2] =	wrdreg s2  }
0xaf: {  	[dreg:$0x3] =	wrdreg s24  }
0xb0: {  	[dreg:$0x4] =	wrdreg $0x50000  }
0xb1: {  	[dreg:$0x5] =	wrdreg $0x9  }
0xb2: {  	_ =	task.clear_ibuf [dreg:s7], $0x6FFFF;
	_ =	strace $0x90000049  }
0xb3: {  	s29 =	simm.s32 $0x9;
	_ =	strace $0x8000004B  }
0xb4: {  	_ =	swait.ge [sflag:s29], $0x1  }
0xb5: {  	[sflag:s29] =	ssyncadd.s32 $0xFFFFFFFF  }
0xb6: {  	_ =	strace $0x9000004B  }
0xb7: {  	_ =	sfence  }
0xb8: {  	s30 =	sld [smem:$0x0];
	_ =	sdelay $0x2  }
0xb9: {  	s31 =	sshll.u32 s1, $0xD;
	s1 =	sshrl.u32 s1, $0x2  }
0xba: {  	s3 =	sand.u32 $0x4000, s31;
	s1 =	sadd.s32 s1, s30  }
0xbb: {  	s0 =	sor.u32 s3, s0;
	s1 =	sshll.u32 s1, $0x11  }
0xbc: {  	s0 =	sor.u32 s1, s0  }
0xbd: {  	s0 =	sadd.s32 $0x8F2B, s0  }
0xbe: {  	[sflag:s0] =	ssyncadd.remote.s32 $0x1  }
0xbf: {  	_ =	sfence.sel $0xFFFF  }
0xc0: {  	[dreg:$0x0] =	wrdreg $0xFFFFFFFF;
	(pc) =	sbr.abs _section_cstart, $3  }
0xc1: {  	[dreg:$0x1] =	wrdreg $0xFFFFFFFF  }
0xc2: {  	_ =	task.clear_ibuf [dreg:s7], $0x2FFFF;
	_ =	strace $0x9FFFFFFF  }
0xc3: {  	(tm) =	ssettm $0x7FFFFFFF  }
tec
execute0_lowered:
.L_overlay_start_1:
0x0: {  	(tag) =	ssettag $0x1  }
0x1: {  	s1 =	rddreg [dreg:$0x0]  }
0x2: {  	s0 =	rddreg [dreg:$0x1]  }
0x3: {  	s3 =	rddreg [dreg:$0x2];
	s4 =	simm.s32 $0x0  }
0x4: {  	s10 =	stileid.u32;
	s6 =	srdreg.scid;
	s17 =	simm.s32 $0x3  }
0x5: {  	s18 =	simm.s32 $0x800;
	s19 =	simm.s32 $0x40;
	s15 =	simm.s32 $0x80  }
0x6: {  	s12 =	simm.s32 $0x880;
	s16 =	simm.s32 $0x100;
	s28 =	simm.s32 $0x200  }
0x7: {  	s29 =	simm.s32 $0x280;
	s30 =	simm.s32 $0xA00;
	s31 =	simm.s32 $0x0  }
0x8: {  	[smem:$0x7FF] =	sst s4;
	s2 =	smul.u32 $0xA00, s10;
	s5 =	sadd.s32 $0x17600, s0  }
0x9: {  	s6 =	sand.u32 $0x1, s6;
	s8 =	smul.u32 $0x50000, s10;
	s9 =	sadd.s32 $0x3F600, s0  }
0xa: {  	s11 =	smul.u32 $0x2800, s10;
	s26 =	sshll.u32 s10, $0x6;
	s10 =	simm.s32 $0xB00  }
0xb: {  	_ =	strace $0x8000004A;
	s7 =	ssub.s32 $0x2, s6;
	[dreg:$0x4] =	wrdreg s9  }
0xc: {  	p0 =	seq.s32 s6, $0x1;
	[dreg:$0xa] =	wrdreg s26;
	s9 =	simm.s32 $0x380  }
0xd: {  	s2 =	sadd.s32 s2, s0;
	s0 =	sadd.s32 $0x67600, s0;
	[dreg:$0x5] =	wrdreg s11  }
0xe: {  	s20 =	sshrl.u32 s7, $0x1;
	s24 =	sadd.s32 s1, s11;
	[dreg:$0x6] =	wrdreg s0  }
0xf: {  	s22 =	sshrl.u32 s8, $0x2;
	s25 =	sadd.s32 s5, s11;
	[dreg:$0x7] =	wrdreg s24  }
0x10: {  	s21 =	ssub.s32 s7, s20;
	s23 =	sadd.s32 s22, s3;
	[dreg:$0x8] =	wrdreg s25  }
0x11: {  	s13 =	sadd.s32 $0x3600, s2;
	s14 =	sadd.s32 $0xD600, s2;
	s20 =	simm.s32 $0x1000  }
.Ltmp0:
0x12: {  	s22 =	simm.s32 $0x3000;
	s24 =	simm.s32 $0x2;
	(pc) =	sbr.rel .LBB2_1-.Ltmp0, $4  }
0x13: {  	s25 =	simm.s32 $0x900;
	s2 =	simm.s32 $0x300;
	s0 =	smax.u32 s21, $0x1  }
0x14: {  	s11 =	sshrl.u32 s23, $0x3;
	s23 =	simm.s32 $0x1;
	[dreg:$0x9] =	wrdreg s0  }
0x15: {  	s21 =	simm.s32 $0x180;
	s0 =	sor.u32 $0x1C03, s26;
	[dreg:$0xc] =	wrdreg s11  }
0x16: {  	s26 =	simm.s32 $0x980;
	[dreg:$0xb] =	wrdreg s0;
	s0 =	simm.s32 $0xA80  }
.LBB2_7:
0x17: {  	s7 =	sadd.s32 s8, s14;
	[sflag:s17] =	ssyncadd.s32 $0xFFFFE000  }
0x18: {  	[tilespmem:s4], [sflag:$0x3] =	stream.linear.gather [hbm4b:s7+s4], $0x800, $0x38;
	[tilespmem:$0x19000] =	vst v63  }
0x19: {  	_ =	swait.ge [sflag:s17], $0x800  }
0x1a: {  	[sflag:s17] =	ssyncset.done $0x0  }
0x1b: {  	s12 =	sadd.s32 s8, s13;
	[sflag:s17] =	ssyncadd.s32 $0xFFFFF800  }
0x1c: {  	[tilespmem:s18], [sflag:$0x3] =	stream.linear.gather [hbm4b:s12+s4], $0x800, $0x38;
	[tilespmem:$0x19000] =	vst v63  }
0x1d: {  	_ =	swait.ge [sflag:s17], $0x800  }
0x1e: {  	[sflag:s17] =	ssyncset.done $0x0  }
0x1f: {  	[sflag:s17] =	ssyncadd.s32 $0xFFFFF800  }
0x20: {  	[tilespmem:s20], [sflag:$0x1] =	stream.indirect.gather [hbm4b:s5+s19], $0x80, s4, s19, $0xb8;
	[tilespmem:$0x19000] =	vst v63  }
0x21: {  	_ = 	snop  }
0x22: {  	[tilespmem:s22], [sflag:$0x2] =	stream.indirect.gather [hbm4b:s5+s19], $0x80, s15, s19, $0xb8;
	[tilespmem:$0x19000] =	vst v63  }
0x23: {  	_ =	swait.ge [sflag:s23], $0x2000  }
0x24: {  	[sflag:s23] =	ssyncset.done $0x0  }
0x25: {  	[sflag:s23] =	ssyncadd.s32 $0xFFFFE000  }
0x26: {  	[spmem:s3] =	stream.indirect.scatter.add.f32 [tilespmem:s20], [sflag:$0x3], $0x80, s18, s19, $0xb8;
	[tilespmem:$0x19000] =	vst v63  }
0x27: {  	_ =	swait.ge [sflag:s17], $0x2000  }
0x28: {  	[sflag:s17] =	ssyncset.done $0x0  }
0x29: {  	[sflag:s17] =	ssyncadd.s32 $0xFFFFE000  }
0x2a: {  	_ =	swait.ge [sflag:s24], $0x2000  }
0x2b: {  	[sflag:s24] =	ssyncset.done $0x0  }
0x2c: {  	[sflag:s24] =	ssyncadd.s32 $0xFFFFE000  }
0x2d: {  	[spmem:s3] =	stream.indirect.scatter.add.f32 [tilespmem:s22], [sflag:$0x3], $0x80, s16, s19, $0xb8;
	[tilespmem:$0x19000] =	vst v63  }
0x2e: {  	_ =	swait.ge [sflag:s17], $0x2000  }
0x2f: {  	[sflag:s17] =	ssyncset.done $0x0  }
0x30: {  	[sflag:s17] =	ssyncadd.s32 $0xFFFFE000  }
0x31: {  	[tilespmem:s20], [sflag:$0x1] =	stream.indirect.gather [hbm4b:s5+s19], $0x80, s21, s19, $0xb8;
	[tilespmem:$0x19000] =	vst v63  }
0x32: {  	_ = 	snop  }
0x33: {  	[tilespmem:s22], [sflag:$0x2] =	stream.indirect.gather [hbm4b:s5+s19], $0x80, s25, s19, $0xb8;
	[tilespmem:$0x19000] =	vst v63  }
0x34: {  	_ =	swait.ge [sflag:s23], $0x2000  }
0x35: {  	[sflag:s23] =	ssyncset.done $0x0  }
0x36: {  	[sflag:s23] =	ssyncadd.s32 $0xFFFFE000  }
0x37: {  	[spmem:s3] =	stream.indirect.scatter.add.f32 [tilespmem:s20], [sflag:$0x3], $0x80, s26, s19, $0xb8;
	[tilespmem:$0x19000] =	vst v63  }
0x38: {  	_ =	swait.ge [sflag:s17], $0x2000  }
0x39: {  	[sflag:s17] =	ssyncset.done $0x0  }
0x3a: {  	[sflag:s17] =	ssyncadd.s32 $0xFFFFE000  }
0x3b: {  	_ =	swait.ge [sflag:s24], $0x2000  }
0x3c: {  	[sflag:s24] =	ssyncset.done $0x0  }
0x3d: {  	[sflag:s24] =	ssyncadd.s32 $0xFFFFE000  }
0x3e: {  	[spmem:s3] =	stream.indirect.scatter.add.f32 [tilespmem:s22], [sflag:$0x3], $0x80, s28, s19, $0xb8;
	[tilespmem:$0x19000] =	vst v63  }
0x3f: {  	_ =	swait.ge [sflag:s17], $0x2000  }
0x40: {  	[sflag:s17] =	ssyncset.done $0x0  }
0x41: {  	[sflag:s17] =	ssyncadd.s32 $0xFFFFE000  }
0x42: {  	[tilespmem:s20], [sflag:$0x1] =	stream.indirect.gather [hbm4b:s5+s19], $0x80, s29, s19, $0xb8;
	[tilespmem:$0x19000] =	vst v63  }
0x43: {  	_ = 	snop  }
0x44: {  	[tilespmem:s22], [sflag:$0x2] =	stream.indirect.gather [hbm4b:s5+s19], $0x80, s30, s19, $0xb8;
	[tilespmem:$0x19000] =	vst v63  }
0x45: {  	_ =	swait.ge [sflag:s23], $0x2000  }
0x46: {  	[sflag:s23] =	ssyncset.done $0x0  }
0x47: {  	[sflag:s23] =	ssyncadd.s32 $0xFFFFE000  }
0x48: {  	[spmem:s3] =	stream.indirect.scatter.add.f32 [tilespmem:s20], [sflag:$0x3], $0x80, s31, s19, $0xb8;
	[tilespmem:$0x19000] =	vst v63  }
0x49: {  	_ =	swait.ge [sflag:s17], $0x2000  }
0x4a: {  	[sflag:s17] =	ssyncset.done $0x0  }
0x4b: {  	[sflag:s17] =	ssyncadd.s32 $0xFFFFE000  }
0x4c: {  	_ =	swait.ge [sflag:s24], $0x2000  }
0x4d: {  	[sflag:s24] =	ssyncset.done $0x0  }
0x4e: {  	[sflag:s24] =	ssyncadd.s32 $0xFFFFE000  }
0x4f: {  	[spmem:s3] =	stream.indirect.scatter.add.f32 [tilespmem:s22], [sflag:$0x3], $0x80, s0, s19, $0xb8;
	[tilespmem:$0x19000] =	vst v63  }
0x50: {  	_ =	swait.ge [sflag:s17], $0x2000  }
0x51: {  	[sflag:s17] =	ssyncset.done $0x0  }
0x52: {  	[sflag:s17] =	ssyncadd.s32 $0xFFFFE000  }
0x53: {  	[tilespmem:s20], [sflag:$0x1] =	stream.indirect.gather [hbm4b:s5+s19], $0x80, s2, s19, $0xb8;
	[tilespmem:$0x19000] =	vst v63  }
0x54: {  	_ = 	snop  }
0x55: {  	[tilespmem:s22], [sflag:$0x2] =	stream.indirect.gather [hbm4b:s5+s19], $0x80, s9, s19, $0xb8;
	[tilespmem:$0x19000] =	vst v63  }
0x56: {  	_ =	swait.ge [sflag:s23], $0x2000  }
0x57: {  	[sflag:s23] =	ssyncset.done $0x0  }
0x58: {  	[sflag:s23] =	ssyncadd.s32 $0xFFFFE000  }
0x59: {  	[spmem:s3] =	stream.indirect.scatter.add.f32 [tilespmem:s20], [sflag:$0x3], $0x80, s10, s19, $0xb8;
	[tilespmem:$0x19000] =	vst v63  }
0x5a: {  	_ =	swait.ge [sflag:s17], $0x2000  }
0x5b: {  	[sflag:s17] =	ssyncset.done $0x0  }
0x5c: {  	[sflag:s17] =	ssyncadd.s32 $0xFFFFE000  }
0x5d: {  	_ =	swait.ge [sflag:s24], $0x2000  }
0x5e: {  	[sflag:s24] =	ssyncset.done $0x0  }
0x5f: {  	[sflag:s24] =	ssyncadd.s32 $0xFFFFE000  }
0x60: {  	[spmem:s3] =	stream.indirect.scatter.add.f32 [tilespmem:s22], [sflag:$0x3], $0x80, s6, s19, $0xb8;
	[tilespmem:$0x19000] =	vst v63  }
0x61: {  	_ =	swait.ge [sflag:s17], $0x2000  }
0x62: {  	[sflag:s17] =	ssyncset.done $0x0  }
0x63: {  	s16 =	simm.s32 $0x400;
	[sflag:s17] =	ssyncadd.s32 $0xFFFFE000  }
0x64: {  	[tilespmem:s20], [sflag:$0x1] =	stream.indirect.gather [hbm4b:s5+s19], $0x80, s16, s19, $0xb8;
	[tilespmem:$0x19000] =	vst v63  }
0x65: {  	s21 =	simm.s32 $0x480  }
0x66: {  	[tilespmem:s22], [sflag:$0x2] =	stream.indirect.gather [hbm4b:s5+s19], $0x80, s21, s19, $0xb8;
	[tilespmem:$0x19000] =	vst v63  }
0x67: {  	_ =	swait.ge [sflag:s23], $0x2000  }
0x68: {  	[sflag:s23] =	ssyncset.done $0x0  }
0x69: {  	s25 =	simm.s32 $0xC00;
	[sflag:s23] =	ssyncadd.s32 $0xFFFFE000  }
0x6a: {  	[spmem:s3] =	stream.indirect.scatter.add.f32 [tilespmem:s20], [sflag:$0x3], $0x80, s25, s19, $0xb8;
	[tilespmem:$0x19000] =	vst v63  }
0x6b: {  	_ =	swait.ge [sflag:s17], $0x2000  }
0x6c: {  	[sflag:s17] =	ssyncset.done $0x0  }
0x6d: {  	[sflag:s17] =	ssyncadd.s32 $0xFFFFE000  }
0x6e: {  	_ =	swait.ge [sflag:s24], $0x2000  }
0x6f: {  	[sflag:s24] =	ssyncset.done $0x0  }
0x70: {  	s26 =	simm.s32 $0xC80;
	[sflag:s24] =	ssyncadd.s32 $0xFFFFE000  }
0x71: {  	[spmem:s3] =	stream.indirect.scatter.add.f32 [tilespmem:s22], [sflag:$0x3], $0x80, s26, s19, $0xb8;
	[tilespmem:$0x19000] =	vst v63  }
0x72: {  	_ =	swait.ge [sflag:s17], $0x2000  }
0x73: {  	[sflag:s17] =	ssyncset.done $0x0  }
0x74: {  	s2 =	simm.s32 $0x500;
	[sflag:s17] =	ssyncadd.s32 $0xFFFFE000  }
0x75: {  	[tilespmem:s20], [sflag:$0x1] =	stream.indirect.gather [hbm4b:s5+s19], $0x80, s2, s19, $0xb8;
	[tilespmem:$0x19000] =	vst v63  }
0x76: {  	s6 =	simm.s32 $0x580  }
0x77: {  	[tilespmem:s22], [sflag:$0x2] =	stream.indirect.gather [hbm4b:s5+s19], $0x80, s6, s19, $0xb8;
	[tilespmem:$0x19000] =	vst v63  }
0x78: {  	_ =	swait.ge [sflag:s23], $0x2000  }
0x79: {  	[sflag:s23] =	ssyncset.done $0x0  }
0x7a: {  	s7 =	simm.s32 $0xD00;
	[sflag:s23] =	ssyncadd.s32 $0xFFFFE000  }
0x7b: {  	[spmem:s3] =	stream.indirect.scatter.add.f32 [tilespmem:s20], [sflag:$0x3], $0x80, s7, s19, $0xb8;
	[tilespmem:$0x19000] =	vst v63  }
0x7c: {  	_ =	swait.ge [sflag:s17], $0x2000  }
0x7d: {  	[sflag:s17] =	ssyncset.done $0x0  }
0x7e: {  	[sflag:s17] =	ssyncadd.s32 $0xFFFFE000  }
0x7f: {  	_ =	swait.ge [sflag:s24], $0x2000  }
0x80: {  	[sflag:s24] =	ssyncset.done $0x0  }
0x81: {  	s8 =	simm.s32 $0xD80;
	[sflag:s24] =	ssyncadd.s32 $0xFFFFE000  }
0x82: {  	[spmem:s3] =	stream.indirect.scatter.add.f32 [tilespmem:s22], [sflag:$0x3], $0x80, s8, s19, $0xb8;
	[tilespmem:$0x19000] =	vst v63  }
0x83: {  	_ =	swait.ge [sflag:s17], $0x2000  }
0x84: {  	[sflag:s17] =	ssyncset.done $0x0  }
0x85: {  	s9 =	simm.s32 $0x600;
	[sflag:s17] =	ssyncadd.s32 $0xFFFFE000  }
0x86: {  	[tilespmem:s20], [sflag:$0x1] =	stream.indirect.gather [hbm4b:s5+s19], $0x80, s9, s19, $0xb8;
	[tilespmem:$0x19000] =	vst v63  }
0x87: {  	s10 =	simm.s32 $0x680  }
0x88: {  	[tilespmem:s22], [sflag:$0x2] =	stream.indirect.gather [hbm4b:s5+s19], $0x80, s10, s19, $0xb8;
	[tilespmem:$0x19000] =	vst v63  }
0x89: {  	_ =	swait.ge [sflag:s23], $0x2000  }
0x8a: {  	[sflag:s23] =	ssyncset.done $0x0  }
0x8b: {  	s11 =	simm.s32 $0xE00;
	[sflag:s23] =	ssyncadd.s32 $0xFFFFE000  }
0x8c: {  	[spmem:s3] =	stream.indirect.scatter.add.f32 [tilespmem:s20], [sflag:$0x3], $0x80, s11, s19, $0xb8;
	[tilespmem:$0x19000] =	vst v63  }
0x8d: {  	_ =	swait.ge [sflag:s17], $0x2000  }
0x8e: {  	[sflag:s17] =	ssyncset.done $0x0  }
0x8f: {  	[sflag:s17] =	ssyncadd.s32 $0xFFFFE000  }
0x90: {  	_ =	swait.ge [sflag:s24], $0x2000  }
0x91: {  	[sflag:s24] =	ssyncset.done $0x0  }
0x92: {  	s12 =	simm.s32 $0xE80;
	[sflag:s24] =	ssyncadd.s32 $0xFFFFE000  }
0x93: {  	[spmem:s3] =	stream.indirect.scatter.add.f32 [tilespmem:s22], [sflag:$0x3], $0x80, s12, s19, $0xb8;
	[tilespmem:$0x19000] =	vst v63  }
0x94: {  	_ =	swait.ge [sflag:s17], $0x2000  }
0x95: {  	[sflag:s17] =	ssyncset.done $0x0  }
0x96: {  	s16 =	simm.s32 $0x700;
	[sflag:s17] =	ssyncadd.s32 $0xFFFFE000  }
0x97: {  	[tilespmem:s20], [sflag:$0x1] =	stream.indirect.gather [hbm4b:s5+s19], $0x80, s16, s19, $0xb8;
	[tilespmem:$0x19000] =	vst v63  }
0x98: {  	s21 =	simm.s32 $0x780  }
0x99: {  	[tilespmem:s22], [sflag:$0x2] =	stream.indirect.gather [hbm4b:s5+s19], $0x80, s21, s19, $0xb8;
	[tilespmem:$0x19000] =	vst v63  }
0x9a: {  	_ =	swait.ge [sflag:s23], $0x2000  }
0x9b: {  	[sflag:s23] =	ssyncset.done $0x0  }
0x9c: {  	s25 =	simm.s32 $0xF00;
	[sflag:s23] =	ssyncadd.s32 $0xFFFFE000  }
0x9d: {  	[spmem:s3] =	stream.indirect.scatter.add.f32 [tilespmem:s20], [sflag:$0x3], $0x80, s25, s19, $0xb8;
	[tilespmem:$0x19000] =	vst v63  }
0x9e: {  	_ =	swait.ge [sflag:s17], $0x2000  }
0x9f: {  	[sflag:s17] =	ssyncset.done $0x0  }
0xa0: {  	s28 =	simm.s32 $0x200;
	[sflag:s17] =	ssyncadd.s32 $0xFFFFE000  }
0xa1: {  	s29 =	simm.s32 $0x280;
	s30 =	simm.s32 $0xA00;
	_ =	swait.ge [sflag:s24], $0x2000  }
0xa2: {  	s0 =	simm.s32 $0xA80;
	s26 =	simm.s32 $0xF80;
	[sflag:s24] =	ssyncset.done $0x0  }
0xa3: {  	s2 =	simm.s32 $0x300;
	s9 =	simm.s32 $0x380;
	[sflag:s24] =	ssyncadd.s32 $0xFFFFE000  }
0xa4: {  	[spmem:s3] =	stream.indirect.scatter.add.f32 [tilespmem:s22], [sflag:$0x3], $0x80, s26, s19, $0xb8;
	[tilespmem:$0x19000] =	vst v63  }
0xa5: {  	s10 =	simm.s32 $0xB00;
	s12 =	simm.s32 $0x880;
	_ =	swait.ge [sflag:s17], $0x2000  }
0xa6: {  	s16 =	simm.s32 $0x100;
	s21 =	simm.s32 $0x180;
	s8 =	rddreg [dreg:$0x6]  }
0xa7: {  	s25 =	simm.s32 $0x900;
	[sflag:s17] =	ssyncset.done $0x0;
	s6 =	rddreg [dreg:$0xb]  }
0xa8: {  	s26 =	simm.s32 $0x980;
	s31 =	rddreg [dreg:$0xd];
	[sflag:s17] =	ssyncadd.s32 $0xFFFFE000  }
.LBB2_8:
0xa9: {  	s7 =	rddreg [dreg:$0x5];
	[bflag:$0x0] =	sbarrier.arrive $0xFFFF  }
0xaa: {  	s7 =	sadd.s32 s8, s7;
	s11 =	rddreg [dreg:$0xc]  }
0xab: {  	[hbm:s7], [sflag:s6] =	dma.local [spmem:s11], $0x2800  }
0xac: {  	_ =	swait.ge [sflag:s17], $0x2800  }
0xad: {  	s31 =	sadd.s32 $0x1, s31;
	s8 =	rddreg [dreg:$0x9]  }
0xae: {  	p1 =	sne.s32 s31, s8  }
.Ltmp1:
0xaf: {  	_ = 	snop;
	(pc) =	sbr.rel @!p1 .LBB2_9-.Ltmp1, $3  }
0xb0: {  	_ =	sdelay $0x1  }
0xb1: {  	[sflag:s17] =	ssyncset.done $0x0  }
0xb2: {  	[sflag:s17] =	ssyncadd.s32 $0xFFFFD800  }
.LBB2_1:
.Ltmp2:
0xb3: {  	(pc) =	sbr.rel @!p0 .LBB2_2-.Ltmp2, $2  }
0xb4: {  	_ =	sdelay $0x2  }
0xb5: {  	[dreg:$0xd] =	wrdreg s31  }
0xb6: {  	s7 =	rddreg [dreg:$0x8]  }
0xb7: {  	s8 =	rddreg [dreg:$0xb]  }
0xb8: {  	[spmem:s11], [sflag:s8] =	dma.local [hbm:s7], $0x2800  }
0xb9: {  	_ =	swait.ge [sflag:s17], $0x2800  }
0xba: {  	[sflag:s17] =	ssyncset.done $0x0  }
0xbb: {  	[sflag:s17] =	ssyncadd.s32 $0xFFFFD800  }
0xbc: {  	s8 =	sadd.s32 $0x0, s14;
	[bflag:$0x0] =	sbarrier.arrive $0xFFFF  }
0xbd: {  	[tilespmem:s4], [sflag:$0x3] =	stream.linear.gather [hbm4b:s8+s4], $0x800, $0x38;
	[tilespmem:$0x19000] =	vst v63  }
0xbe: {  	_ =	swait.ge [sflag:s17], $0x800  }
0xbf: {  	[sflag:s17] =	ssyncset.done $0x0  }
0xc0: {  	s11 =	sadd.s32 $0x0, s13;
	[sflag:s17] =	ssyncadd.s32 $0xFFFFF800  }
0xc1: {  	[tilespmem:s18], [sflag:$0x3] =	stream.linear.gather [hbm4b:s11+s4], $0x800, $0x38;
	[tilespmem:$0x19000] =	vst v63  }
0xc2: {  	_ =	swait.ge [sflag:s17], $0x800  }
0xc3: {  	[sflag:s17] =	ssyncset.done $0x0  }
0xc4: {  	[sflag:s17] =	ssyncadd.s32 $0xFFFFF800  }
0xc5: {  	[tilespmem:s20], [sflag:$0x1] =	stream.indirect.gather [hbm4b:s5+s19], $0x80, s4, s19, $0xb8;
	[tilespmem:$0x19000] =	vst v63  }
0xc6: {  	_ = 	snop  }
0xc7: {  	[tilespmem:s22], [sflag:$0x2] =	stream.indirect.gather [hbm4b:s5+s19], $0x80, s15, s19, $0xb8;
	[tilespmem:$0x19000] =	vst v63  }
0xc8: {  	_ =	swait.ge [sflag:s23], $0x2000  }
0xc9: {  	[sflag:s23] =	ssyncset.done $0x0  }
0xca: {  	[sflag:s23] =	ssyncadd.s32 $0xFFFFE000  }
0xcb: {  	[spmem:s3] =	stream.indirect.scatter.add.f32 [tilespmem:s20], [sflag:$0x3], $0x80, s18, s19, $0xb8;
	[tilespmem:$0x19000] =	vst v63  }
0xcc: {  	_ =	swait.ge [sflag:s17], $0x2000  }
0xcd: {  	[sflag:s17] =	ssyncset.done $0x0  }
0xce: {  	[sflag:s17] =	ssyncadd.s32 $0xFFFFE000  }
0xcf: {  	_ =	swait.ge [sflag:s24], $0x2000  }
0xd0: {  	[sflag:s24] =	ssyncset.done $0x0  }
0xd1: {  	[sflag:s24] =	ssyncadd.s32 $0xFFFFE000  }
0xd2: {  	[spmem:s3] =	stream.indirect.scatter.add.f32 [tilespmem:s22], [sflag:$0x3], $0x80, s12, s19, $0xb8;
	[tilespmem:$0x19000] =	vst v63  }
0xd3: {  	_ =	swait.ge [sflag:s17], $0x2000  }
0xd4: {  	[sflag:s17] =	ssyncset.done $0x0  }
0xd5: {  	[sflag:s17] =	ssyncadd.s32 $0xFFFFE000  }
0xd6: {  	[tilespmem:s20], [sflag:$0x1] =	stream.indirect.gather [hbm4b:s5+s19], $0x80, s16, s19, $0xb8;
	[tilespmem:$0x19000] =	vst v63  }
0xd7: {  	_ = 	snop  }
0xd8: {  	[tilespmem:s22], [sflag:$0x2] =	stream.indirect.gather [hbm4b:s5+s19], $0x80, s21, s19, $0xb8;
	[tilespmem:$0x19000] =	vst v63  }
0xd9: {  	_ =	swait.ge [sflag:s23], $0x2000  }
0xda: {  	[sflag:s23] =	ssyncset.done $0x0  }
0xdb: {  	[sflag:s23] =	ssyncadd.s32 $0xFFFFE000  }
0xdc: {  	[spmem:s3] =	stream.indirect.scatter.add.f32 [tilespmem:s20], [sflag:$0x3], $0x80, s25, s19, $0xb8;
	[tilespmem:$0x19000] =	vst v63  }
0xdd: {  	_ =	swait.ge [sflag:s17], $0x2000  }
0xde: {  	[sflag:s17] =	ssyncset.done $0x0  }
0xdf: {  	[sflag:s17] =	ssyncadd.s32 $0xFFFFE000  }
0xe0: {  	_ =	swait.ge [sflag:s24], $0x2000  }
0xe1: {  	[sflag:s24] =	ssyncset.done $0x0  }
0xe2: {  	[sflag:s24] =	ssyncadd.s32 $0xFFFFE000  }
0xe3: {  	[spmem:s3] =	stream.indirect.scatter.add.f32 [tilespmem:s22], [sflag:$0x3], $0x80, s26, s19, $0xb8;
	[tilespmem:$0x19000] =	vst v63  }
0xe4: {  	_ =	swait.ge [sflag:s17], $0x2000  }
0xe5: {  	[sflag:s17] =	ssyncset.done $0x0  }
0xe6: {  	[sflag:s17] =	ssyncadd.s32 $0xFFFFE000  }
0xe7: {  	[tilespmem:s20], [sflag:$0x1] =	stream.indirect.gather [hbm4b:s5+s19], $0x80, s28, s19, $0xb8;
	[tilespmem:$0x19000] =	vst v63  }
0xe8: {  	_ = 	snop  }
0xe9: {  	[tilespmem:s22], [sflag:$0x2] =	stream.indirect.gather [hbm4b:s5+s19], $0x80, s29, s19, $0xb8;
	[tilespmem:$0x19000] =	vst v63  }
0xea: {  	_ =	swait.ge [sflag:s23], $0x2000  }
0xeb: {  	[sflag:s23] =	ssyncset.done $0x0  }
0xec: {  	[sflag:s23] =	ssyncadd.s32 $0xFFFFE000  }
0xed: {  	[spmem:s3] =	stream.indirect.scatter.add.f32 [tilespmem:s20], [sflag:$0x3], $0x80, s30, s19, $0xb8;
	[tilespmem:$0x19000] =	vst v63  }
0xee: {  	_ =	swait.ge [sflag:s17], $0x2000  }
0xef: {  	[sflag:s17] =	ssyncset.done $0x0  }
0xf0: {  	[sflag:s17] =	ssyncadd.s32 $0xFFFFE000  }
0xf1: {  	_ =	swait.ge [sflag:s24], $0x2000  }
0xf2: {  	[sflag:s24] =	ssyncset.done $0x0  }
0xf3: {  	[sflag:s24] =	ssyncadd.s32 $0xFFFFE000  }
0xf4: {  	[spmem:s3] =	stream.indirect.scatter.add.f32 [tilespmem:s22], [sflag:$0x3], $0x80, s0, s19, $0xb8;
	[tilespmem:$0x19000] =	vst v63  }
0xf5: {  	_ =	swait.ge [sflag:s17], $0x2000  }
0xf6: {  	[sflag:s17] =	ssyncset.done $0x0  }
0xf7: {  	[sflag:s17] =	ssyncadd.s32 $0xFFFFE000  }
0xf8: {  	[tilespmem:s20], [sflag:$0x1] =	stream.indirect.gather [hbm4b:s5+s19], $0x80, s2, s19, $0xb8;
	[tilespmem:$0x19000] =	vst v63  }
0xf9: {  	_ = 	snop  }
0xfa: {  	[tilespmem:s22], [sflag:$0x2] =	stream.indirect.gather [hbm4b:s5+s19], $0x80, s9, s19, $0xb8;
	[tilespmem:$0x19000] =	vst v63  }
0xfb: {  	_ =	swait.ge [sflag:s23], $0x2000  }
0xfc: {  	[sflag:s23] =	ssyncset.done $0x0  }
0xfd: {  	[sflag:s23] =	ssyncadd.s32 $0xFFFFE000  }
0xfe: {  	[spmem:s3] =	stream.indirect.scatter.add.f32 [tilespmem:s20], [sflag:$0x3], $0x80, s10, s19, $0xb8;
	[tilespmem:$0x19000] =	vst v63  }
0xff: {  	_ =	swait.ge [sflag:s17], $0x2000  }
0x100: {  	[sflag:s17] =	ssyncset.done $0x0  }
0x101: {  	[sflag:s17] =	ssyncadd.s32 $0xFFFFE000  }
0x102: {  	_ =	swait.ge [sflag:s24], $0x2000  }
0x103: {  	[sflag:s24] =	ssyncset.done $0x0  }
0x104: {  	s16 =	simm.s32 $0xB80;
	[sflag:s24] =	ssyncadd.s32 $0xFFFFE000  }
0x105: {  	[spmem:s3] =	stream.indirect.scatter.add.f32 [tilespmem:s22], [sflag:$0x3], $0x80, s16, s19, $0xb8;
	[tilespmem:$0x19000] =	vst v63  }
0x106: {  	_ =	swait.ge [sflag:s17], $0x2000  }
0x107: {  	[sflag:s17] =	ssyncset.done $0x0  }
0x108: {  	s21 =	simm.s32 $0x400;
	[sflag:s17] =	ssyncadd.s32 $0xFFFFE000  }
0x109: {  	[tilespmem:s20], [sflag:$0x1] =	stream.indirect.gather [hbm4b:s5+s19], $0x80, s21, s19, $0xb8;
	[tilespmem:$0x19000] =	vst v63  }
0x10a: {  	s25 =	simm.s32 $0x480  }
0x10b: {  	[tilespmem:s22], [sflag:$0x2] =	stream.indirect.gather [hbm4b:s5+s19], $0x80, s25, s19, $0xb8;
	[tilespmem:$0x19000] =	vst v63  }
0x10c: {  	_ =	swait.ge [sflag:s23], $0x2000  }
0x10d: {  	[sflag:s23] =	ssyncset.done $0x0  }
0x10e: {  	s26 =	simm.s32 $0xC00;
	[sflag:s23] =	ssyncadd.s32 $0xFFFFE000  }
0x10f: {  	[spmem:s3] =	stream.indirect.scatter.add.f32 [tilespmem:s20], [sflag:$0x3], $0x80, s26, s19, $0xb8;
	[tilespmem:$0x19000] =	vst v63  }
0x110: {  	_ =	swait.ge [sflag:s17], $0x2000  }
0x111: {  	[sflag:s17] =	ssyncset.done $0x0  }
0x112: {  	[sflag:s17] =	ssyncadd.s32 $0xFFFFE000  }
0x113: {  	_ =	swait.ge [sflag:s24], $0x2000  }
0x114: {  	[sflag:s24] =	ssyncset.done $0x0  }
0x115: {  	s2 =	simm.s32 $0xC80;
	[sflag:s24] =	ssyncadd.s32 $0xFFFFE000  }
0x116: {  	[spmem:s3] =	stream.indirect.scatter.add.f32 [tilespmem:s22], [sflag:$0x3], $0x80, s2, s19, $0xb8;
	[tilespmem:$0x19000] =	vst v63  }
0x117: {  	_ =	swait.ge [sflag:s17], $0x2000  }
0x118: {  	[sflag:s17] =	ssyncset.done $0x0  }
0x119: {  	s6 =	simm.s32 $0x500;
	[sflag:s17] =	ssyncadd.s32 $0xFFFFE000  }
0x11a: {  	[tilespmem:s20], [sflag:$0x1] =	stream.indirect.gather [hbm4b:s5+s19], $0x80, s6, s19, $0xb8;
	[tilespmem:$0x19000] =	vst v63  }
0x11b: {  	s7 =	simm.s32 $0x580  }
0x11c: {  	[tilespmem:s22], [sflag:$0x2] =	stream.indirect.gather [hbm4b:s5+s19], $0x80, s7, s19, $0xb8;
	[tilespmem:$0x19000] =	vst v63  }
0x11d: {  	_ =	swait.ge [sflag:s23], $0x2000  }
0x11e: {  	[sflag:s23] =	ssyncset.done $0x0  }
0x11f: {  	s8 =	simm.s32 $0xD00;
	[sflag:s23] =	ssyncadd.s32 $0xFFFFE000  }
0x120: {  	[spmem:s3] =	stream.indirect.scatter.add.f32 [tilespmem:s20], [sflag:$0x3], $0x80, s8, s19, $0xb8;
	[tilespmem:$0x19000] =	vst v63  }
0x121: {  	_ =	swait.ge [sflag:s17], $0x2000  }
0x122: {  	[sflag:s17] =	ssyncset.done $0x0  }
0x123: {  	[sflag:s17] =	ssyncadd.s32 $0xFFFFE000  }
0x124: {  	_ =	swait.ge [sflag:s24], $0x2000  }
0x125: {  	[sflag:s24] =	ssyncset.done $0x0  }
0x126: {  	s9 =	simm.s32 $0xD80;
	[sflag:s24] =	ssyncadd.s32 $0xFFFFE000  }
0x127: {  	[spmem:s3] =	stream.indirect.scatter.add.f32 [tilespmem:s22], [sflag:$0x3], $0x80, s9, s19, $0xb8;
	[tilespmem:$0x19000] =	vst v63  }
0x128: {  	_ =	swait.ge [sflag:s17], $0x2000  }
0x129: {  	[sflag:s17] =	ssyncset.done $0x0  }
0x12a: {  	s10 =	simm.s32 $0x600;
	[sflag:s17] =	ssyncadd.s32 $0xFFFFE000  }
0x12b: {  	[tilespmem:s20], [sflag:$0x1] =	stream.indirect.gather [hbm4b:s5+s19], $0x80, s10, s19, $0xb8;
	[tilespmem:$0x19000] =	vst v63  }
0x12c: {  	s11 =	simm.s32 $0x680  }
0x12d: {  	[tilespmem:s22], [sflag:$0x2] =	stream.indirect.gather [hbm4b:s5+s19], $0x80, s11, s19, $0xb8;
	[tilespmem:$0x19000] =	vst v63  }
0x12e: {  	_ =	swait.ge [sflag:s23], $0x2000  }
0x12f: {  	[sflag:s23] =	ssyncset.done $0x0  }
0x130: {  	s12 =	simm.s32 $0xE00;
	[sflag:s23] =	ssyncadd.s32 $0xFFFFE000  }
0x131: {  	[spmem:s3] =	stream.indirect.scatter.add.f32 [tilespmem:s20], [sflag:$0x3], $0x80, s12, s19, $0xb8;
	[tilespmem:$0x19000] =	vst v63  }
0x132: {  	_ =	swait.ge [sflag:s17], $0x2000  }
0x133: {  	[sflag:s17] =	ssyncset.done $0x0  }
0x134: {  	[sflag:s17] =	ssyncadd.s32 $0xFFFFE000  }
0x135: {  	_ =	swait.ge [sflag:s24], $0x2000  }
0x136: {  	[sflag:s24] =	ssyncset.done $0x0  }
0x137: {  	s15 =	simm.s32 $0xE80;
	[sflag:s24] =	ssyncadd.s32 $0xFFFFE000  }
0x138: {  	[spmem:s3] =	stream.indirect.scatter.add.f32 [tilespmem:s22], [sflag:$0x3], $0x80, s15, s19, $0xb8;
	[tilespmem:$0x19000] =	vst v63  }
0x139: {  	_ =	swait.ge [sflag:s17], $0x2000  }
0x13a: {  	[sflag:s17] =	ssyncset.done $0x0  }
0x13b: {  	s16 =	simm.s32 $0x700;
	[sflag:s17] =	ssyncadd.s32 $0xFFFFE000  }
0x13c: {  	[tilespmem:s20], [sflag:$0x1] =	stream.indirect.gather [hbm4b:s5+s19], $0x80, s16, s19, $0xb8;
	[tilespmem:$0x19000] =	vst v63  }
0x13d: {  	s21 =	simm.s32 $0x780  }
0x13e: {  	[tilespmem:s22], [sflag:$0x2] =	stream.indirect.gather [hbm4b:s5+s19], $0x80, s21, s19, $0xb8;
	[tilespmem:$0x19000] =	vst v63  }
0x13f: {  	_ =	swait.ge [sflag:s23], $0x2000  }
0x140: {  	[sflag:s23] =	ssyncset.done $0x0  }
0x141: {  	s25 =	simm.s32 $0xF00;
	[sflag:s23] =	ssyncadd.s32 $0xFFFFE000  }
0x142: {  	[spmem:s3] =	stream.indirect.scatter.add.f32 [tilespmem:s20], [sflag:$0x3], $0x80, s25, s19, $0xb8;
	[tilespmem:$0x19000] =	vst v63  }
0x143: {  	s31 =	simm.s32 $0xA00;
	s28 =	simm.s32 $0x980;
	_ =	swait.ge [sflag:s17], $0x2000  }
0x144: {  	s29 =	simm.s32 $0x200;
	s30 =	simm.s32 $0x280;
	[sflag:s17] =	ssyncset.done $0x0  }
0x145: {  	s0 =	simm.s32 $0xA80;
	s26 =	simm.s32 $0xF80;
	[sflag:s17] =	ssyncadd.s32 $0xFFFFE000  }
0x146: {  	s2 =	simm.s32 $0x300;
	s6 =	simm.s32 $0xB80;
	_ =	swait.ge [sflag:s24], $0x2000  }
0x147: {  	s8 =	simm.s32 $0x100;
	s9 =	simm.s32 $0x380;
	[sflag:s24] =	ssyncset.done $0x0  }
0x148: {  	s10 =	simm.s32 $0xB00;
	s11 =	simm.s32 $0x200;
	[sflag:s24] =	ssyncadd.s32 $0xFFFFE000  }
0x149: {  	[spmem:s3] =	stream.indirect.scatter.add.f32 [tilespmem:s22], [sflag:$0x3], $0x80, s26, s19, $0xb8;
	[tilespmem:$0x19000] =	vst v63  }
0x14a: {  	s16 =	simm.s32 $0x880;
	s21 =	simm.s32 $0x100;
	_ =	swait.ge [sflag:s17], $0x2000  }
0x14b: {  	s25 =	simm.s32 $0x180;
	s26 =	simm.s32 $0x900;
	[sflag:s17] =	ssyncset.done $0x0  }
.LBB2_6:
0x14c: {  	s7 =	sadd.s32 s8, s14  }
0x14d: {  	[sflag:s17] =	ssyncadd.s32 $0xFFFFE000;
	s15 =	smov.u32 s11;
	s12 =	sadd.s32 $0x100, s11  }
0x14e: {  	[tilespmem:s4], [sflag:$0x3] =	stream.linear.gather [hbm4b:s7+s4], $0x800, $0x38;
	[tilespmem:$0x19000] =	vst v63  }
0x14f: {  	p1 =	sne.s32 s11, $0x900;
	_ =	swait.ge [sflag:s17], $0x800  }
0x150: {  	s7 =	sadd.s32 s8, s13;
	[sflag:s17] =	ssyncset.done $0x0  }
0x151: {  	s8 =	smov.u32 s15;
	s15 =	simm.s32 $0x80;
	[sflag:s17] =	ssyncadd.s32 $0xFFFFF800  }
0x152: {  	[tilespmem:s18], [sflag:$0x3] =	stream.linear.gather [hbm4b:s7+s4], $0x800, $0x38;
	[tilespmem:$0x19000] =	vst v63  }
0x153: {  	_ =	swait.ge [sflag:s17], $0x800  }
0x154: {  	[sflag:s17] =	ssyncset.done $0x0  }
0x155: {  	[sflag:s17] =	ssyncadd.s32 $0xFFFFF800  }
0x156: {  	[tilespmem:s20], [sflag:$0x1] =	stream.indirect.gather [hbm4b:s5+s19], $0x80, s4, s19, $0xb8;
	[tilespmem:$0x19000] =	vst v63  }
0x157: {  	_ = 	snop  }
0x158: {  	[tilespmem:s22], [sflag:$0x2] =	stream.indirect.gather [hbm4b:s5+s19], $0x80, s15, s19, $0xb8;
	[tilespmem:$0x19000] =	vst v63  }
0x159: {  	_ =	swait.ge [sflag:s23], $0x2000  }
0x15a: {  	[sflag:s23] =	ssyncset.done $0x0  }
0x15b: {  	[sflag:s23] =	ssyncadd.s32 $0xFFFFE000  }
0x15c: {  	[spmem:s3] =	stream.indirect.scatter.add.f32 [tilespmem:s20], [sflag:$0x3], $0x80, s18, s19, $0xb8;
	[tilespmem:$0x19000] =	vst v63  }
0x15d: {  	_ =	swait.ge [sflag:s17], $0x2000  }
0x15e: {  	[sflag:s17] =	ssyncset.done $0x0  }
0x15f: {  	[sflag:s17] =	ssyncadd.s32 $0xFFFFE000  }
0x160: {  	_ =	swait.ge [sflag:s24], $0x2000  }
0x161: {  	[sflag:s24] =	ssyncset.done $0x0  }
0x162: {  	[sflag:s24] =	ssyncadd.s32 $0xFFFFE000  }
0x163: {  	[spmem:s3] =	stream.indirect.scatter.add.f32 [tilespmem:s22], [sflag:$0x3], $0x80, s16, s19, $0xb8;
	[tilespmem:$0x19000] =	vst v63  }
0x164: {  	_ =	swait.ge [sflag:s17], $0x2000  }
0x165: {  	[sflag:s17] =	ssyncset.done $0x0  }
0x166: {  	[sflag:s17] =	ssyncadd.s32 $0xFFFFE000  }
0x167: {  	[tilespmem:s20], [sflag:$0x1] =	stream.indirect.gather [hbm4b:s5+s19], $0x80, s21, s19, $0xb8;
	[tilespmem:$0x19000] =	vst v63  }
0x168: {  	_ = 	snop  }
0x169: {  	[tilespmem:s22], [sflag:$0x2] =	stream.indirect.gather [hbm4b:s5+s19], $0x80, s25, s19, $0xb8;
	[tilespmem:$0x19000] =	vst v63  }
0x16a: {  	_ =	swait.ge [sflag:s23], $0x2000  }
0x16b: {  	[sflag:s23] =	ssyncset.done $0x0  }
0x16c: {  	[sflag:s23] =	ssyncadd.s32 $0xFFFFE000  }
0x16d: {  	[spmem:s3] =	stream.indirect.scatter.add.f32 [tilespmem:s20], [sflag:$0x3], $0x80, s26, s19, $0xb8;
	[tilespmem:$0x19000] =	vst v63  }
0x16e: {  	_ =	swait.ge [sflag:s17], $0x2000  }
0x16f: {  	[sflag:s17] =	ssyncset.done $0x0  }
0x170: {  	[sflag:s17] =	ssyncadd.s32 $0xFFFFE000  }
0x171: {  	_ =	swait.ge [sflag:s24], $0x2000  }
0x172: {  	[sflag:s24] =	ssyncset.done $0x0  }
0x173: {  	[sflag:s24] =	ssyncadd.s32 $0xFFFFE000  }
0x174: {  	[spmem:s3] =	stream.indirect.scatter.add.f32 [tilespmem:s22], [sflag:$0x3], $0x80, s28, s19, $0xb8;
	[tilespmem:$0x19000] =	vst v63  }
0x175: {  	_ =	swait.ge [sflag:s17], $0x2000  }
0x176: {  	[sflag:s17] =	ssyncset.done $0x0  }
0x177: {  	[sflag:s17] =	ssyncadd.s32 $0xFFFFE000  }
0x178: {  	[tilespmem:s20], [sflag:$0x1] =	stream.indirect.gather [hbm4b:s5+s19], $0x80, s29, s19, $0xb8;
	[tilespmem:$0x19000] =	vst v63  }
0x179: {  	_ = 	snop  }
0x17a: {  	[tilespmem:s22], [sflag:$0x2] =	stream.indirect.gather [hbm4b:s5+s19], $0x80, s30, s19, $0xb8;
	[tilespmem:$0x19000] =	vst v63  }
0x17b: {  	_ =	swait.ge [sflag:s23], $0x2000  }
0x17c: {  	[sflag:s23] =	ssyncset.done $0x0  }
0x17d: {  	[sflag:s23] =	ssyncadd.s32 $0xFFFFE000  }
0x17e: {  	[spmem:s3] =	stream.indirect.scatter.add.f32 [tilespmem:s20], [sflag:$0x3], $0x80, s31, s19, $0xb8;
	[tilespmem:$0x19000] =	vst v63  }
0x17f: {  	_ =	swait.ge [sflag:s17], $0x2000  }
0x180: {  	[sflag:s17] =	ssyncset.done $0x0  }
0x181: {  	[sflag:s17] =	ssyncadd.s32 $0xFFFFE000  }
0x182: {  	_ =	swait.ge [sflag:s24], $0x2000  }
0x183: {  	[sflag:s24] =	ssyncset.done $0x0  }
0x184: {  	[sflag:s24] =	ssyncadd.s32 $0xFFFFE000  }
0x185: {  	[spmem:s3] =	stream.indirect.scatter.add.f32 [tilespmem:s22], [sflag:$0x3], $0x80, s0, s19, $0xb8;
	[tilespmem:$0x19000] =	vst v63  }
0x186: {  	_ =	swait.ge [sflag:s17], $0x2000  }
0x187: {  	[sflag:s17] =	ssyncset.done $0x0  }
0x188: {  	[sflag:s17] =	ssyncadd.s32 $0xFFFFE000  }
0x189: {  	[tilespmem:s20], [sflag:$0x1] =	stream.indirect.gather [hbm4b:s5+s19], $0x80, s2, s19, $0xb8;
	[tilespmem:$0x19000] =	vst v63  }
0x18a: {  	_ = 	snop  }
0x18b: {  	[tilespmem:s22], [sflag:$0x2] =	stream.indirect.gather [hbm4b:s5+s19], $0x80, s9, s19, $0xb8;
	[tilespmem:$0x19000] =	vst v63  }
0x18c: {  	_ =	swait.ge [sflag:s23], $0x2000  }
0x18d: {  	[sflag:s23] =	ssyncset.done $0x0  }
0x18e: {  	[sflag:s23] =	ssyncadd.s32 $0xFFFFE000  }
0x18f: {  	[spmem:s3] =	stream.indirect.scatter.add.f32 [tilespmem:s20], [sflag:$0x3], $0x80, s10, s19, $0xb8;
	[tilespmem:$0x19000] =	vst v63  }
0x190: {  	_ =	swait.ge [sflag:s17], $0x2000  }
0x191: {  	[sflag:s17] =	ssyncset.done $0x0  }
0x192: {  	[sflag:s17] =	ssyncadd.s32 $0xFFFFE000  }
0x193: {  	_ =	swait.ge [sflag:s24], $0x2000  }
0x194: {  	[sflag:s24] =	ssyncset.done $0x0  }
0x195: {  	[sflag:s24] =	ssyncadd.s32 $0xFFFFE000  }
0x196: {  	[spmem:s3] =	stream.indirect.scatter.add.f32 [tilespmem:s22], [sflag:$0x3], $0x80, s6, s19, $0xb8;
	[tilespmem:$0x19000] =	vst v63  }
0x197: {  	_ =	swait.ge [sflag:s17], $0x2000  }
0x198: {  	[sflag:s17] =	ssyncset.done $0x0  }
0x199: {  	s7 =	simm.s32 $0x400;
	[sflag:s17] =	ssyncadd.s32 $0xFFFFE000  }
0x19a: {  	[tilespmem:s20], [sflag:$0x1] =	stream.indirect.gather [hbm4b:s5+s19], $0x80, s7, s19, $0xb8;
	[tilespmem:$0x19000] =	vst v63  }
0x19b: {  	s7 =	simm.s32 $0x480  }
0x19c: {  	[tilespmem:s22], [sflag:$0x2] =	stream.indirect.gather [hbm4b:s5+s19], $0x80, s7, s19, $0xb8;
	[tilespmem:$0x19000] =	vst v63  }
0x19d: {  	_ =	swait.ge [sflag:s23], $0x2000  }
0x19e: {  	[sflag:s23] =	ssyncset.done $0x0  }
0x19f: {  	s7 =	simm.s32 $0xC00;
	[sflag:s23] =	ssyncadd.s32 $0xFFFFE000  }
0x1a0: {  	[spmem:s3] =	stream.indirect.scatter.add.f32 [tilespmem:s20], [sflag:$0x3], $0x80, s7, s19, $0xb8;
	[tilespmem:$0x19000] =	vst v63  }
0x1a1: {  	_ =	swait.ge [sflag:s17], $0x2000  }
0x1a2: {  	[sflag:s17] =	ssyncset.done $0x0  }
0x1a3: {  	[sflag:s17] =	ssyncadd.s32 $0xFFFFE000  }
0x1a4: {  	_ =	swait.ge [sflag:s24], $0x2000  }
0x1a5: {  	[sflag:s24] =	ssyncset.done $0x0  }
0x1a6: {  	s7 =	simm.s32 $0xC80;
	[sflag:s24] =	ssyncadd.s32 $0xFFFFE000  }
0x1a7: {  	[spmem:s3] =	stream.indirect.scatter.add.f32 [tilespmem:s22], [sflag:$0x3], $0x80, s7, s19, $0xb8;
	[tilespmem:$0x19000] =	vst v63  }
0x1a8: {  	_ =	swait.ge [sflag:s17], $0x2000  }
0x1a9: {  	[sflag:s17] =	ssyncset.done $0x0  }
0x1aa: {  	s7 =	simm.s32 $0x500;
	[sflag:s17] =	ssyncadd.s32 $0xFFFFE000  }
0x1ab: {  	[tilespmem:s20], [sflag:$0x1] =	stream.indirect.gather [hbm4b:s5+s19], $0x80, s7, s19, $0xb8;
	[tilespmem:$0x19000] =	vst v63  }
0x1ac: {  	s7 =	simm.s32 $0x580  }
0x1ad: {  	[tilespmem:s22], [sflag:$0x2] =	stream.indirect.gather [hbm4b:s5+s19], $0x80, s7, s19, $0xb8;
	[tilespmem:$0x19000] =	vst v63  }
0x1ae: {  	_ =	swait.ge [sflag:s23], $0x2000  }
0x1af: {  	[sflag:s23] =	ssyncset.done $0x0  }
0x1b0: {  	s7 =	simm.s32 $0xD00;
	[sflag:s23] =	ssyncadd.s32 $0xFFFFE000  }
0x1b1: {  	[spmem:s3] =	stream.indirect.scatter.add.f32 [tilespmem:s20], [sflag:$0x3], $0x80, s7, s19, $0xb8;
	[tilespmem:$0x19000] =	vst v63  }
0x1b2: {  	_ =	swait.ge [sflag:s17], $0x2000  }
0x1b3: {  	[sflag:s17] =	ssyncset.done $0x0  }
0x1b4: {  	[sflag:s17] =	ssyncadd.s32 $0xFFFFE000  }
0x1b5: {  	_ =	swait.ge [sflag:s24], $0x2000  }
0x1b6: {  	[sflag:s24] =	ssyncset.done $0x0  }
0x1b7: {  	s7 =	simm.s32 $0xD80;
	[sflag:s24] =	ssyncadd.s32 $0xFFFFE000  }
0x1b8: {  	[spmem:s3] =	stream.indirect.scatter.add.f32 [tilespmem:s22], [sflag:$0x3], $0x80, s7, s19, $0xb8;
	[tilespmem:$0x19000] =	vst v63  }
0x1b9: {  	_ =	swait.ge [sflag:s17], $0x2000  }
0x1ba: {  	[sflag:s17] =	ssyncset.done $0x0  }
0x1bb: {  	s7 =	simm.s32 $0x600;
	[sflag:s17] =	ssyncadd.s32 $0xFFFFE000  }
0x1bc: {  	[tilespmem:s20], [sflag:$0x1] =	stream.indirect.gather [hbm4b:s5+s19], $0x80, s7, s19, $0xb8;
	[tilespmem:$0x19000] =	vst v63  }
0x1bd: {  	s7 =	simm.s32 $0x680  }
0x1be: {  	[tilespmem:s22], [sflag:$0x2] =	stream.indirect.gather [hbm4b:s5+s19], $0x80, s7, s19, $0xb8;
	[tilespmem:$0x19000] =	vst v63  }
0x1bf: {  	_ =	swait.ge [sflag:s23], $0x2000  }
0x1c0: {  	[sflag:s23] =	ssyncset.done $0x0  }
0x1c1: {  	s7 =	simm.s32 $0xE00;
	[sflag:s23] =	ssyncadd.s32 $0xFFFFE000  }
0x1c2: {  	[spmem:s3] =	stream.indirect.scatter.add.f32 [tilespmem:s20], [sflag:$0x3], $0x80, s7, s19, $0xb8;
	[tilespmem:$0x19000] =	vst v63  }
0x1c3: {  	_ =	swait.ge [sflag:s17], $0x2000  }
0x1c4: {  	[sflag:s17] =	ssyncset.done $0x0  }
0x1c5: {  	[sflag:s17] =	ssyncadd.s32 $0xFFFFE000  }
0x1c6: {  	_ =	swait.ge [sflag:s24], $0x2000  }
0x1c7: {  	[sflag:s24] =	ssyncset.done $0x0  }
0x1c8: {  	s7 =	simm.s32 $0xE80;
	[sflag:s24] =	ssyncadd.s32 $0xFFFFE000  }
0x1c9: {  	[spmem:s3] =	stream.indirect.scatter.add.f32 [tilespmem:s22], [sflag:$0x3], $0x80, s7, s19, $0xb8;
	[tilespmem:$0x19000] =	vst v63  }
0x1ca: {  	_ =	swait.ge [sflag:s17], $0x2000  }
0x1cb: {  	[sflag:s17] =	ssyncset.done $0x0  }
0x1cc: {  	s7 =	simm.s32 $0x700;
	[sflag:s17] =	ssyncadd.s32 $0xFFFFE000  }
0x1cd: {  	[tilespmem:s20], [sflag:$0x1] =	stream.indirect.gather [hbm4b:s5+s19], $0x80, s7, s19, $0xb8;
	[tilespmem:$0x19000] =	vst v63  }
0x1ce: {  	s7 =	simm.s32 $0x780  }
0x1cf: {  	[tilespmem:s22], [sflag:$0x2] =	stream.indirect.gather [hbm4b:s5+s19], $0x80, s7, s19, $0xb8;
	[tilespmem:$0x19000] =	vst v63  }
0x1d0: {  	_ =	swait.ge [sflag:s23], $0x2000  }
0x1d1: {  	[sflag:s23] =	ssyncset.done $0x0  }
0x1d2: {  	s7 =	simm.s32 $0xF00;
	[sflag:s23] =	ssyncadd.s32 $0xFFFFE000  }
0x1d3: {  	[spmem:s3] =	stream.indirect.scatter.add.f32 [tilespmem:s20], [sflag:$0x3], $0x80, s7, s19, $0xb8;
	[tilespmem:$0x19000] =	vst v63  }
0x1d4: {  	_ =	swait.ge [sflag:s17], $0x2000  }
0x1d5: {  	[sflag:s17] =	ssyncset.done $0x0  }
0x1d6: {  	[sflag:s17] =	ssyncadd.s32 $0xFFFFE000  }
0x1d7: {  	_ =	swait.ge [sflag:s24], $0x2000  }
.Ltmp3:
0x1d8: {  	[sflag:s24] =	ssyncset.done $0x0;
	(pc) =	sbr.rel @p1 .LBB2_6-.Ltmp3, $4  }
0x1d9: {  	s7 =	simm.s32 $0xF80;
	[sflag:s24] =	ssyncadd.s32 $0xFFFFE000  }
0x1da: {  	[spmem:s3] =	stream.indirect.scatter.add.f32 [tilespmem:s22], [sflag:$0x3], $0x80, s7, s19, $0xb8;
	[tilespmem:$0x19000] =	vst v63  }
0x1db: {  	_ =	swait.ge [sflag:s17], $0x2000  }
0x1dc: {  	s11 =	smov.u32 s12;
	[sflag:s17] =	ssyncset.done $0x0  }
.Ltmp4:
0x1dd: {  	_ = 	snop;
	(pc) =	sbr.rel .LBB2_7-.Ltmp4, $1  }
0x1de: {  	_ =	sdelay $0x3  }
.LBB2_2:
0x1df: {  	s7 =	rddreg [dreg:$0xa]  }
0x1e0: {  	s8 =	rddreg [dreg:$0x7];
	s6 =	sor.u32 $0x1C03, s7  }
0x1e1: {  	[dreg:$0xe] =	wrdreg s6  }
0x1e2: {  	[spmem:s11], [sflag:s6] =	dma.local [hbm:s8], $0x2800  }
0x1e3: {  	_ =	swait.ge [sflag:s17], $0x2800  }
0x1e4: {  	[sflag:s17] =	ssyncset.done $0x0  }
0x1e5: {  	[sflag:s17] =	ssyncadd.s32 $0xFFFFD800  }
0x1e6: {  	s8 =	sadd.s32 $0x0, s14;
	[bflag:$0x0] =	sbarrier.arrive $0xFFFF  }
0x1e7: {  	[tilespmem:s4], [sflag:$0x3] =	stream.linear.gather [hbm4b:s8+s4], $0x800, $0x38;
	[tilespmem:$0x19000] =	vst v63  }
0x1e8: {  	_ =	swait.ge [sflag:s17], $0x800  }
0x1e9: {  	[sflag:s17] =	ssyncset.done $0x0  }
0x1ea: {  	s11 =	sadd.s32 $0x0, s13;
	[sflag:s17] =	ssyncadd.s32 $0xFFFFF800  }
0x1eb: {  	[tilespmem:s18], [sflag:$0x3] =	stream.linear.gather [hbm4b:s11+s4], $0x800, $0x38;
	[tilespmem:$0x19000] =	vst v63  }
0x1ec: {  	_ =	swait.ge [sflag:s17], $0x800  }
0x1ed: {  	[sflag:s17] =	ssyncset.done $0x0  }
0x1ee: {  	[sflag:s17] =	ssyncadd.s32 $0xFFFFF800  }
0x1ef: {  	[tilespmem:s20], [sflag:$0x1] =	stream.indirect.gather [hbm4b:s1+s19], $0x80, s4, s19, $0xb8;
	[tilespmem:$0x19000] =	vst v63  }
0x1f0: {  	_ = 	snop  }
0x1f1: {  	[tilespmem:s22], [sflag:$0x2] =	stream.indirect.gather [hbm4b:s1+s19], $0x80, s15, s19, $0xb8;
	[tilespmem:$0x19000] =	vst v63  }
0x1f2: {  	_ =	swait.ge [sflag:s23], $0x2000  }
0x1f3: {  	[sflag:s23] =	ssyncset.done $0x0  }
0x1f4: {  	[sflag:s23] =	ssyncadd.s32 $0xFFFFE000  }
0x1f5: {  	[spmem:s3] =	stream.indirect.scatter.add.f32 [tilespmem:s20], [sflag:$0x3], $0x80, s18, s19, $0xb8;
	[tilespmem:$0x19000] =	vst v63  }
0x1f6: {  	_ =	swait.ge [sflag:s17], $0x2000  }
0x1f7: {  	[sflag:s17] =	ssyncset.done $0x0  }
0x1f8: {  	[sflag:s17] =	ssyncadd.s32 $0xFFFFE000  }
0x1f9: {  	_ =	swait.ge [sflag:s24], $0x2000  }
0x1fa: {  	[sflag:s24] =	ssyncset.done $0x0  }
0x1fb: {  	[sflag:s24] =	ssyncadd.s32 $0xFFFFE000  }
0x1fc: {  	[spmem:s3] =	stream.indirect.scatter.add.f32 [tilespmem:s22], [sflag:$0x3], $0x80, s12, s19, $0xb8;
	[tilespmem:$0x19000] =	vst v63  }
0x1fd: {  	_ =	swait.ge [sflag:s17], $0x2000  }
0x1fe: {  	[sflag:s17] =	ssyncset.done $0x0  }
0x1ff: {  	[sflag:s17] =	ssyncadd.s32 $0xFFFFE000  }
0x200: {  	[tilespmem:s20], [sflag:$0x1] =	stream.indirect.gather [hbm4b:s1+s19], $0x80, s16, s19, $0xb8;
	[tilespmem:$0x19000] =	vst v63  }
0x201: {  	_ = 	snop  }
0x202: {  	[tilespmem:s22], [sflag:$0x2] =	stream.indirect.gather [hbm4b:s1+s19], $0x80, s21, s19, $0xb8;
	[tilespmem:$0x19000] =	vst v63  }
0x203: {  	_ =	swait.ge [sflag:s23], $0x2000  }
0x204: {  	[sflag:s23] =	ssyncset.done $0x0  }
0x205: {  	[sflag:s23] =	ssyncadd.s32 $0xFFFFE000  }
0x206: {  	[spmem:s3] =	stream.indirect.scatter.add.f32 [tilespmem:s20], [sflag:$0x3], $0x80, s25, s19, $0xb8;
	[tilespmem:$0x19000] =	vst v63  }
0x207: {  	_ =	swait.ge [sflag:s17], $0x2000  }
0x208: {  	[sflag:s17] =	ssyncset.done $0x0  }
0x209: {  	[sflag:s17] =	ssyncadd.s32 $0xFFFFE000  }
0x20a: {  	_ =	swait.ge [sflag:s24], $0x2000  }
0x20b: {  	[sflag:s24] =	ssyncset.done $0x0  }
0x20c: {  	[sflag:s24] =	ssyncadd.s32 $0xFFFFE000  }
0x20d: {  	[spmem:s3] =	stream.indirect.scatter.add.f32 [tilespmem:s22], [sflag:$0x3], $0x80, s26, s19, $0xb8;
	[tilespmem:$0x19000] =	vst v63  }
0x20e: {  	_ =	swait.ge [sflag:s17], $0x2000  }
0x20f: {  	[sflag:s17] =	ssyncset.done $0x0  }
0x210: {  	[sflag:s17] =	ssyncadd.s32 $0xFFFFE000  }
0x211: {  	[tilespmem:s20], [sflag:$0x1] =	stream.indirect.gather [hbm4b:s1+s19], $0x80, s28, s19, $0xb8;
	[tilespmem:$0x19000] =	vst v63  }
0x212: {  	_ = 	snop  }
0x213: {  	[tilespmem:s22], [sflag:$0x2] =	stream.indirect.gather [hbm4b:s1+s19], $0x80, s29, s19, $0xb8;
	[tilespmem:$0x19000] =	vst v63  }
0x214: {  	_ =	swait.ge [sflag:s23], $0x2000  }
0x215: {  	[sflag:s23] =	ssyncset.done $0x0  }
0x216: {  	[sflag:s23] =	ssyncadd.s32 $0xFFFFE000  }
0x217: {  	[spmem:s3] =	stream.indirect.scatter.add.f32 [tilespmem:s20], [sflag:$0x3], $0x80, s30, s19, $0xb8;
	[tilespmem:$0x19000] =	vst v63  }
0x218: {  	_ =	swait.ge [sflag:s17], $0x2000  }
0x219: {  	[sflag:s17] =	ssyncset.done $0x0  }
0x21a: {  	[sflag:s17] =	ssyncadd.s32 $0xFFFFE000  }
0x21b: {  	_ =	swait.ge [sflag:s24], $0x2000  }
0x21c: {  	[sflag:s24] =	ssyncset.done $0x0  }
0x21d: {  	[sflag:s24] =	ssyncadd.s32 $0xFFFFE000  }
0x21e: {  	[spmem:s3] =	stream.indirect.scatter.add.f32 [tilespmem:s22], [sflag:$0x3], $0x80, s0, s19, $0xb8;
	[tilespmem:$0x19000] =	vst v63  }
0x21f: {  	_ =	swait.ge [sflag:s17], $0x2000  }
0x220: {  	[sflag:s17] =	ssyncset.done $0x0  }
0x221: {  	[sflag:s17] =	ssyncadd.s32 $0xFFFFE000  }
0x222: {  	[tilespmem:s20], [sflag:$0x1] =	stream.indirect.gather [hbm4b:s1+s19], $0x80, s2, s19, $0xb8;
	[tilespmem:$0x19000] =	vst v63  }
0x223: {  	_ = 	snop  }
0x224: {  	[tilespmem:s22], [sflag:$0x2] =	stream.indirect.gather [hbm4b:s1+s19], $0x80, s9, s19, $0xb8;
	[tilespmem:$0x19000] =	vst v63  }
0x225: {  	_ =	swait.ge [sflag:s23], $0x2000  }
0x226: {  	[sflag:s23] =	ssyncset.done $0x0  }
0x227: {  	[sflag:s23] =	ssyncadd.s32 $0xFFFFE000  }
0x228: {  	[spmem:s3] =	stream.indirect.scatter.add.f32 [tilespmem:s20], [sflag:$0x3], $0x80, s10, s19, $0xb8;
	[tilespmem:$0x19000] =	vst v63  }
0x229: {  	_ =	swait.ge [sflag:s17], $0x2000  }
0x22a: {  	[sflag:s17] =	ssyncset.done $0x0  }
0x22b: {  	[sflag:s17] =	ssyncadd.s32 $0xFFFFE000  }
0x22c: {  	_ =	swait.ge [sflag:s24], $0x2000  }
0x22d: {  	[sflag:s24] =	ssyncset.done $0x0  }
0x22e: {  	s16 =	simm.s32 $0xB80;
	[sflag:s24] =	ssyncadd.s32 $0xFFFFE000  }
0x22f: {  	[spmem:s3] =	stream.indirect.scatter.add.f32 [tilespmem:s22], [sflag:$0x3], $0x80, s16, s19, $0xb8;
	[tilespmem:$0x19000] =	vst v63  }
0x230: {  	_ =	swait.ge [sflag:s17], $0x2000  }
0x231: {  	[sflag:s17] =	ssyncset.done $0x0  }
0x232: {  	s21 =	simm.s32 $0x400;
	[sflag:s17] =	ssyncadd.s32 $0xFFFFE000  }
0x233: {  	[tilespmem:s20], [sflag:$0x1] =	stream.indirect.gather [hbm4b:s1+s19], $0x80, s21, s19, $0xb8;
	[tilespmem:$0x19000] =	vst v63  }
0x234: {  	s25 =	simm.s32 $0x480  }
0x235: {  	[tilespmem:s22], [sflag:$0x2] =	stream.indirect.gather [hbm4b:s1+s19], $0x80, s25, s19, $0xb8;
	[tilespmem:$0x19000] =	vst v63  }
0x236: {  	_ =	swait.ge [sflag:s23], $0x2000  }
0x237: {  	[sflag:s23] =	ssyncset.done $0x0  }
0x238: {  	s26 =	simm.s32 $0xC00;
	[sflag:s23] =	ssyncadd.s32 $0xFFFFE000  }
0x239: {  	[spmem:s3] =	stream.indirect.scatter.add.f32 [tilespmem:s20], [sflag:$0x3], $0x80, s26, s19, $0xb8;
	[tilespmem:$0x19000] =	vst v63  }
0x23a: {  	_ =	swait.ge [sflag:s17], $0x2000  }
0x23b: {  	[sflag:s17] =	ssyncset.done $0x0  }
0x23c: {  	[sflag:s17] =	ssyncadd.s32 $0xFFFFE000  }
0x23d: {  	_ =	swait.ge [sflag:s24], $0x2000  }
0x23e: {  	[sflag:s24] =	ssyncset.done $0x0  }
0x23f: {  	s2 =	simm.s32 $0xC80;
	[sflag:s24] =	ssyncadd.s32 $0xFFFFE000  }
0x240: {  	[spmem:s3] =	stream.indirect.scatter.add.f32 [tilespmem:s22], [sflag:$0x3], $0x80, s2, s19, $0xb8;
	[tilespmem:$0x19000] =	vst v63  }
0x241: {  	_ =	swait.ge [sflag:s17], $0x2000  }
0x242: {  	[sflag:s17] =	ssyncset.done $0x0  }
0x243: {  	s6 =	simm.s32 $0x500;
	[sflag:s17] =	ssyncadd.s32 $0xFFFFE000  }
0x244: {  	[tilespmem:s20], [sflag:$0x1] =	stream.indirect.gather [hbm4b:s1+s19], $0x80, s6, s19, $0xb8;
	[tilespmem:$0x19000] =	vst v63  }
0x245: {  	s7 =	simm.s32 $0x580  }
0x246: {  	[tilespmem:s22], [sflag:$0x2] =	stream.indirect.gather [hbm4b:s1+s19], $0x80, s7, s19, $0xb8;
	[tilespmem:$0x19000] =	vst v63  }
0x247: {  	_ =	swait.ge [sflag:s23], $0x2000  }
0x248: {  	[sflag:s23] =	ssyncset.done $0x0  }
0x249: {  	s8 =	simm.s32 $0xD00;
	[sflag:s23] =	ssyncadd.s32 $0xFFFFE000  }
0x24a: {  	[spmem:s3] =	stream.indirect.scatter.add.f32 [tilespmem:s20], [sflag:$0x3], $0x80, s8, s19, $0xb8;
	[tilespmem:$0x19000] =	vst v63  }
0x24b: {  	_ =	swait.ge [sflag:s17], $0x2000  }
0x24c: {  	[sflag:s17] =	ssyncset.done $0x0  }
0x24d: {  	[sflag:s17] =	ssyncadd.s32 $0xFFFFE000  }
0x24e: {  	_ =	swait.ge [sflag:s24], $0x2000  }
0x24f: {  	[sflag:s24] =	ssyncset.done $0x0  }
0x250: {  	s9 =	simm.s32 $0xD80;
	[sflag:s24] =	ssyncadd.s32 $0xFFFFE000  }
0x251: {  	[spmem:s3] =	stream.indirect.scatter.add.f32 [tilespmem:s22], [sflag:$0x3], $0x80, s9, s19, $0xb8;
	[tilespmem:$0x19000] =	vst v63  }
0x252: {  	_ =	swait.ge [sflag:s17], $0x2000  }
0x253: {  	[sflag:s17] =	ssyncset.done $0x0  }
0x254: {  	s10 =	simm.s32 $0x600;
	[sflag:s17] =	ssyncadd.s32 $0xFFFFE000  }
0x255: {  	[tilespmem:s20], [sflag:$0x1] =	stream.indirect.gather [hbm4b:s1+s19], $0x80, s10, s19, $0xb8;
	[tilespmem:$0x19000] =	vst v63  }
0x256: {  	s11 =	simm.s32 $0x680  }
0x257: {  	[tilespmem:s22], [sflag:$0x2] =	stream.indirect.gather [hbm4b:s1+s19], $0x80, s11, s19, $0xb8;
	[tilespmem:$0x19000] =	vst v63  }
0x258: {  	_ =	swait.ge [sflag:s23], $0x2000  }
0x259: {  	[sflag:s23] =	ssyncset.done $0x0  }
0x25a: {  	s12 =	simm.s32 $0xE00;
	[sflag:s23] =	ssyncadd.s32 $0xFFFFE000  }
0x25b: {  	[spmem:s3] =	stream.indirect.scatter.add.f32 [tilespmem:s20], [sflag:$0x3], $0x80, s12, s19, $0xb8;
	[tilespmem:$0x19000] =	vst v63  }
0x25c: {  	_ =	swait.ge [sflag:s17], $0x2000  }
0x25d: {  	[sflag:s17] =	ssyncset.done $0x0  }
0x25e: {  	[sflag:s17] =	ssyncadd.s32 $0xFFFFE000  }
0x25f: {  	_ =	swait.ge [sflag:s24], $0x2000  }
0x260: {  	[sflag:s24] =	ssyncset.done $0x0  }
0x261: {  	s15 =	simm.s32 $0xE80;
	[sflag:s24] =	ssyncadd.s32 $0xFFFFE000  }
0x262: {  	[spmem:s3] =	stream.indirect.scatter.add.f32 [tilespmem:s22], [sflag:$0x3], $0x80, s15, s19, $0xb8;
	[tilespmem:$0x19000] =	vst v63  }
0x263: {  	_ =	swait.ge [sflag:s17], $0x2000  }
0x264: {  	[sflag:s17] =	ssyncset.done $0x0  }
0x265: {  	s16 =	simm.s32 $0x700;
	[sflag:s17] =	ssyncadd.s32 $0xFFFFE000  }
0x266: {  	[tilespmem:s20], [sflag:$0x1] =	stream.indirect.gather [hbm4b:s1+s19], $0x80, s16, s19, $0xb8;
	[tilespmem:$0x19000] =	vst v63  }
0x267: {  	s21 =	simm.s32 $0x780  }
0x268: {  	[tilespmem:s22], [sflag:$0x2] =	stream.indirect.gather [hbm4b:s1+s19], $0x80, s21, s19, $0xb8;
	[tilespmem:$0x19000] =	vst v63  }
0x269: {  	_ =	swait.ge [sflag:s23], $0x2000  }
0x26a: {  	[sflag:s23] =	ssyncset.done $0x0  }
0x26b: {  	s25 =	simm.s32 $0xF00;
	[sflag:s23] =	ssyncadd.s32 $0xFFFFE000  }
0x26c: {  	[spmem:s3] =	stream.indirect.scatter.add.f32 [tilespmem:s20], [sflag:$0x3], $0x80, s25, s19, $0xb8;
	[tilespmem:$0x19000] =	vst v63  }
0x26d: {  	s31 =	simm.s32 $0xA00;
	s28 =	simm.s32 $0x980;
	_ =	swait.ge [sflag:s17], $0x2000  }
0x26e: {  	s29 =	simm.s32 $0x200;
	s30 =	simm.s32 $0x280;
	[sflag:s17] =	ssyncset.done $0x0  }
0x26f: {  	s0 =	simm.s32 $0xA80;
	s26 =	simm.s32 $0xF80;
	[sflag:s17] =	ssyncadd.s32 $0xFFFFE000  }
0x270: {  	s2 =	simm.s32 $0x300;
	s6 =	simm.s32 $0xB80;
	_ =	swait.ge [sflag:s24], $0x2000  }
0x271: {  	s8 =	simm.s32 $0x100;
	s9 =	simm.s32 $0x380;
	[sflag:s24] =	ssyncset.done $0x0  }
0x272: {  	s10 =	simm.s32 $0xB00;
	s12 =	simm.s32 $0x200;
	[sflag:s24] =	ssyncadd.s32 $0xFFFFE000  }
0x273: {  	[spmem:s3] =	stream.indirect.scatter.add.f32 [tilespmem:s22], [sflag:$0x3], $0x80, s26, s19, $0xb8;
	[tilespmem:$0x19000] =	vst v63  }
0x274: {  	s16 =	simm.s32 $0x880;
	s21 =	simm.s32 $0x100;
	_ =	swait.ge [sflag:s17], $0x2000  }
0x275: {  	s25 =	simm.s32 $0x180;
	s26 =	simm.s32 $0x900;
	[sflag:s17] =	ssyncset.done $0x0  }
.LBB2_3:
0x276: {  	s15 =	sadd.s32 s8, s14  }
0x277: {  	[sflag:s17] =	ssyncadd.s32 $0xFFFFE000;
	s7 =	smov.u32 s12;
	s11 =	sadd.s32 $0x100, s12  }
0x278: {  	[tilespmem:s4], [sflag:$0x3] =	stream.linear.gather [hbm4b:s15+s4], $0x800, $0x38;
	[tilespmem:$0x19000] =	vst v63  }
0x279: {  	s15 =	simm.s32 $0x80  }
0x27a: {  	p1 =	seq.s32 s12, $0x900;
	_ =	swait.ge [sflag:s17], $0x800  }
0x27b: {  	[sflag:s17] =	ssyncset.done $0x0  }
0x27c: {  	s12 =	sadd.s32 s8, s13;
	s8 =	smov.u32 s7;
	[sflag:s17] =	ssyncadd.s32 $0xFFFFF800  }
0x27d: {  	[tilespmem:s18], [sflag:$0x3] =	stream.linear.gather [hbm4b:s12+s4], $0x800, $0x38;
	[tilespmem:$0x19000] =	vst v63  }
0x27e: {  	_ =	swait.ge [sflag:s17], $0x800  }
0x27f: {  	[sflag:s17] =	ssyncset.done $0x0  }
0x280: {  	[sflag:s17] =	ssyncadd.s32 $0xFFFFF800  }
0x281: {  	[tilespmem:s20], [sflag:$0x1] =	stream.indirect.gather [hbm4b:s1+s19], $0x80, s4, s19, $0xb8;
	[tilespmem:$0x19000] =	vst v63  }
0x282: {  	_ = 	snop  }
0x283: {  	[tilespmem:s22], [sflag:$0x2] =	stream.indirect.gather [hbm4b:s1+s19], $0x80, s15, s19, $0xb8;
	[tilespmem:$0x19000] =	vst v63  }
0x284: {  	_ =	swait.ge [sflag:s23], $0x2000  }
0x285: {  	[sflag:s23] =	ssyncset.done $0x0  }
0x286: {  	[sflag:s23] =	ssyncadd.s32 $0xFFFFE000  }
0x287: {  	[spmem:s3] =	stream.indirect.scatter.add.f32 [tilespmem:s20], [sflag:$0x3], $0x80, s18, s19, $0xb8;
	[tilespmem:$0x19000] =	vst v63  }
0x288: {  	_ =	swait.ge [sflag:s17], $0x2000  }
0x289: {  	[sflag:s17] =	ssyncset.done $0x0  }
0x28a: {  	[sflag:s17] =	ssyncadd.s32 $0xFFFFE000  }
0x28b: {  	_ =	swait.ge [sflag:s24], $0x2000  }
0x28c: {  	[sflag:s24] =	ssyncset.done $0x0  }
0x28d: {  	[sflag:s24] =	ssyncadd.s32 $0xFFFFE000  }
0x28e: {  	[spmem:s3] =	stream.indirect.scatter.add.f32 [tilespmem:s22], [sflag:$0x3], $0x80, s16, s19, $0xb8;
	[tilespmem:$0x19000] =	vst v63  }
0x28f: {  	_ =	swait.ge [sflag:s17], $0x2000  }
0x290: {  	[sflag:s17] =	ssyncset.done $0x0  }
0x291: {  	[sflag:s17] =	ssyncadd.s32 $0xFFFFE000  }
0x292: {  	[tilespmem:s20], [sflag:$0x1] =	stream.indirect.gather [hbm4b:s1+s19], $0x80, s21, s19, $0xb8;
	[tilespmem:$0x19000] =	vst v63  }
0x293: {  	_ = 	snop  }
0x294: {  	[tilespmem:s22], [sflag:$0x2] =	stream.indirect.gather [hbm4b:s1+s19], $0x80, s25, s19, $0xb8;
	[tilespmem:$0x19000] =	vst v63  }
0x295: {  	_ =	swait.ge [sflag:s23], $0x2000  }
0x296: {  	[sflag:s23] =	ssyncset.done $0x0  }
0x297: {  	[sflag:s23] =	ssyncadd.s32 $0xFFFFE000  }
0x298: {  	[spmem:s3] =	stream.indirect.scatter.add.f32 [tilespmem:s20], [sflag:$0x3], $0x80, s26, s19, $0xb8;
	[tilespmem:$0x19000] =	vst v63  }
0x299: {  	_ =	swait.ge [sflag:s17], $0x2000  }
0x29a: {  	[sflag:s17] =	ssyncset.done $0x0  }
0x29b: {  	[sflag:s17] =	ssyncadd.s32 $0xFFFFE000  }
0x29c: {  	_ =	swait.ge [sflag:s24], $0x2000  }
0x29d: {  	[sflag:s24] =	ssyncset.done $0x0  }
0x29e: {  	[sflag:s24] =	ssyncadd.s32 $0xFFFFE000  }
0x29f: {  	[spmem:s3] =	stream.indirect.scatter.add.f32 [tilespmem:s22], [sflag:$0x3], $0x80, s28, s19, $0xb8;
	[tilespmem:$0x19000] =	vst v63  }
0x2a0: {  	_ =	swait.ge [sflag:s17], $0x2000  }
0x2a1: {  	[sflag:s17] =	ssyncset.done $0x0  }
0x2a2: {  	[sflag:s17] =	ssyncadd.s32 $0xFFFFE000  }
0x2a3: {  	[tilespmem:s20], [sflag:$0x1] =	stream.indirect.gather [hbm4b:s1+s19], $0x80, s29, s19, $0xb8;
	[tilespmem:$0x19000] =	vst v63  }
0x2a4: {  	_ = 	snop  }
0x2a5: {  	[tilespmem:s22], [sflag:$0x2] =	stream.indirect.gather [hbm4b:s1+s19], $0x80, s30, s19, $0xb8;
	[tilespmem:$0x19000] =	vst v63  }
0x2a6: {  	_ =	swait.ge [sflag:s23], $0x2000  }
0x2a7: {  	[sflag:s23] =	ssyncset.done $0x0  }
0x2a8: {  	[sflag:s23] =	ssyncadd.s32 $0xFFFFE000  }
0x2a9: {  	[spmem:s3] =	stream.indirect.scatter.add.f32 [tilespmem:s20], [sflag:$0x3], $0x80, s31, s19, $0xb8;
	[tilespmem:$0x19000] =	vst v63  }
0x2aa: {  	_ =	swait.ge [sflag:s17], $0x2000  }
0x2ab: {  	[sflag:s17] =	ssyncset.done $0x0  }
0x2ac: {  	[sflag:s17] =	ssyncadd.s32 $0xFFFFE000  }
0x2ad: {  	_ =	swait.ge [sflag:s24], $0x2000  }
0x2ae: {  	[sflag:s24] =	ssyncset.done $0x0  }
0x2af: {  	[sflag:s24] =	ssyncadd.s32 $0xFFFFE000  }
0x2b0: {  	[spmem:s3] =	stream.indirect.scatter.add.f32 [tilespmem:s22], [sflag:$0x3], $0x80, s0, s19, $0xb8;
	[tilespmem:$0x19000] =	vst v63  }
0x2b1: {  	_ =	swait.ge [sflag:s17], $0x2000  }
0x2b2: {  	[sflag:s17] =	ssyncset.done $0x0  }
0x2b3: {  	[sflag:s17] =	ssyncadd.s32 $0xFFFFE000  }
0x2b4: {  	[tilespmem:s20], [sflag:$0x1] =	stream.indirect.gather [hbm4b:s1+s19], $0x80, s2, s19, $0xb8;
	[tilespmem:$0x19000] =	vst v63  }
0x2b5: {  	_ = 	snop  }
0x2b6: {  	[tilespmem:s22], [sflag:$0x2] =	stream.indirect.gather [hbm4b:s1+s19], $0x80, s9, s19, $0xb8;
	[tilespmem:$0x19000] =	vst v63  }
0x2b7: {  	_ =	swait.ge [sflag:s23], $0x2000  }
0x2b8: {  	[sflag:s23] =	ssyncset.done $0x0  }
0x2b9: {  	[sflag:s23] =	ssyncadd.s32 $0xFFFFE000  }
0x2ba: {  	[spmem:s3] =	stream.indirect.scatter.add.f32 [tilespmem:s20], [sflag:$0x3], $0x80, s10, s19, $0xb8;
	[tilespmem:$0x19000] =	vst v63  }
0x2bb: {  	_ =	swait.ge [sflag:s17], $0x2000  }
0x2bc: {  	[sflag:s17] =	ssyncset.done $0x0  }
0x2bd: {  	[sflag:s17] =	ssyncadd.s32 $0xFFFFE000  }
0x2be: {  	_ =	swait.ge [sflag:s24], $0x2000  }
0x2bf: {  	[sflag:s24] =	ssyncset.done $0x0  }
0x2c0: {  	[sflag:s24] =	ssyncadd.s32 $0xFFFFE000  }
0x2c1: {  	[spmem:s3] =	stream.indirect.scatter.add.f32 [tilespmem:s22], [sflag:$0x3], $0x80, s6, s19, $0xb8;
	[tilespmem:$0x19000] =	vst v63  }
0x2c2: {  	_ =	swait.ge [sflag:s17], $0x2000  }
0x2c3: {  	[sflag:s17] =	ssyncset.done $0x0  }
0x2c4: {  	s7 =	simm.s32 $0x400;
	[sflag:s17] =	ssyncadd.s32 $0xFFFFE000  }
0x2c5: {  	[tilespmem:s20], [sflag:$0x1] =	stream.indirect.gather [hbm4b:s1+s19], $0x80, s7, s19, $0xb8;
	[tilespmem:$0x19000] =	vst v63  }
0x2c6: {  	s7 =	simm.s32 $0x480  }
0x2c7: {  	[tilespmem:s22], [sflag:$0x2] =	stream.indirect.gather [hbm4b:s1+s19], $0x80, s7, s19, $0xb8;
	[tilespmem:$0x19000] =	vst v63  }
0x2c8: {  	_ =	swait.ge [sflag:s23], $0x2000  }
0x2c9: {  	[sflag:s23] =	ssyncset.done $0x0  }
0x2ca: {  	s7 =	simm.s32 $0xC00;
	[sflag:s23] =	ssyncadd.s32 $0xFFFFE000  }
0x2cb: {  	[spmem:s3] =	stream.indirect.scatter.add.f32 [tilespmem:s20], [sflag:$0x3], $0x80, s7, s19, $0xb8;
	[tilespmem:$0x19000] =	vst v63  }
0x2cc: {  	_ =	swait.ge [sflag:s17], $0x2000  }
0x2cd: {  	[sflag:s17] =	ssyncset.done $0x0  }
0x2ce: {  	[sflag:s17] =	ssyncadd.s32 $0xFFFFE000  }
0x2cf: {  	_ =	swait.ge [sflag:s24], $0x2000  }
0x2d0: {  	[sflag:s24] =	ssyncset.done $0x0  }
0x2d1: {  	s7 =	simm.s32 $0xC80;
	[sflag:s24] =	ssyncadd.s32 $0xFFFFE000  }
0x2d2: {  	[spmem:s3] =	stream.indirect.scatter.add.f32 [tilespmem:s22], [sflag:$0x3], $0x80, s7, s19, $0xb8;
	[tilespmem:$0x19000] =	vst v63  }
0x2d3: {  	_ =	swait.ge [sflag:s17], $0x2000  }
0x2d4: {  	[sflag:s17] =	ssyncset.done $0x0  }
0x2d5: {  	s7 =	simm.s32 $0x500;
	[sflag:s17] =	ssyncadd.s32 $0xFFFFE000  }
0x2d6: {  	[tilespmem:s20], [sflag:$0x1] =	stream.indirect.gather [hbm4b:s1+s19], $0x80, s7, s19, $0xb8;
	[tilespmem:$0x19000] =	vst v63  }
0x2d7: {  	s7 =	simm.s32 $0x580  }
0x2d8: {  	[tilespmem:s22], [sflag:$0x2] =	stream.indirect.gather [hbm4b:s1+s19], $0x80, s7, s19, $0xb8;
	[tilespmem:$0x19000] =	vst v63  }
0x2d9: {  	_ =	swait.ge [sflag:s23], $0x2000  }
0x2da: {  	[sflag:s23] =	ssyncset.done $0x0  }
0x2db: {  	s7 =	simm.s32 $0xD00;
	[sflag:s23] =	ssyncadd.s32 $0xFFFFE000  }
0x2dc: {  	[spmem:s3] =	stream.indirect.scatter.add.f32 [tilespmem:s20], [sflag:$0x3], $0x80, s7, s19, $0xb8;
	[tilespmem:$0x19000] =	vst v63  }
0x2dd: {  	_ =	swait.ge [sflag:s17], $0x2000  }
0x2de: {  	[sflag:s17] =	ssyncset.done $0x0  }
0x2df: {  	[sflag:s17] =	ssyncadd.s32 $0xFFFFE000  }
0x2e0: {  	_ =	swait.ge [sflag:s24], $0x2000  }
0x2e1: {  	[sflag:s24] =	ssyncset.done $0x0  }
0x2e2: {  	s7 =	simm.s32 $0xD80;
	[sflag:s24] =	ssyncadd.s32 $0xFFFFE000  }
0x2e3: {  	[spmem:s3] =	stream.indirect.scatter.add.f32 [tilespmem:s22], [sflag:$0x3], $0x80, s7, s19, $0xb8;
	[tilespmem:$0x19000] =	vst v63  }
0x2e4: {  	_ =	swait.ge [sflag:s17], $0x2000  }
0x2e5: {  	[sflag:s17] =	ssyncset.done $0x0  }
0x2e6: {  	s7 =	simm.s32 $0x600;
	[sflag:s17] =	ssyncadd.s32 $0xFFFFE000  }
0x2e7: {  	[tilespmem:s20], [sflag:$0x1] =	stream.indirect.gather [hbm4b:s1+s19], $0x80, s7, s19, $0xb8;
	[tilespmem:$0x19000] =	vst v63  }
0x2e8: {  	s7 =	simm.s32 $0x680  }
0x2e9: {  	[tilespmem:s22], [sflag:$0x2] =	stream.indirect.gather [hbm4b:s1+s19], $0x80, s7, s19, $0xb8;
	[tilespmem:$0x19000] =	vst v63  }
0x2ea: {  	_ =	swait.ge [sflag:s23], $0x2000  }
0x2eb: {  	[sflag:s23] =	ssyncset.done $0x0  }
0x2ec: {  	s7 =	simm.s32 $0xE00;
	[sflag:s23] =	ssyncadd.s32 $0xFFFFE000  }
0x2ed: {  	[spmem:s3] =	stream.indirect.scatter.add.f32 [tilespmem:s20], [sflag:$0x3], $0x80, s7, s19, $0xb8;
	[tilespmem:$0x19000] =	vst v63  }
0x2ee: {  	_ =	swait.ge [sflag:s17], $0x2000  }
0x2ef: {  	[sflag:s17] =	ssyncset.done $0x0  }
0x2f0: {  	[sflag:s17] =	ssyncadd.s32 $0xFFFFE000  }
0x2f1: {  	_ =	swait.ge [sflag:s24], $0x2000  }
0x2f2: {  	[sflag:s24] =	ssyncset.done $0x0  }
0x2f3: {  	s7 =	simm.s32 $0xE80;
	[sflag:s24] =	ssyncadd.s32 $0xFFFFE000  }
0x2f4: {  	[spmem:s3] =	stream.indirect.scatter.add.f32 [tilespmem:s22], [sflag:$0x3], $0x80, s7, s19, $0xb8;
	[tilespmem:$0x19000] =	vst v63  }
0x2f5: {  	_ =	swait.ge [sflag:s17], $0x2000  }
0x2f6: {  	[sflag:s17] =	ssyncset.done $0x0  }
0x2f7: {  	s7 =	simm.s32 $0x700;
	[sflag:s17] =	ssyncadd.s32 $0xFFFFE000  }
0x2f8: {  	[tilespmem:s20], [sflag:$0x1] =	stream.indirect.gather [hbm4b:s1+s19], $0x80, s7, s19, $0xb8;
	[tilespmem:$0x19000] =	vst v63  }
0x2f9: {  	s7 =	simm.s32 $0x780  }
0x2fa: {  	[tilespmem:s22], [sflag:$0x2] =	stream.indirect.gather [hbm4b:s1+s19], $0x80, s7, s19, $0xb8;
	[tilespmem:$0x19000] =	vst v63  }
0x2fb: {  	_ =	swait.ge [sflag:s23], $0x2000  }
0x2fc: {  	[sflag:s23] =	ssyncset.done $0x0  }
0x2fd: {  	s7 =	simm.s32 $0xF00;
	[sflag:s23] =	ssyncadd.s32 $0xFFFFE000  }
0x2fe: {  	[spmem:s3] =	stream.indirect.scatter.add.f32 [tilespmem:s20], [sflag:$0x3], $0x80, s7, s19, $0xb8;
	[tilespmem:$0x19000] =	vst v63  }
0x2ff: {  	_ =	swait.ge [sflag:s17], $0x2000  }
0x300: {  	[sflag:s17] =	ssyncset.done $0x0  }
0x301: {  	[sflag:s17] =	ssyncadd.s32 $0xFFFFE000  }
0x302: {  	_ =	swait.ge [sflag:s24], $0x2000  }
.Ltmp5:
0x303: {  	[sflag:s24] =	ssyncset.done $0x0;
	(pc) =	sbr.rel @!p1 .LBB2_3-.Ltmp5, $4  }
0x304: {  	s7 =	simm.s32 $0xF80;
	[sflag:s24] =	ssyncadd.s32 $0xFFFFE000  }
0x305: {  	[spmem:s3] =	stream.indirect.scatter.add.f32 [tilespmem:s22], [sflag:$0x3], $0x80, s7, s19, $0xb8;
	[tilespmem:$0x19000] =	vst v63  }
0x306: {  	_ =	swait.ge [sflag:s17], $0x2000  }
0x307: {  	s12 =	smov.u32 s11;
	[sflag:s17] =	ssyncset.done $0x0  }
0x308: {  	s7 =	sadd.s32 s8, s14;
	[sflag:s17] =	ssyncadd.s32 $0xFFFFE000  }
0x309: {  	[tilespmem:s4], [sflag:$0x3] =	stream.linear.gather [hbm4b:s7+s4], $0x800, $0x38;
	[tilespmem:$0x19000] =	vst v63  }
0x30a: {  	_ =	swait.ge [sflag:s17], $0x800  }
0x30b: {  	[sflag:s17] =	ssyncset.done $0x0  }
0x30c: {  	s12 =	sadd.s32 s8, s13;
	[sflag:s17] =	ssyncadd.s32 $0xFFFFF800  }
0x30d: {  	[tilespmem:s18], [sflag:$0x3] =	stream.linear.gather [hbm4b:s12+s4], $0x800, $0x38;
	[tilespmem:$0x19000] =	vst v63  }
0x30e: {  	_ =	swait.ge [sflag:s17], $0x800  }
0x30f: {  	[sflag:s17] =	ssyncset.done $0x0  }
0x310: {  	[sflag:s17] =	ssyncadd.s32 $0xFFFFF800  }
0x311: {  	[tilespmem:s20], [sflag:$0x1] =	stream.indirect.gather [hbm4b:s1+s19], $0x80, s4, s19, $0xb8;
	[tilespmem:$0x19000] =	vst v63  }
0x312: {  	_ = 	snop  }
0x313: {  	[tilespmem:s22], [sflag:$0x2] =	stream.indirect.gather [hbm4b:s1+s19], $0x80, s15, s19, $0xb8;
	[tilespmem:$0x19000] =	vst v63  }
0x314: {  	_ =	swait.ge [sflag:s23], $0x2000  }
0x315: {  	[sflag:s23] =	ssyncset.done $0x0  }
0x316: {  	[sflag:s23] =	ssyncadd.s32 $0xFFFFE000  }
0x317: {  	[spmem:s3] =	stream.indirect.scatter.add.f32 [tilespmem:s20], [sflag:$0x3], $0x80, s18, s19, $0xb8;
	[tilespmem:$0x19000] =	vst v63  }
0x318: {  	_ =	swait.ge [sflag:s17], $0x2000  }
0x319: {  	[sflag:s17] =	ssyncset.done $0x0  }
0x31a: {  	[sflag:s17] =	ssyncadd.s32 $0xFFFFE000  }
0x31b: {  	_ =	swait.ge [sflag:s24], $0x2000  }
0x31c: {  	[sflag:s24] =	ssyncset.done $0x0  }
0x31d: {  	[sflag:s24] =	ssyncadd.s32 $0xFFFFE000  }
0x31e: {  	[spmem:s3] =	stream.indirect.scatter.add.f32 [tilespmem:s22], [sflag:$0x3], $0x80, s16, s19, $0xb8;
	[tilespmem:$0x19000] =	vst v63  }
0x31f: {  	_ =	swait.ge [sflag:s17], $0x2000  }
0x320: {  	[sflag:s17] =	ssyncset.done $0x0  }
0x321: {  	[sflag:s17] =	ssyncadd.s32 $0xFFFFE000  }
0x322: {  	[tilespmem:s20], [sflag:$0x1] =	stream.indirect.gather [hbm4b:s1+s19], $0x80, s21, s19, $0xb8;
	[tilespmem:$0x19000] =	vst v63  }
0x323: {  	_ = 	snop  }
0x324: {  	[tilespmem:s22], [sflag:$0x2] =	stream.indirect.gather [hbm4b:s1+s19], $0x80, s25, s19, $0xb8;
	[tilespmem:$0x19000] =	vst v63  }
0x325: {  	_ =	swait.ge [sflag:s23], $0x2000  }
0x326: {  	[sflag:s23] =	ssyncset.done $0x0  }
0x327: {  	[sflag:s23] =	ssyncadd.s32 $0xFFFFE000  }
0x328: {  	[spmem:s3] =	stream.indirect.scatter.add.f32 [tilespmem:s20], [sflag:$0x3], $0x80, s26, s19, $0xb8;
	[tilespmem:$0x19000] =	vst v63  }
0x329: {  	_ =	swait.ge [sflag:s17], $0x2000  }
0x32a: {  	[sflag:s17] =	ssyncset.done $0x0  }
0x32b: {  	[sflag:s17] =	ssyncadd.s32 $0xFFFFE000  }
0x32c: {  	_ =	swait.ge [sflag:s24], $0x2000  }
0x32d: {  	[sflag:s24] =	ssyncset.done $0x0  }
0x32e: {  	[sflag:s24] =	ssyncadd.s32 $0xFFFFE000  }
0x32f: {  	[spmem:s3] =	stream.indirect.scatter.add.f32 [tilespmem:s22], [sflag:$0x3], $0x80, s28, s19, $0xb8;
	[tilespmem:$0x19000] =	vst v63  }
0x330: {  	_ =	swait.ge [sflag:s17], $0x2000  }
0x331: {  	[sflag:s17] =	ssyncset.done $0x0  }
0x332: {  	[sflag:s17] =	ssyncadd.s32 $0xFFFFE000  }
0x333: {  	[tilespmem:s20], [sflag:$0x1] =	stream.indirect.gather [hbm4b:s1+s19], $0x80, s29, s19, $0xb8;
	[tilespmem:$0x19000] =	vst v63  }
0x334: {  	_ = 	snop  }
0x335: {  	[tilespmem:s22], [sflag:$0x2] =	stream.indirect.gather [hbm4b:s1+s19], $0x80, s30, s19, $0xb8;
	[tilespmem:$0x19000] =	vst v63  }
0x336: {  	_ =	swait.ge [sflag:s23], $0x2000  }
0x337: {  	[sflag:s23] =	ssyncset.done $0x0  }
0x338: {  	[sflag:s23] =	ssyncadd.s32 $0xFFFFE000  }
0x339: {  	[spmem:s3] =	stream.indirect.scatter.add.f32 [tilespmem:s20], [sflag:$0x3], $0x80, s31, s19, $0xb8;
	[tilespmem:$0x19000] =	vst v63  }
0x33a: {  	_ =	swait.ge [sflag:s17], $0x2000  }
0x33b: {  	[sflag:s17] =	ssyncset.done $0x0  }
0x33c: {  	[sflag:s17] =	ssyncadd.s32 $0xFFFFE000  }
0x33d: {  	_ =	swait.ge [sflag:s24], $0x2000  }
0x33e: {  	[sflag:s24] =	ssyncset.done $0x0  }
0x33f: {  	[sflag:s24] =	ssyncadd.s32 $0xFFFFE000  }
0x340: {  	[spmem:s3] =	stream.indirect.scatter.add.f32 [tilespmem:s22], [sflag:$0x3], $0x80, s0, s19, $0xb8;
	[tilespmem:$0x19000] =	vst v63  }
0x341: {  	_ =	swait.ge [sflag:s17], $0x2000  }
0x342: {  	[sflag:s17] =	ssyncset.done $0x0  }
0x343: {  	[sflag:s17] =	ssyncadd.s32 $0xFFFFE000  }
0x344: {  	[tilespmem:s20], [sflag:$0x1] =	stream.indirect.gather [hbm4b:s1+s19], $0x80, s2, s19, $0xb8;
	[tilespmem:$0x19000] =	vst v63  }
0x345: {  	_ = 	snop  }
0x346: {  	[tilespmem:s22], [sflag:$0x2] =	stream.indirect.gather [hbm4b:s1+s19], $0x80, s9, s19, $0xb8;
	[tilespmem:$0x19000] =	vst v63  }
0x347: {  	_ =	swait.ge [sflag:s23], $0x2000  }
0x348: {  	[sflag:s23] =	ssyncset.done $0x0  }
0x349: {  	[sflag:s23] =	ssyncadd.s32 $0xFFFFE000  }
0x34a: {  	[spmem:s3] =	stream.indirect.scatter.add.f32 [tilespmem:s20], [sflag:$0x3], $0x80, s10, s19, $0xb8;
	[tilespmem:$0x19000] =	vst v63  }
0x34b: {  	_ =	swait.ge [sflag:s17], $0x2000  }
0x34c: {  	[sflag:s17] =	ssyncset.done $0x0  }
0x34d: {  	[sflag:s17] =	ssyncadd.s32 $0xFFFFE000  }
0x34e: {  	_ =	swait.ge [sflag:s24], $0x2000  }
0x34f: {  	[sflag:s24] =	ssyncset.done $0x0  }
0x350: {  	[sflag:s24] =	ssyncadd.s32 $0xFFFFE000  }
0x351: {  	[spmem:s3] =	stream.indirect.scatter.add.f32 [tilespmem:s22], [sflag:$0x3], $0x80, s6, s19, $0xb8;
	[tilespmem:$0x19000] =	vst v63  }
0x352: {  	_ =	swait.ge [sflag:s17], $0x2000  }
0x353: {  	[sflag:s17] =	ssyncset.done $0x0  }
0x354: {  	s16 =	simm.s32 $0x400;
	[sflag:s17] =	ssyncadd.s32 $0xFFFFE000  }
0x355: {  	[tilespmem:s20], [sflag:$0x1] =	stream.indirect.gather [hbm4b:s1+s19], $0x80, s16, s19, $0xb8;
	[tilespmem:$0x19000] =	vst v63  }
0x356: {  	s21 =	simm.s32 $0x480  }
0x357: {  	[tilespmem:s22], [sflag:$0x2] =	stream.indirect.gather [hbm4b:s1+s19], $0x80, s21, s19, $0xb8;
	[tilespmem:$0x19000] =	vst v63  }
0x358: {  	_ =	swait.ge [sflag:s23], $0x2000  }
0x359: {  	[sflag:s23] =	ssyncset.done $0x0  }
0x35a: {  	s25 =	simm.s32 $0xC00;
	[sflag:s23] =	ssyncadd.s32 $0xFFFFE000  }
0x35b: {  	[spmem:s3] =	stream.indirect.scatter.add.f32 [tilespmem:s20], [sflag:$0x3], $0x80, s25, s19, $0xb8;
	[tilespmem:$0x19000] =	vst v63  }
0x35c: {  	_ =	swait.ge [sflag:s17], $0x2000  }
0x35d: {  	[sflag:s17] =	ssyncset.done $0x0  }
0x35e: {  	[sflag:s17] =	ssyncadd.s32 $0xFFFFE000  }
0x35f: {  	_ =	swait.ge [sflag:s24], $0x2000  }
0x360: {  	[sflag:s24] =	ssyncset.done $0x0  }
0x361: {  	s26 =	simm.s32 $0xC80;
	[sflag:s24] =	ssyncadd.s32 $0xFFFFE000  }
0x362: {  	[spmem:s3] =	stream.indirect.scatter.add.f32 [tilespmem:s22], [sflag:$0x3], $0x80, s26, s19, $0xb8;
	[tilespmem:$0x19000] =	vst v63  }
0x363: {  	_ =	swait.ge [sflag:s17], $0x2000  }
0x364: {  	[sflag:s17] =	ssyncset.done $0x0  }
0x365: {  	s2 =	simm.s32 $0x500;
	[sflag:s17] =	ssyncadd.s32 $0xFFFFE000  }
0x366: {  	[tilespmem:s20], [sflag:$0x1] =	stream.indirect.gather [hbm4b:s1+s19], $0x80, s2, s19, $0xb8;
	[tilespmem:$0x19000] =	vst v63  }
0x367: {  	s6 =	simm.s32 $0x580  }
0x368: {  	[tilespmem:s22], [sflag:$0x2] =	stream.indirect.gather [hbm4b:s1+s19], $0x80, s6, s19, $0xb8;
	[tilespmem:$0x19000] =	vst v63  }
0x369: {  	_ =	swait.ge [sflag:s23], $0x2000  }
0x36a: {  	[sflag:s23] =	ssyncset.done $0x0  }
0x36b: {  	s7 =	simm.s32 $0xD00;
	[sflag:s23] =	ssyncadd.s32 $0xFFFFE000  }
0x36c: {  	[spmem:s3] =	stream.indirect.scatter.add.f32 [tilespmem:s20], [sflag:$0x3], $0x80, s7, s19, $0xb8;
	[tilespmem:$0x19000] =	vst v63  }
0x36d: {  	_ =	swait.ge [sflag:s17], $0x2000  }
0x36e: {  	[sflag:s17] =	ssyncset.done $0x0  }
0x36f: {  	[sflag:s17] =	ssyncadd.s32 $0xFFFFE000  }
0x370: {  	_ =	swait.ge [sflag:s24], $0x2000  }
0x371: {  	[sflag:s24] =	ssyncset.done $0x0  }
0x372: {  	s8 =	simm.s32 $0xD80;
	[sflag:s24] =	ssyncadd.s32 $0xFFFFE000  }
0x373: {  	[spmem:s3] =	stream.indirect.scatter.add.f32 [tilespmem:s22], [sflag:$0x3], $0x80, s8, s19, $0xb8;
	[tilespmem:$0x19000] =	vst v63  }
0x374: {  	_ =	swait.ge [sflag:s17], $0x2000  }
0x375: {  	[sflag:s17] =	ssyncset.done $0x0  }
0x376: {  	s9 =	simm.s32 $0x600;
	[sflag:s17] =	ssyncadd.s32 $0xFFFFE000  }
0x377: {  	[tilespmem:s20], [sflag:$0x1] =	stream.indirect.gather [hbm4b:s1+s19], $0x80, s9, s19, $0xb8;
	[tilespmem:$0x19000] =	vst v63  }
0x378: {  	s10 =	simm.s32 $0x680  }
0x379: {  	[tilespmem:s22], [sflag:$0x2] =	stream.indirect.gather [hbm4b:s1+s19], $0x80, s10, s19, $0xb8;
	[tilespmem:$0x19000] =	vst v63  }
0x37a: {  	_ =	swait.ge [sflag:s23], $0x2000  }
0x37b: {  	[sflag:s23] =	ssyncset.done $0x0  }
0x37c: {  	s11 =	simm.s32 $0xE00;
	[sflag:s23] =	ssyncadd.s32 $0xFFFFE000  }
0x37d: {  	[spmem:s3] =	stream.indirect.scatter.add.f32 [tilespmem:s20], [sflag:$0x3], $0x80, s11, s19, $0xb8;
	[tilespmem:$0x19000] =	vst v63  }
0x37e: {  	_ =	swait.ge [sflag:s17], $0x2000  }
0x37f: {  	[sflag:s17] =	ssyncset.done $0x0  }
0x380: {  	[sflag:s17] =	ssyncadd.s32 $0xFFFFE000  }
0x381: {  	_ =	swait.ge [sflag:s24], $0x2000  }
0x382: {  	[sflag:s24] =	ssyncset.done $0x0  }
0x383: {  	s12 =	simm.s32 $0xE80;
	[sflag:s24] =	ssyncadd.s32 $0xFFFFE000  }
0x384: {  	[spmem:s3] =	stream.indirect.scatter.add.f32 [tilespmem:s22], [sflag:$0x3], $0x80, s12, s19, $0xb8;
	[tilespmem:$0x19000] =	vst v63  }
0x385: {  	_ =	swait.ge [sflag:s17], $0x2000  }
0x386: {  	[sflag:s17] =	ssyncset.done $0x0  }
0x387: {  	s16 =	simm.s32 $0x700;
	[sflag:s17] =	ssyncadd.s32 $0xFFFFE000  }
0x388: {  	[tilespmem:s20], [sflag:$0x1] =	stream.indirect.gather [hbm4b:s1+s19], $0x80, s16, s19, $0xb8;
	[tilespmem:$0x19000] =	vst v63  }
0x389: {  	s21 =	simm.s32 $0x780  }
0x38a: {  	[tilespmem:s22], [sflag:$0x2] =	stream.indirect.gather [hbm4b:s1+s19], $0x80, s21, s19, $0xb8;
	[tilespmem:$0x19000] =	vst v63  }
0x38b: {  	_ =	swait.ge [sflag:s23], $0x2000  }
0x38c: {  	[sflag:s23] =	ssyncset.done $0x0  }
0x38d: {  	s25 =	simm.s32 $0xF00;
	[sflag:s23] =	ssyncadd.s32 $0xFFFFE000  }
0x38e: {  	[spmem:s3] =	stream.indirect.scatter.add.f32 [tilespmem:s20], [sflag:$0x3], $0x80, s25, s19, $0xb8;
	[tilespmem:$0x19000] =	vst v63  }
0x38f: {  	_ =	swait.ge [sflag:s17], $0x2000  }
0x390: {  	[sflag:s17] =	ssyncset.done $0x0  }
0x391: {  	[sflag:s17] =	ssyncadd.s32 $0xFFFFE000  }
0x392: {  	s28 =	simm.s32 $0x200;
	_ =	swait.ge [sflag:s24], $0x2000  }
0x393: {  	s29 =	simm.s32 $0x280;
	s30 =	simm.s32 $0xA00;
	[sflag:s24] =	ssyncset.done $0x0  }
0x394: {  	s0 =	simm.s32 $0xA80;
	s26 =	simm.s32 $0xF80;
	[sflag:s24] =	ssyncadd.s32 $0xFFFFE000  }
0x395: {  	[spmem:s3] =	stream.indirect.scatter.add.f32 [tilespmem:s22], [sflag:$0x3], $0x80, s26, s19, $0xb8;
	[tilespmem:$0x19000] =	vst v63  }
.Ltmp6:
0x396: {  	s2 =	simm.s32 $0x300;
	s9 =	simm.s32 $0x380;
	(pc) =	sbr.rel .LBB2_8-.Ltmp6, $4  }
0x397: {  	s10 =	simm.s32 $0xB00;
	s12 =	simm.s32 $0x880;
	_ =	swait.ge [sflag:s17], $0x2000  }
0x398: {  	s16 =	simm.s32 $0x100;
	s21 =	simm.s32 $0x180;
	s8 =	rddreg [dreg:$0x4]  }
0x399: {  	s25 =	simm.s32 $0x900;
	[sflag:s17] =	ssyncset.done $0x0;
	s31 =	rddreg [dreg:$0xd]  }
0x39a: {  	s26 =	simm.s32 $0x980;
	s6 =	rddreg [dreg:$0xe];
	[sflag:s17] =	ssyncadd.s32 $0xFFFFE000  }
.LBB2_9:
0x39b: {  	_ =	sfence.sel $0x180000  }
0x39c: {  	[bflag:$0x0] =	sbarrier.arrive $0xFFFF  }
0x39d: {  	_ =	strace $0x9000004A  }
0x39e: {  	s0 =	stileid.u32;
	[bflag:$0x2] =	sbarrier.arrive $0xFFFF  }
0x39f: {  	p0 =	sne.s32 s0, $0x0;
	s0 =	rddreg [dreg:$0x3]  }
0x3a0: {  	s0 =	sadd.s32 @!p0 $0x100000, s0  }
0x3a1: {  	[sflag:s0] =	ssyncadd.tile.s32 @!p0 $0x1;
	_ =	shalt  }
.Lfunc_end2:
_tile_overlayer_lowered:
.L_overlay_start_2:
0x3a2: {  	(tag) =	ssettag $0x2  }
0x3a3: {  	s0 =	rddreg [dreg:$0x0];
	s2 =	stileid.u32  }
0x3a4: {  	s1 =	rddreg [dreg:$0x1];
	p0 =	sne.s32 s2, $0x0  }
0x3a5: {  	s3 =	rddreg [dreg:$0x2];
	[bflag:$0x3] =	sbarrier.arrive $0xFFFF;
	s2 =	simm.s32 @!p0 $0x1C03  }
0x3a6: {  	[timem:s3], [sflag:s2] =	dma.local @!p0 [hbm:s0], s1  }
0x3a7: {  	s0 =	simm.s32 @!p0 $0x3  }
0x3a8: {  	_ =	swait.ge @!p0 [sflag:s0], s1  }
0x3a9: {  	s1 =	ssub.s32 @!p0 $0x0, s1;
	[sflag:s0] =	ssyncset.done @!p0 $0x0  }
0x3aa: {  	[sflag:s0] =	ssyncadd.s32 @!p0 s1  }
0x3ab: {  	[bflag:$0x3] =	sbarrier.arrive $0xFFFF  }
0x3ac: {  	_ =	shalt  }

// kernel: kernel.14.cloned.1.call-start
scs
__scs_entry_jumppad:
0x0: {  	(pc) =	sbr.rel $0x88, $3  }
0x1: {  	(tag) =	ssettag $0x0;
	lr =	simm.s32 $0x1  }
0x2: {  	[smem:$0x3F9B] =	sst lr;
	_ =	strace $0xD0000000  }
0x3: {  	_ = 	snop  }
0x4: {  	_ = 	snop  }
0x5: {  	_ = 	snop  }
0x6: {  	_ = 	snop  }
0x7: {  	_ = 	snop  }
__scs_overlays_trampoline_lowered:
0x8: {  	[smem:$0x3FAA] =	sst s0  }
0x9: {  	[smem:$0x3FAB] =	sst s1  }
0xa: {  	[smem:$0x3FAC] =	sst s2  }
0xb: {  	[smem:$0x3FAD] =	sst s3  }
0xc: {  	[smem:$0x3FAE] =	sst s4  }
0xd: {  	[smem:$0x3FAF] =	sst s5  }
0xe: {  	[smem:$0x3FB0] =	sst s6  }
0xf: {  	[smem:$0x3FB1] =	sst s7  }
0x10: {  	[smem:$0x3FB2] =	sst s8  }
0x11: {  	[smem:$0x3FB3] =	sst s9;
	s0 =	simm.s32 @!p0 $0x0  }
0x12: {  	s1 =	sld [smem:$0x3F99];
	s0 =	simm.s32 @p0 $0x1  }
0x13: {  	[smem:$0x3FB4] =	sst s0;
	s0 =	simm.s32 @!p1 $0x0  }
0x14: {  	s2 =	sld [smem:$0x3F98];
	s0 =	simm.s32 @p1 $0x1  }
0x15: {  	[smem:$0x3FB5] =	sst s0;
	s0 =	simm.s32 @!p2 $0x0  }
0x16: {  	s3 =	sld [smem:$0x3FDB];
	s0 =	simm.s32 @p2 $0x1  }
0x17: {  	s4 =	simm.s32 $0x1BF5;
	[smem:$0x3FB7] =	sst s0  }
0x18: {  	s0 =	sld [smem:$0x3F9A];
	_ =	swait.ge [sflag:s4], $0x0  }
0x19: {  	s7 =	sld [smem:$0x3F9B]  }
0x1a: {  	s8 =	sadd.s32 $0xFFFFE003, lr  }
0x1b: {  	s9 =	sadd.s32 $0xFFFFFEF7, lr;
	s5 =	simm.s32 $0xFFFFFFFF;
	p2 =	slt.u32 s8, $0xFFFFF086  }
0x1c: {  	p1 =	slt.u32 s9, $0xF7A;
	s5 =	simm.s32 @!p2 $0x0  }
0x1d: {  	s5 =	simm.s32 @p1 $0x1;
	p0 =	seq.s32 s7, s2  }
0x1e: {  	s7 =	smul.u32 @!p0 $0xF7A, s2;
	p2 =	seq.s32 @!p0 s5, $0x0  }
0x1f: {  	s9 =	smul.u32 $0xF7A, s1;
	s8 =	simm.s32 @!p0 $0x1BF5;
	p2 =	por !p2, p0  }
0x20: {  	[sflag:s8] =	ssyncset.s32 @!p0 $0xFFFFF086;
	s6 =	sadd.s32 @!p0 s3, s7;
	s7 =	simm.s32 @!p0 $0x108  }
0x21: {  	s3 =	sadd.s32 s3, s9;
	s6 =	sadd.s32 @!p0 $0x88, s6;
	s7 =	simm.s32 @p2 $0x1082  }
0x22: {  	[simem:s7], [sflag:s8] =	dma.local @!p0 [hbm:s6], $0xF7A  }
0x23: {  	s9 =	sor.u32 $0xD0000000, s2;
	s6 =	simm.s32 $0x108;
	_ =	swait.ge @!p0 [sflag:s8], $0x0  }
0x24: {  	s3 =	sadd.s32 $0x88, s3;
	s6 =	simm.s32 @!p1 $0x1082;
	[sflag:s4] =	ssyncset.s32 $0xFFFFF086  }
0x25: {  	[simem:s6], [sflag:s4] =	dma.local [hbm:s3], $0xF7A  }
0x26: {  	[smem:$0x3F9B] =	sst s1;
	(tag) =	ssettag s2;
	_ =	strace s9  }
0x27: {  	s1 =	sld [smem:$0x3FAB]  }
0x28: {  	s2 =	sld [smem:$0x3FAC]  }
0x29: {  	s4 =	sld [smem:$0x3FAE]  }
0x2a: {  	p0 =	seq.s32 s5, $0x0;
	s5 =	sld [smem:$0x3FAF]  }
0x2b: {  	s6 =	sld [smem:$0x3FB0]  }
0x2c: {  	s7 =	sld [smem:$0x3FB1]  }
0x2d: {  	s3 =	simm.s32 $0x108;
	s8 =	sld [smem:$0x3FB2]  }
0x2e: {  	s3 =	simm.s32 @!p0 $0x1082;
	s9 =	sld [smem:$0x3FB3]  }
0x2f: {  	lr =	sadd.s32 s0, s3;
	s0 =	sld [smem:$0x3FAA]  }
0x30: {  	s3 =	sld [smem:$0x3FAD]  }
0x31: {  	[smem:$0x3FB6] =	sst s10  }
0x32: {  	s10 =	sld [smem:$0x3FB4];
	_ =	sdelay $0x3  }
0x33: {  	p0 =	seq.s32 s10, $0x1;
	s10 =	sld [smem:$0x3FB6];
	_ =	sdelay $0x3  }
0x34: {  	[smem:$0x3FB6] =	sst s10  }
0x35: {  	s10 =	sld [smem:$0x3FB5];
	_ =	sdelay $0x3  }
0x36: {  	p1 =	seq.s32 s10, $0x1;
	s10 =	sld [smem:$0x3FB6];
	_ =	sdelay $0x3  }
0x37: {  	[smem:$0x3FB6] =	sst s10  }
0x38: {  	s10 =	sld [smem:$0x3FB7]  }
0x39: {  	_ = 	snop;
	(pc) =	sbr.ind lr, $3  }
0x3a: {  	_ = 	snop  }
0x3b: {  	_ = 	snop  }
0x3c: {  	p2 =	seq.s32 s10, $0x1;
	s10 =	sld [smem:$0x3FB6]  }
0x3d: {  	_ =	shalt  }
0x3e: {  	_ =	shalt  }
0x3f: {  	_ =	shalt  }
0x40: {  	_ =	shalt  }
0x41: {  	_ =	shalt  }
0x42: {  	_ =	shalt  }
0x43: {  	_ =	shalt  }
0x44: {  	_ =	shalt  }
0x45: {  	_ =	shalt  }
0x46: {  	_ =	shalt  }
0x47: {  	_ =	shalt  }
0x48: {  	_ =	shalt  }
0x49: {  	_ =	shalt  }
0x4a: {  	_ =	shalt  }
0x4b: {  	_ =	shalt  }
0x4c: {  	_ =	shalt  }
0x4d: {  	_ =	shalt  }
0x4e: {  	_ =	shalt  }
0x4f: {  	_ =	shalt  }
0x50: {  	_ =	shalt  }
0x51: {  	_ =	shalt  }
0x52: {  	_ =	shalt  }
0x53: {  	_ =	shalt  }
0x54: {  	_ =	shalt  }
0x55: {  	_ =	shalt  }
0x56: {  	_ =	shalt  }
0x57: {  	_ =	shalt  }
0x58: {  	_ =	shalt  }
0x59: {  	_ =	shalt  }
0x5a: {  	_ =	shalt  }
0x5b: {  	_ =	shalt  }
0x5c: {  	_ =	shalt  }
0x5d: {  	_ =	shalt  }
0x5e: {  	_ =	shalt  }
0x5f: {  	_ =	shalt  }
0x60: {  	_ =	shalt  }
0x61: {  	_ =	shalt  }
0x62: {  	_ =	shalt  }
0x63: {  	_ =	shalt  }
0x64: {  	_ =	shalt  }
0x65: {  	_ =	shalt  }
0x66: {  	_ =	shalt  }
0x67: {  	_ =	shalt  }
0x68: {  	_ =	shalt  }
0x69: {  	_ =	shalt  }
0x6a: {  	_ =	shalt  }
0x6b: {  	_ =	shalt  }
0x6c: {  	_ =	shalt  }
0x6d: {  	_ =	shalt  }
0x6e: {  	_ =	shalt  }
0x6f: {  	_ =	shalt  }
0x70: {  	_ =	shalt  }
0x71: {  	_ =	shalt  }
0x72: {  	_ =	shalt  }
0x73: {  	_ =	shalt  }
0x74: {  	_ =	shalt  }
0x75: {  	_ =	shalt  }
0x76: {  	_ =	shalt  }
0x77: {  	_ =	shalt  }
0x78: {  	_ =	shalt  }
0x79: {  	_ =	shalt  }
0x7a: {  	_ =	shalt  }
0x7b: {  	_ =	shalt  }
0x7c: {  	_ =	shalt  }
0x7d: {  	_ =	shalt  }
0x7e: {  	_ =	shalt  }
0x7f: {  	_ =	shalt  }
0x80: {  	_ =	shalt  }
0x81: {  	_ =	shalt  }
0x82: {  	_ =	shalt  }
0x83: {  	_ =	shalt  }
0x84: {  	_ =	shalt  }
0x85: {  	_ =	shalt  }
0x86: {  	_ =	shalt  }
0x87: {  	_ =	shalt  }
.Lfunc_end0:
.L_simem_size_0:
called_computation.2_lowered:
.L_overlay_start_0:
0x88: {  	s2 =	sld [smem:$0x3FD9]  }
0x89: {  	s3 =	sld [smem:$0x3FFE];
	_ =	sdelay $0x1  }
0x8a: {  	s1 =	srdreg.scid  }
0x8b: {  	s0 =	sand.u32 $0x1, s1  }
0x8c: {  	s17 =	sshll.u32 s0, $0xA;
	s2 =	sadd.s32 s3, s2  }
0x8d: {  	s2 =	sadd.s32 s2, s17  }
0x8e: {  	[smem:$0x3FC2] =	sst s2  }
0x8f: {  	_ = 	snop  }
0x90: {  	s2 =	sld [smem:$0x3FD0];
	(tm) =	ssettm $0x1  }
0x91: {  	s18 =	sld [smem:$0x3FFB];
	_ =	sdelay $0x3  }
0x92: {  	_ =	strace s18  }
0x93: {  	s3 =	sld [smem:$0x3FFC];
	_ =	sdelay $0x3  }
0x94: {  	_ =	strace s3  }
0x95: {  	s3 =	sld [smem:$0x3FFD];
	_ =	sdelay $0x3  }
0x96: {  	_ =	strace s3  }
0x97: {  	_ =	strace $0x8FFFFFFF  }
0x98: {  	s19 =	sld [smem:$0x3FDB];
	_ =	sdelay $0x1  }
0x99: {  	s4 =	simm.s32 $_scs_section_size  }
0x9a: {  	s5 =	simm.s32 $_size__tile_overlayer_lowered;
	s6 =	simm.s32 $_tile_overlayer_lowered  }
0x9b: {  	s22 =	simm.s32 $0x1BFF;
	s21 =	sshll.u32 s6, $0x1;
	s3 =	sadd.s32 s4, s19  }
0x9c: {  	s7 =	simm.s32 $0x0;
	s20 =	sshll.u32 s5, $0x1;
	s5 =	sadd.s32 s21, s3  }
0x9d: {  	[timem:s7], [sflag:s22] =	dma.local [hbm:s5], s20  }
0x9e: {  	_ =	swait.ge [sflag:s22], s20  }
0x9f: {  	s4 =	ssub.s32 $0x0, s20;
	[sflag:s22] =	ssyncset.done $0x0  }
0xa0: {  	[sflag:s22] =	ssyncadd.s32 s4;
	_ =	sdelay $0x1  }
0xa1: {  	s23 =	simm.s32 $0x1B8B  }
0xa2: {  	_ =	swait.ge [sflag:s23], $0x1  }
0xa3: {  	[sflag:s23] =	ssyncset.done $0x0  }
0xa4: {  	s25 =	simm.s32 $0x1B8E;
	s24 =	sld [smem:$0x3FFE];
	[sflag:s23] =	ssyncadd.s32 $0xFFFFFFFF  }
0xa5: {  	s26 =	simm.s32 $execute0_lowered;
	[smem:$0x3FD2] =	sst s25  }
0xa6: {  	s5 =	sshll.u32 s26, $0x1;
	_ =	strace $0x8000004C;
	[dreg:$0x1] =	wrdreg $0xFFFFFFFF  }
0xa7: {  	s28 =	simm.s32 $_size_execute0_lowered;
	s3 =	sadd.s32 s3, s5;
	[dreg:$0x0] =	wrdreg $0x0  }
0xa8: {  	s5 =	sshll.u32 s28, $0x1;
	[dreg:$0x2] =	wrdreg s3  }
0xa9: {  	[dreg:$0x3] =	wrdreg s5  }
0xaa: {  	[dreg:$0x4] =	wrdreg $0xC0  }
0xab: {  	_ =	task [dreg:s7], $0x5FFFF  }
0xac: {  	[dreg:$0x1] =	wrdreg $0xFFFFFFFF  }
0xad: {  	[dreg:$0x0] =	wrdreg $0x60  }
0xae: {  	[dreg:$0x2] =	wrdreg s2  }
0xaf: {  	[dreg:$0x3] =	wrdreg s24  }
0xb0: {  	[dreg:$0x4] =	wrdreg $0x50000  }
0xb1: {  	[dreg:$0x5] =	wrdreg $0x9  }
0xb2: {  	_ =	task.clear_ibuf [dreg:s7], $0x6FFFF;
	_ =	strace $0x9000004C  }
0xb3: {  	s29 =	simm.s32 $0x9;
	_ =	strace $0x8000004E  }
0xb4: {  	_ =	swait.ge [sflag:s29], $0x1  }
0xb5: {  	[sflag:s29] =	ssyncadd.s32 $0xFFFFFFFF  }
0xb6: {  	_ =	strace $0x9000004E  }
0xb7: {  	_ =	sfence  }
0xb8: {  	s30 =	sld [smem:$0x0];
	_ =	sdelay $0x2  }
0xb9: {  	s31 =	sshll.u32 s1, $0xD;
	s1 =	sshrl.u32 s1, $0x2  }
0xba: {  	s3 =	sand.u32 $0x4000, s31;
	s1 =	sadd.s32 s1, s30  }
0xbb: {  	s0 =	sor.u32 s3, s0;
	s1 =	sshll.u32 s1, $0x11  }
0xbc: {  	s0 =	sor.u32 s1, s0  }
0xbd: {  	s0 =	sadd.s32 $0x8F2B, s0  }
0xbe: {  	[sflag:s0] =	ssyncadd.remote.s32 $0x1  }
0xbf: {  	_ =	sfence.sel $0xFFFF  }
0xc0: {  	[dreg:$0x0] =	wrdreg $0xFFFFFFFF;
	(pc) =	sbr.abs _section_cstart, $3  }
0xc1: {  	[dreg:$0x1] =	wrdreg $0xFFFFFFFF  }
0xc2: {  	_ =	task.clear_ibuf [dreg:s7], $0x2FFFF;
	_ =	strace $0x9FFFFFFF  }
0xc3: {  	(tm) =	ssettm $0x7FFFFFFF  }
tec
execute0_lowered:
.L_overlay_start_1:
0x0: {  	(tag) =	ssettag $0x1  }
0x1: {  	s1 =	rddreg [dreg:$0x0]  }
0x2: {  	s0 =	rddreg [dreg:$0x1]  }
0x3: {  	s3 =	rddreg [dreg:$0x2];
	s4 =	simm.s32 $0x0  }
0x4: {  	s10 =	stileid.u32;
	s6 =	srdreg.scid;
	s17 =	simm.s32 $0x3  }
0x5: {  	s18 =	simm.s32 $0x800;
	s19 =	simm.s32 $0x40;
	s15 =	simm.s32 $0x80  }
0x6: {  	s12 =	simm.s32 $0x880;
	s16 =	simm.s32 $0x100;
	s28 =	simm.s32 $0x200  }
0x7: {  	s29 =	simm.s32 $0x280;
	s30 =	simm.s32 $0xA00;
	s31 =	simm.s32 $0x0  }
0x8: {  	[smem:$0x7FF] =	sst s4;
	s2 =	smul.u32 $0xA00, s10;
	s5 =	sadd.s32 $0x17600, s0  }
0x9: {  	s6 =	sand.u32 $0x1, s6;
	s8 =	smul.u32 $0x50000, s10;
	s9 =	sadd.s32 $0x3F600, s0  }
0xa: {  	s11 =	smul.u32 $0x2800, s10;
	s26 =	sshll.u32 s10, $0x6;
	s10 =	simm.s32 $0xB00  }
0xb: {  	_ =	strace $0x8000004D;
	s7 =	ssub.s32 $0x2, s6;
	[dreg:$0x4] =	wrdreg s9  }
0xc: {  	p0 =	seq.s32 s6, $0x1;
	[dreg:$0xa] =	wrdreg s26;
	s9 =	simm.s32 $0x380  }
0xd: {  	s2 =	sadd.s32 s2, s0;
	s0 =	sadd.s32 $0x67600, s0;
	[dreg:$0x5] =	wrdreg s11  }
0xe: {  	s20 =	sshrl.u32 s7, $0x1;
	s24 =	sadd.s32 s1, s11;
	[dreg:$0x6] =	wrdreg s0  }
0xf: {  	s22 =	sshrl.u32 s8, $0x2;
	s25 =	sadd.s32 s5, s11;
	[dreg:$0x7] =	wrdreg s24  }
0x10: {  	s21 =	ssub.s32 s7, s20;
	s23 =	sadd.s32 s22, s3;
	[dreg:$0x8] =	wrdreg s25  }
0x11: {  	s13 =	sadd.s32 $0x3600, s2;
	s14 =	sadd.s32 $0xD600, s2;
	s20 =	simm.s32 $0x1000  }
.Ltmp0:
0x12: {  	s22 =	simm.s32 $0x3000;
	s24 =	simm.s32 $0x2;
	(pc) =	sbr.rel .LBB2_1-.Ltmp0, $4  }
0x13: {  	s25 =	simm.s32 $0x900;
	s2 =	simm.s32 $0x300;
	s0 =	smax.u32 s21, $0x1  }
0x14: {  	s11 =	sshrl.u32 s23, $0x3;
	s23 =	simm.s32 $0x1;
	[dreg:$0x9] =	wrdreg s0  }
0x15: {  	s21 =	simm.s32 $0x180;
	s0 =	sor.u32 $0x1C03, s26;
	[dreg:$0xc] =	wrdreg s11  }
0x16: {  	s26 =	simm.s32 $0x980;
	[dreg:$0xb] =	wrdreg s0;
	s0 =	simm.s32 $0xA80  }
.LBB2_7:
0x17: {  	s7 =	sadd.s32 s8, s14;
	[sflag:s17] =	ssyncadd.s32 $0xFFFFE000  }
0x18: {  	[tilespmem:s4], [sflag:$0x3] =	stream.linear.gather [hbm4b:s7+s4], $0x800, $0x38;
	[tilespmem:$0x19000] =	vst v63  }
0x19: {  	_ =	swait.ge [sflag:s17], $0x800  }
0x1a: {  	[sflag:s17] =	ssyncset.done $0x0  }
0x1b: {  	s12 =	sadd.s32 s8, s13;
	[sflag:s17] =	ssyncadd.s32 $0xFFFFF800  }
0x1c: {  	[tilespmem:s18], [sflag:$0x3] =	stream.linear.gather [hbm4b:s12+s4], $0x800, $0x38;
	[tilespmem:$0x19000] =	vst v63  }
0x1d: {  	_ =	swait.ge [sflag:s17], $0x800  }
0x1e: {  	[sflag:s17] =	ssyncset.done $0x0  }
0x1f: {  	[sflag:s17] =	ssyncadd.s32 $0xFFFFF800  }
0x20: {  	[tilespmem:s20], [sflag:$0x1] =	stream.indirect.gather [hbm4b:s5+s19], $0x80, s4, s19, $0xb8;
	[tilespmem:$0x19000] =	vst v63  }
0x21: {  	_ = 	snop  }
0x22: {  	[tilespmem:s22], [sflag:$0x2] =	stream.indirect.gather [hbm4b:s5+s19], $0x80, s15, s19, $0xb8;
	[tilespmem:$0x19000] =	vst v63  }
0x23: {  	_ =	swait.ge [sflag:s23], $0x2000  }
0x24: {  	[sflag:s23] =	ssyncset.done $0x0  }
0x25: {  	[sflag:s23] =	ssyncadd.s32 $0xFFFFE000  }
0x26: {  	[spmem:s3] =	stream.indirect.scatter.add.f32 [tilespmem:s20], [sflag:$0x3], $0x80, s18, s19, $0xb8;
	[tilespmem:$0x19000] =	vst v63  }
0x27: {  	_ =	swait.ge [sflag:s17], $0x2000  }
0x28: {  	[sflag:s17] =	ssyncset.done $0x0  }
0x29: {  	[sflag:s17] =	ssyncadd.s32 $0xFFFFE000  }
0x2a: {  	_ =	swait.ge [sflag:s24], $0x2000  }
0x2b: {  	[sflag:s24] =	ssyncset.done $0x0  }
0x2c: {  	[sflag:s24] =	ssyncadd.s32 $0xFFFFE000  }
0x2d: {  	[spmem:s3] =	stream.indirect.scatter.add.f32 [tilespmem:s22], [sflag:$0x3], $0x80, s16, s19, $0xb8;
	[tilespmem:$0x19000] =	vst v63  }
0x2e: {  	_ =	swait.ge [sflag:s17], $0x2000  }
0x2f: {  	[sflag:s17] =	ssyncset.done $0x0  }
0x30: {  	[sflag:s17] =	ssyncadd.s32 $0xFFFFE000  }
0x31: {  	[tilespmem:s20], [sflag:$0x1] =	stream.indirect.gather [hbm4b:s5+s19], $0x80, s21, s19, $0xb8;
	[tilespmem:$0x19000] =	vst v63  }
0x32: {  	_ = 	snop  }
0x33: {  	[tilespmem:s22], [sflag:$0x2] =	stream.indirect.gather [hbm4b:s5+s19], $0x80, s25, s19, $0xb8;
	[tilespmem:$0x19000] =	vst v63  }
0x34: {  	_ =	swait.ge [sflag:s23], $0x2000  }
0x35: {  	[sflag:s23] =	ssyncset.done $0x0  }
0x36: {  	[sflag:s23] =	ssyncadd.s32 $0xFFFFE000  }
0x37: {  	[spmem:s3] =	stream.indirect.scatter.add.f32 [tilespmem:s20], [sflag:$0x3], $0x80, s26, s19, $0xb8;
	[tilespmem:$0x19000] =	vst v63  }
0x38: {  	_ =	swait.ge [sflag:s17], $0x2000  }
0x39: {  	[sflag:s17] =	ssyncset.done $0x0  }
0x3a: {  	[sflag:s17] =	ssyncadd.s32 $0xFFFFE000  }
0x3b: {  	_ =	swait.ge [sflag:s24], $0x2000  }
0x3c: {  	[sflag:s24] =	ssyncset.done $0x0  }
0x3d: {  	[sflag:s24] =	ssyncadd.s32 $0xFFFFE000  }
0x3e: {  	[spmem:s3] =	stream.indirect.scatter.add.f32 [tilespmem:s22], [sflag:$0x3], $0x80, s28, s19, $0xb8;
	[tilespmem:$0x19000] =	vst v63  }
0x3f: {  	_ =	swait.ge [sflag:s17], $0x2000  }
0x40: {  	[sflag:s17] =	ssyncset.done $0x0  }
0x41: {  	[sflag:s17] =	ssyncadd.s32 $0xFFFFE000  }
0x42: {  	[tilespmem:s20], [sflag:$0x1] =	stream.indirect.gather [hbm4b:s5+s19], $0x80, s29, s19, $0xb8;
	[tilespmem:$0x19000] =	vst v63  }
0x43: {  	_ = 	snop  }
0x44: {  	[tilespmem:s22], [sflag:$0x2] =	stream.indirect.gather [hbm4b:s5+s19], $0x80, s30, s19, $0xb8;
	[tilespmem:$0x19000] =	vst v63  }
0x45: {  	_ =	swait.ge [sflag:s23], $0x2000  }
0x46: {  	[sflag:s23] =	ssyncset.done $0x0  }
0x47: {  	[sflag:s23] =	ssyncadd.s32 $0xFFFFE000  }
0x48: {  	[spmem:s3] =	stream.indirect.scatter.add.f32 [tilespmem:s20], [sflag:$0x3], $0x80, s31, s19, $0xb8;
	[tilespmem:$0x19000] =	vst v63  }
0x49: {  	_ =	swait.ge [sflag:s17], $0x2000  }
0x4a: {  	[sflag:s17] =	ssyncset.done $0x0  }
0x4b: {  	[sflag:s17] =	ssyncadd.s32 $0xFFFFE000  }
0x4c: {  	_ =	swait.ge [sflag:s24], $0x2000  }
0x4d: {  	[sflag:s24] =	ssyncset.done $0x0  }
0x4e: {  	[sflag:s24] =	ssyncadd.s32 $0xFFFFE000  }
0x4f: {  	[spmem:s3] =	stream.indirect.scatter.add.f32 [tilespmem:s22], [sflag:$0x3], $0x80, s0, s19, $0xb8;
	[tilespmem:$0x19000] =	vst v63  }
0x50: {  	_ =	swait.ge [sflag:s17], $0x2000  }
0x51: {  	[sflag:s17] =	ssyncset.done $0x0  }
0x52: {  	[sflag:s17] =	ssyncadd.s32 $0xFFFFE000  }
0x53: {  	[tilespmem:s20], [sflag:$0x1] =	stream.indirect.gather [hbm4b:s5+s19], $0x80, s2, s19, $0xb8;
	[tilespmem:$0x19000] =	vst v63  }
0x54: {  	_ = 	snop  }
0x55: {  	[tilespmem:s22], [sflag:$0x2] =	stream.indirect.gather [hbm4b:s5+s19], $0x80, s9, s19, $0xb8;
	[tilespmem:$0x19000] =	vst v63  }
0x56: {  	_ =	swait.ge [sflag:s23], $0x2000  }
0x57: {  	[sflag:s23] =	ssyncset.done $0x0  }
0x58: {  	[sflag:s23] =	ssyncadd.s32 $0xFFFFE000  }
0x59: {  	[spmem:s3] =	stream.indirect.scatter.add.f32 [tilespmem:s20], [sflag:$0x3], $0x80, s10, s19, $0xb8;
	[tilespmem:$0x19000] =	vst v63  }
0x5a: {  	_ =	swait.ge [sflag:s17], $0x2000  }
0x5b: {  	[sflag:s17] =	ssyncset.done $0x0  }
0x5c: {  	[sflag:s17] =	ssyncadd.s32 $0xFFFFE000  }
0x5d: {  	_ =	swait.ge [sflag:s24], $0x2000  }
0x5e: {  	[sflag:s24] =	ssyncset.done $0x0  }
0x5f: {  	[sflag:s24] =	ssyncadd.s32 $0xFFFFE000  }
0x60: {  	[spmem:s3] =	stream.indirect.scatter.add.f32 [tilespmem:s22], [sflag:$0x3], $0x80, s6, s19, $0xb8;
	[tilespmem:$0x19000] =	vst v63  }
0x61: {  	_ =	swait.ge [sflag:s17], $0x2000  }
0x62: {  	[sflag:s17] =	ssyncset.done $0x0  }
0x63: {  	s16 =	simm.s32 $0x400;
	[sflag:s17] =	ssyncadd.s32 $0xFFFFE000  }
0x64: {  	[tilespmem:s20], [sflag:$0x1] =	stream.indirect.gather [hbm4b:s5+s19], $0x80, s16, s19, $0xb8;
	[tilespmem:$0x19000] =	vst v63  }
0x65: {  	s21 =	simm.s32 $0x480  }
0x66: {  	[tilespmem:s22], [sflag:$0x2] =	stream.indirect.gather [hbm4b:s5+s19], $0x80, s21, s19, $0xb8;
	[tilespmem:$0x19000] =	vst v63  }
0x67: {  	_ =	swait.ge [sflag:s23], $0x2000  }
0x68: {  	[sflag:s23] =	ssyncset.done $0x0  }
0x69: {  	s25 =	simm.s32 $0xC00;
	[sflag:s23] =	ssyncadd.s32 $0xFFFFE000  }
0x6a: {  	[spmem:s3] =	stream.indirect.scatter.add.f32 [tilespmem:s20], [sflag:$0x3], $0x80, s25, s19, $0xb8;
	[tilespmem:$0x19000] =	vst v63  }
0x6b: {  	_ =	swait.ge [sflag:s17], $0x2000  }
0x6c: {  	[sflag:s17] =	ssyncset.done $0x0  }
0x6d: {  	[sflag:s17] =	ssyncadd.s32 $0xFFFFE000  }
0x6e: {  	_ =	swait.ge [sflag:s24], $0x2000  }
0x6f: {  	[sflag:s24] =	ssyncset.done $0x0  }
0x70: {  	s26 =	simm.s32 $0xC80;
	[sflag:s24] =	ssyncadd.s32 $0xFFFFE000  }
0x71: {  	[spmem:s3] =	stream.indirect.scatter.add.f32 [tilespmem:s22], [sflag:$0x3], $0x80, s26, s19, $0xb8;
	[tilespmem:$0x19000] =	vst v63  }
0x72: {  	_ =	swait.ge [sflag:s17], $0x2000  }
0x73: {  	[sflag:s17] =	ssyncset.done $0x0  }
0x74: {  	s2 =	simm.s32 $0x500;
	[sflag:s17] =	ssyncadd.s32 $0xFFFFE000  }
0x75: {  	[tilespmem:s20], [sflag:$0x1] =	stream.indirect.gather [hbm4b:s5+s19], $0x80, s2, s19, $0xb8;
	[tilespmem:$0x19000] =	vst v63  }
0x76: {  	s6 =	simm.s32 $0x580  }
0x77: {  	[tilespmem:s22], [sflag:$0x2] =	stream.indirect.gather [hbm4b:s5+s19], $0x80, s6, s19, $0xb8;
	[tilespmem:$0x19000] =	vst v63  }
0x78: {  	_ =	swait.ge [sflag:s23], $0x2000  }
0x79: {  	[sflag:s23] =	ssyncset.done $0x0  }
0x7a: {  	s7 =	simm.s32 $0xD00;
	[sflag:s23] =	ssyncadd.s32 $0xFFFFE000  }
0x7b: {  	[spmem:s3] =	stream.indirect.scatter.add.f32 [tilespmem:s20], [sflag:$0x3], $0x80, s7, s19, $0xb8;
	[tilespmem:$0x19000] =	vst v63  }
0x7c: {  	_ =	swait.ge [sflag:s17], $0x2000  }
0x7d: {  	[sflag:s17] =	ssyncset.done $0x0  }
0x7e: {  	[sflag:s17] =	ssyncadd.s32 $0xFFFFE000  }
0x7f: {  	_ =	swait.ge [sflag:s24], $0x2000  }
0x80: {  	[sflag:s24] =	ssyncset.done $0x0  }
0x81: {  	s8 =	simm.s32 $0xD80;
	[sflag:s24] =	ssyncadd.s32 $0xFFFFE000  }
0x82: {  	[spmem:s3] =	stream.indirect.scatter.add.f32 [tilespmem:s22], [sflag:$0x3], $0x80, s8, s19, $0xb8;
	[tilespmem:$0x19000] =	vst v63  }
0x83: {  	_ =	swait.ge [sflag:s17], $0x2000  }
0x84: {  	[sflag:s17] =	ssyncset.done $0x0  }
0x85: {  	s9 =	simm.s32 $0x600;
	[sflag:s17] =	ssyncadd.s32 $0xFFFFE000  }
0x86: {  	[tilespmem:s20], [sflag:$0x1] =	stream.indirect.gather [hbm4b:s5+s19], $0x80, s9, s19, $0xb8;
	[tilespmem:$0x19000] =	vst v63  }
0x87: {  	s10 =	simm.s32 $0x680  }
0x88: {  	[tilespmem:s22], [sflag:$0x2] =	stream.indirect.gather [hbm4b:s5+s19], $0x80, s10, s19, $0xb8;
	[tilespmem:$0x19000] =	vst v63  }
0x89: {  	_ =	swait.ge [sflag:s23], $0x2000  }
0x8a: {  	[sflag:s23] =	ssyncset.done $0x0  }
0x8b: {  	s11 =	simm.s32 $0xE00;
	[sflag:s23] =	ssyncadd.s32 $0xFFFFE000  }
0x8c: {  	[spmem:s3] =	stream.indirect.scatter.add.f32 [tilespmem:s20], [sflag:$0x3], $0x80, s11, s19, $0xb8;
	[tilespmem:$0x19000] =	vst v63  }
0x8d: {  	_ =	swait.ge [sflag:s17], $0x2000  }
0x8e: {  	[sflag:s17] =	ssyncset.done $0x0  }
0x8f: {  	[sflag:s17] =	ssyncadd.s32 $0xFFFFE000  }
0x90: {  	_ =	swait.ge [sflag:s24], $0x2000  }
0x91: {  	[sflag:s24] =	ssyncset.done $0x0  }
0x92: {  	s12 =	simm.s32 $0xE80;
	[sflag:s24] =	ssyncadd.s32 $0xFFFFE000  }
0x93: {  	[spmem:s3] =	stream.indirect.scatter.add.f32 [tilespmem:s22], [sflag:$0x3], $0x80, s12, s19, $0xb8;
	[tilespmem:$0x19000] =	vst v63  }
0x94: {  	_ =	swait.ge [sflag:s17], $0x2000  }
0x95: {  	[sflag:s17] =	ssyncset.done $0x0  }
0x96: {  	s16 =	simm.s32 $0x700;
	[sflag:s17] =	ssyncadd.s32 $0xFFFFE000  }
0x97: {  	[tilespmem:s20], [sflag:$0x1] =	stream.indirect.gather [hbm4b:s5+s19], $0x80, s16, s19, $0xb8;
	[tilespmem:$0x19000] =	vst v63  }
0x98: {  	s21 =	simm.s32 $0x780  }
0x99: {  	[tilespmem:s22], [sflag:$0x2] =	stream.indirect.gather [hbm4b:s5+s19], $0x80, s21, s19, $0xb8;
	[tilespmem:$0x19000] =	vst v63  }
0x9a: {  	_ =	swait.ge [sflag:s23], $0x2000  }
0x9b: {  	[sflag:s23] =	ssyncset.done $0x0  }
0x9c: {  	s25 =	simm.s32 $0xF00;
	[sflag:s23] =	ssyncadd.s32 $0xFFFFE000  }
0x9d: {  	[spmem:s3] =	stream.indirect.scatter.add.f32 [tilespmem:s20], [sflag:$0x3], $0x80, s25, s19, $0xb8;
	[tilespmem:$0x19000] =	vst v63  }
0x9e: {  	_ =	swait.ge [sflag:s17], $0x2000  }
0x9f: {  	[sflag:s17] =	ssyncset.done $0x0  }
0xa0: {  	s28 =	simm.s32 $0x200;
	[sflag:s17] =	ssyncadd.s32 $0xFFFFE000  }
0xa1: {  	s29 =	simm.s32 $0x280;
	s30 =	simm.s32 $0xA00;
	_ =	swait.ge [sflag:s24], $0x2000  }
0xa2: {  	s0 =	simm.s32 $0xA80;
	s26 =	simm.s32 $0xF80;
	[sflag:s24] =	ssyncset.done $0x0  }
0xa3: {  	s2 =	simm.s32 $0x300;
	s9 =	simm.s32 $0x380;
	[sflag:s24] =	ssyncadd.s32 $0xFFFFE000  }
0xa4: {  	[spmem:s3] =	stream.indirect.scatter.add.f32 [tilespmem:s22], [sflag:$0x3], $0x80, s26, s19, $0xb8;
	[tilespmem:$0x19000] =	vst v63  }
0xa5: {  	s10 =	simm.s32 $0xB00;
	s12 =	simm.s32 $0x880;
	_ =	swait.ge [sflag:s17], $0x2000  }
0xa6: {  	s16 =	simm.s32 $0x100;
	s21 =	simm.s32 $0x180;
	s8 =	rddreg [dreg:$0x6]  }
0xa7: {  	s25 =	simm.s32 $0x900;
	[sflag:s17] =	ssyncset.done $0x0;
	s6 =	rddreg [dreg:$0xb]  }
0xa8: {  	s26 =	simm.s32 $0x980;
	s31 =	rddreg [dreg:$0xd];
	[sflag:s17] =	ssyncadd.s32 $0xFFFFE000  }
.LBB2_8:
0xa9: {  	s7 =	rddreg [dreg:$0x5];
	[bflag:$0x0] =	sbarrier.arrive $0xFFFF  }
0xaa: {  	s7 =	sadd.s32 s8, s7;
	s11 =	rddreg [dreg:$0xc]  }
0xab: {  	[hbm:s7], [sflag:s6] =	dma.local [spmem:s11], $0x2800  }
0xac: {  	_ =	swait.ge [sflag:s17], $0x2800  }
0xad: {  	s31 =	sadd.s32 $0x1, s31;
	s8 =	rddreg [dreg:$0x9]  }
0xae: {  	p1 =	sne.s32 s31, s8  }
.Ltmp1:
0xaf: {  	_ = 	snop;
	(pc) =	sbr.rel @!p1 .LBB2_9-.Ltmp1, $3  }
0xb0: {  	_ =	sdelay $0x1  }
0xb1: {  	[sflag:s17] =	ssyncset.done $0x0  }
0xb2: {  	[sflag:s17] =	ssyncadd.s32 $0xFFFFD800  }
.LBB2_1:
.Ltmp2:
0xb3: {  	(pc) =	sbr.rel @!p0 .LBB2_2-.Ltmp2, $2  }
0xb4: {  	_ =	sdelay $0x2  }
0xb5: {  	[dreg:$0xd] =	wrdreg s31  }
0xb6: {  	s7 =	rddreg [dreg:$0x8]  }
0xb7: {  	s8 =	rddreg [dreg:$0xb]  }
0xb8: {  	[spmem:s11], [sflag:s8] =	dma.local [hbm:s7], $0x2800  }
0xb9: {  	_ =	swait.ge [sflag:s17], $0x2800  }
0xba: {  	[sflag:s17] =	ssyncset.done $0x0  }
0xbb: {  	[sflag:s17] =	ssyncadd.s32 $0xFFFFD800  }
0xbc: {  	s8 =	sadd.s32 $0x0, s14;
	[bflag:$0x0] =	sbarrier.arrive $0xFFFF  }
0xbd: {  	[tilespmem:s4], [sflag:$0x3] =	stream.linear.gather [hbm4b:s8+s4], $0x800, $0x38;
	[tilespmem:$0x19000] =	vst v63  }
0xbe: {  	_ =	swait.ge [sflag:s17], $0x800  }
0xbf: {  	[sflag:s17] =	ssyncset.done $0x0  }
0xc0: {  	s11 =	sadd.s32 $0x0, s13;
	[sflag:s17] =	ssyncadd.s32 $0xFFFFF800  }
0xc1: {  	[tilespmem:s18], [sflag:$0x3] =	stream.linear.gather [hbm4b:s11+s4], $0x800, $0x38;
	[tilespmem:$0x19000] =	vst v63  }
0xc2: {  	_ =	swait.ge [sflag:s17], $0x800  }
0xc3: {  	[sflag:s17] =	ssyncset.done $0x0  }
0xc4: {  	[sflag:s17] =	ssyncadd.s32 $0xFFFFF800  }
0xc5: {  	[tilespmem:s20], [sflag:$0x1] =	stream.indirect.gather [hbm4b:s5+s19], $0x80, s4, s19, $0xb8;
	[tilespmem:$0x19000] =	vst v63  }
0xc6: {  	_ = 	snop  }
0xc7: {  	[tilespmem:s22], [sflag:$0x2] =	stream.indirect.gather [hbm4b:s5+s19], $0x80, s15, s19, $0xb8;
	[tilespmem:$0x19000] =	vst v63  }
0xc8: {  	_ =	swait.ge [sflag:s23], $0x2000  }
0xc9: {  	[sflag:s23] =	ssyncset.done $0x0  }
0xca: {  	[sflag:s23] =	ssyncadd.s32 $0xFFFFE000  }
0xcb: {  	[spmem:s3] =	stream.indirect.scatter.add.f32 [tilespmem:s20], [sflag:$0x3], $0x80, s18, s19, $0xb8;
	[tilespmem:$0x19000] =	vst v63  }
0xcc: {  	_ =	swait.ge [sflag:s17], $0x2000  }
0xcd: {  	[sflag:s17] =	ssyncset.done $0x0  }
0xce: {  	[sflag:s17] =	ssyncadd.s32 $0xFFFFE000  }
0xcf: {  	_ =	swait.ge [sflag:s24], $0x2000  }
0xd0: {  	[sflag:s24] =	ssyncset.done $0x0  }
0xd1: {  	[sflag:s24] =	ssyncadd.s32 $0xFFFFE000  }
0xd2: {  	[spmem:s3] =	stream.indirect.scatter.add.f32 [tilespmem:s22], [sflag:$0x3], $0x80, s12, s19, $0xb8;
	[tilespmem:$0x19000] =	vst v63  }
0xd3: {  	_ =	swait.ge [sflag:s17], $0x2000  }
0xd4: {  	[sflag:s17] =	ssyncset.done $0x0  }
0xd5: {  	[sflag:s17] =	ssyncadd.s32 $0xFFFFE000  }
0xd6: {  	[tilespmem:s20], [sflag:$0x1] =	stream.indirect.gather [hbm4b:s5+s19], $0x80, s16, s19, $0xb8;
	[tilespmem:$0x19000] =	vst v63  }
0xd7: {  	_ = 	snop  }
0xd8: {  	[tilespmem:s22], [sflag:$0x2] =	stream.indirect.gather [hbm4b:s5+s19], $0x80, s21, s19, $0xb8;
	[tilespmem:$0x19000] =	vst v63  }
0xd9: {  	_ =	swait.ge [sflag:s23], $0x2000  }
0xda: {  	[sflag:s23] =	ssyncset.done $0x0  }
0xdb: {  	[sflag:s23] =	ssyncadd.s32 $0xFFFFE000  }
0xdc: {  	[spmem:s3] =	stream.indirect.scatter.add.f32 [tilespmem:s20], [sflag:$0x3], $0x80, s25, s19, $0xb8;
	[tilespmem:$0x19000] =	vst v63  }
0xdd: {  	_ =	swait.ge [sflag:s17], $0x2000  }
0xde: {  	[sflag:s17] =	ssyncset.done $0x0  }
0xdf: {  	[sflag:s17] =	ssyncadd.s32 $0xFFFFE000  }
0xe0: {  	_ =	swait.ge [sflag:s24], $0x2000  }
0xe1: {  	[sflag:s24] =	ssyncset.done $0x0  }
0xe2: {  	[sflag:s24] =	ssyncadd.s32 $0xFFFFE000  }
0xe3: {  	[spmem:s3] =	stream.indirect.scatter.add.f32 [tilespmem:s22], [sflag:$0x3], $0x80, s26, s19, $0xb8;
	[tilespmem:$0x19000] =	vst v63  }
0xe4: {  	_ =	swait.ge [sflag:s17], $0x2000  }
0xe5: {  	[sflag:s17] =	ssyncset.done $0x0  }
0xe6: {  	[sflag:s17] =	ssyncadd.s32 $0xFFFFE000  }
0xe7: {  	[tilespmem:s20], [sflag:$0x1] =	stream.indirect.gather [hbm4b:s5+s19], $0x80, s28, s19, $0xb8;
	[tilespmem:$0x19000] =	vst v63  }
0xe8: {  	_ = 	snop  }
0xe9: {  	[tilespmem:s22], [sflag:$0x2] =	stream.indirect.gather [hbm4b:s5+s19], $0x80, s29, s19, $0xb8;
	[tilespmem:$0x19000] =	vst v63  }
0xea: {  	_ =	swait.ge [sflag:s23], $0x2000  }
0xeb: {  	[sflag:s23] =	ssyncset.done $0x0  }
0xec: {  	[sflag:s23] =	ssyncadd.s32 $0xFFFFE000  }
0xed: {  	[spmem:s3] =	stream.indirect.scatter.add.f32 [tilespmem:s20], [sflag:$0x3], $0x80, s30, s19, $0xb8;
	[tilespmem:$0x19000] =	vst v63  }
0xee: {  	_ =	swait.ge [sflag:s17], $0x2000  }
0xef: {  	[sflag:s17] =	ssyncset.done $0x0  }
0xf0: {  	[sflag:s17] =	ssyncadd.s32 $0xFFFFE000  }
0xf1: {  	_ =	swait.ge [sflag:s24], $0x2000  }
0xf2: {  	[sflag:s24] =	ssyncset.done $0x0  }
0xf3: {  	[sflag:s24] =	ssyncadd.s32 $0xFFFFE000  }
0xf4: {  	[spmem:s3] =	stream.indirect.scatter.add.f32 [tilespmem:s22], [sflag:$0x3], $0x80, s0, s19, $0xb8;
	[tilespmem:$0x19000] =	vst v63  }
0xf5: {  	_ =	swait.ge [sflag:s17], $0x2000  }
0xf6: {  	[sflag:s17] =	ssyncset.done $0x0  }
0xf7: {  	[sflag:s17] =	ssyncadd.s32 $0xFFFFE000  }
0xf8: {  	[tilespmem:s20], [sflag:$0x1] =	stream.indirect.gather [hbm4b:s5+s19], $0x80, s2, s19, $0xb8;
	[tilespmem:$0x19000] =	vst v63  }
0xf9: {  	_ = 	snop  }
0xfa: {  	[tilespmem:s22], [sflag:$0x2] =	stream.indirect.gather [hbm4b:s5+s19], $0x80, s9, s19, $0xb8;
	[tilespmem:$0x19000] =	vst v63  }
0xfb: {  	_ =	swait.ge [sflag:s23], $0x2000  }
0xfc: {  	[sflag:s23] =	ssyncset.done $0x0  }
0xfd: {  	[sflag:s23] =	ssyncadd.s32 $0xFFFFE000  }
0xfe: {  	[spmem:s3] =	stream.indirect.scatter.add.f32 [tilespmem:s20], [sflag:$0x3], $0x80, s10, s19, $0xb8;
	[tilespmem:$0x19000] =	vst v63  }
0xff: {  	_ =	swait.ge [sflag:s17], $0x2000  }
0x100: {  	[sflag:s17] =	ssyncset.done $0x0  }
0x101: {  	[sflag:s17] =	ssyncadd.s32 $0xFFFFE000  }
0x102: {  	_ =	swait.ge [sflag:s24], $0x2000  }
0x103: {  	[sflag:s24] =	ssyncset.done $0x0  }
0x104: {  	s16 =	simm.s32 $0xB80;
	[sflag:s24] =	ssyncadd.s32 $0xFFFFE000  }
0x105: {  	[spmem:s3] =	stream.indirect.scatter.add.f32 [tilespmem:s22], [sflag:$0x3], $0x80, s16, s19, $0xb8;
	[tilespmem:$0x19000] =	vst v63  }
0x106: {  	_ =	swait.ge [sflag:s17], $0x2000  }
0x107: {  	[sflag:s17] =	ssyncset.done $0x0  }
0x108: {  	s21 =	simm.s32 $0x400;
	[sflag:s17] =	ssyncadd.s32 $0xFFFFE000  }
0x109: {  	[tilespmem:s20], [sflag:$0x1] =	stream.indirect.gather [hbm4b:s5+s19], $0x80, s21, s19, $0xb8;
	[tilespmem:$0x19000] =	vst v63  }
0x10a: {  	s25 =	simm.s32 $0x480  }
0x10b: {  	[tilespmem:s22], [sflag:$0x2] =	stream.indirect.gather [hbm4b:s5+s19], $0x80, s25, s19, $0xb8;
	[tilespmem:$0x19000] =	vst v63  }
0x10c: {  	_ =	swait.ge [sflag:s23], $0x2000  }
0x10d: {  	[sflag:s23] =	ssyncset.done $0x0  }
0x10e: {  	s26 =	simm.s32 $0xC00;
	[sflag:s23] =	ssyncadd.s32 $0xFFFFE000  }
0x10f: {  	[spmem:s3] =	stream.indirect.scatter.add.f32 [tilespmem:s20], [sflag:$0x3], $0x80, s26, s19, $0xb8;
	[tilespmem:$0x19000] =	vst v63  }
0x110: {  	_ =	swait.ge [sflag:s17], $0x2000  }
0x111: {  	[sflag:s17] =	ssyncset.done $0x0  }
0x112: {  	[sflag:s17] =	ssyncadd.s32 $0xFFFFE000  }
0x113: {  	_ =	swait.ge [sflag:s24], $0x2000  }
0x114: {  	[sflag:s24] =	ssyncset.done $0x0  }
0x115: {  	s2 =	simm.s32 $0xC80;
	[sflag:s24] =	ssyncadd.s32 $0xFFFFE000  }
0x116: {  	[spmem:s3] =	stream.indirect.scatter.add.f32 [tilespmem:s22], [sflag:$0x3], $0x80, s2, s19, $0xb8;
	[tilespmem:$0x19000] =	vst v63  }
0x117: {  	_ =	swait.ge [sflag:s17], $0x2000  }
0x118: {  	[sflag:s17] =	ssyncset.done $0x0  }
0x119: {  	s6 =	simm.s32 $0x500;
	[sflag:s17] =	ssyncadd.s32 $0xFFFFE000  }
0x11a: {  	[tilespmem:s20], [sflag:$0x1] =	stream.indirect.gather [hbm4b:s5+s19], $0x80, s6, s19, $0xb8;
	[tilespmem:$0x19000] =	vst v63  }
0x11b: {  	s7 =	simm.s32 $0x580  }
0x11c: {  	[tilespmem:s22], [sflag:$0x2] =	stream.indirect.gather [hbm4b:s5+s19], $0x80, s7, s19, $0xb8;
	[tilespmem:$0x19000] =	vst v63  }
0x11d: {  	_ =	swait.ge [sflag:s23], $0x2000  }
0x11e: {  	[sflag:s23] =	ssyncset.done $0x0  }
0x11f: {  	s8 =	simm.s32 $0xD00;
	[sflag:s23] =	ssyncadd.s32 $0xFFFFE000  }
0x120: {  	[spmem:s3] =	stream.indirect.scatter.add.f32 [tilespmem:s20], [sflag:$0x3], $0x80, s8, s19, $0xb8;
	[tilespmem:$0x19000] =	vst v63  }
0x121: {  	_ =	swait.ge [sflag:s17], $0x2000  }
0x122: {  	[sflag:s17] =	ssyncset.done $0x0  }
0x123: {  	[sflag:s17] =	ssyncadd.s32 $0xFFFFE000  }
0x124: {  	_ =	swait.ge [sflag:s24], $0x2000  }
0x125: {  	[sflag:s24] =	ssyncset.done $0x0  }
0x126: {  	s9 =	simm.s32 $0xD80;
	[sflag:s24] =	ssyncadd.s32 $0xFFFFE000  }
0x127: {  	[spmem:s3] =	stream.indirect.scatter.add.f32 [tilespmem:s22], [sflag:$0x3], $0x80, s9, s19, $0xb8;
	[tilespmem:$0x19000] =	vst v63  }
0x128: {  	_ =	swait.ge [sflag:s17], $0x2000  }
0x129: {  	[sflag:s17] =	ssyncset.done $0x0  }
0x12a: {  	s10 =	simm.s32 $0x600;
	[sflag:s17] =	ssyncadd.s32 $0xFFFFE000  }
0x12b: {  	[tilespmem:s20], [sflag:$0x1] =	stream.indirect.gather [hbm4b:s5+s19], $0x80, s10, s19, $0xb8;
	[tilespmem:$0x19000] =	vst v63  }
0x12c: {  	s11 =	simm.s32 $0x680  }
0x12d: {  	[tilespmem:s22], [sflag:$0x2] =	stream.indirect.gather [hbm4b:s5+s19], $0x80, s11, s19, $0xb8;
	[tilespmem:$0x19000] =	vst v63  }
0x12e: {  	_ =	swait.ge [sflag:s23], $0x2000  }
0x12f: {  	[sflag:s23] =	ssyncset.done $0x0  }
0x130: {  	s12 =	simm.s32 $0xE00;
	[sflag:s23] =	ssyncadd.s32 $0xFFFFE000  }
0x131: {  	[spmem:s3] =	stream.indirect.scatter.add.f32 [tilespmem:s20], [sflag:$0x3], $0x80, s12, s19, $0xb8;
	[tilespmem:$0x19000] =	vst v63  }
0x132: {  	_ =	swait.ge [sflag:s17], $0x2000  }
0x133: {  	[sflag:s17] =	ssyncset.done $0x0  }
0x134: {  	[sflag:s17] =	ssyncadd.s32 $0xFFFFE000  }
0x135: {  	_ =	swait.ge [sflag:s24], $0x2000  }
0x136: {  	[sflag:s24] =	ssyncset.done $0x0  }
0x137: {  	s15 =	simm.s32 $0xE80;
	[sflag:s24] =	ssyncadd.s32 $0xFFFFE000  }
0x138: {  	[spmem:s3] =	stream.indirect.scatter.add.f32 [tilespmem:s22], [sflag:$0x3], $0x80, s15, s19, $0xb8;
	[tilespmem:$0x19000] =	vst v63  }
0x139: {  	_ =	swait.ge [sflag:s17], $0x2000  }
0x13a: {  	[sflag:s17] =	ssyncset.done $0x0  }
0x13b: {  	s16 =	simm.s32 $0x700;
	[sflag:s17] =	ssyncadd.s32 $0xFFFFE000  }
0x13c: {  	[tilespmem:s20], [sflag:$0x1] =	stream.indirect.gather [hbm4b:s5+s19], $0x80, s16, s19, $0xb8;
	[tilespmem:$0x19000] =	vst v63  }
0x13d: {  	s21 =	simm.s32 $0x780  }
0x13e: {  	[tilespmem:s22], [sflag:$0x2] =	stream.indirect.gather [hbm4b:s5+s19], $0x80, s21, s19, $0xb8;
	[tilespmem:$0x19000] =	vst v63  }
0x13f: {  	_ =	swait.ge [sflag:s23], $0x2000  }
0x140: {  	[sflag:s23] =	ssyncset.done $0x0  }
0x141: {  	s25 =	simm.s32 $0xF00;
	[sflag:s23] =	ssyncadd.s32 $0xFFFFE000  }
0x142: {  	[spmem:s3] =	stream.indirect.scatter.add.f32 [tilespmem:s20], [sflag:$0x3], $0x80, s25, s19, $0xb8;
	[tilespmem:$0x19000] =	vst v63  }
0x143: {  	s31 =	simm.s32 $0xA00;
	s28 =	simm.s32 $0x980;
	_ =	swait.ge [sflag:s17], $0x2000  }
0x144: {  	s29 =	simm.s32 $0x200;
	s30 =	simm.s32 $0x280;
	[sflag:s17] =	ssyncset.done $0x0  }
0x145: {  	s0 =	simm.s32 $0xA80;
	s26 =	simm.s32 $0xF80;
	[sflag:s17] =	ssyncadd.s32 $0xFFFFE000  }
0x146: {  	s2 =	simm.s32 $0x300;
	s6 =	simm.s32 $0xB80;
	_ =	swait.ge [sflag:s24], $0x2000  }
0x147: {  	s8 =	simm.s32 $0x100;
	s9 =	simm.s32 $0x380;
	[sflag:s24] =	ssyncset.done $0x0  }
0x148: {  	s10 =	simm.s32 $0xB00;
	s11 =	simm.s32 $0x200;
	[sflag:s24] =	ssyncadd.s32 $0xFFFFE000  }
0x149: {  	[spmem:s3] =	stream.indirect.scatter.add.f32 [tilespmem:s22], [sflag:$0x3], $0x80, s26, s19, $0xb8;
	[tilespmem:$0x19000] =	vst v63  }
0x14a: {  	s16 =	simm.s32 $0x880;
	s21 =	simm.s32 $0x100;
	_ =	swait.ge [sflag:s17], $0x2000  }
0x14b: {  	s25 =	simm.s32 $0x180;
	s26 =	simm.s32 $0x900;
	[sflag:s17] =	ssyncset.done $0x0  }
.LBB2_6:
0x14c: {  	s7 =	sadd.s32 s8, s14  }
0x14d: {  	[sflag:s17] =	ssyncadd.s32 $0xFFFFE000;
	s15 =	smov.u32 s11;
	s12 =	sadd.s32 $0x100, s11  }
0x14e: {  	[tilespmem:s4], [sflag:$0x3] =	stream.linear.gather [hbm4b:s7+s4], $0x800, $0x38;
	[tilespmem:$0x19000] =	vst v63  }
0x14f: {  	p1 =	sne.s32 s11, $0x900;
	_ =	swait.ge [sflag:s17], $0x800  }
0x150: {  	s7 =	sadd.s32 s8, s13;
	[sflag:s17] =	ssyncset.done $0x0  }
0x151: {  	s8 =	smov.u32 s15;
	s15 =	simm.s32 $0x80;
	[sflag:s17] =	ssyncadd.s32 $0xFFFFF800  }
0x152: {  	[tilespmem:s18], [sflag:$0x3] =	stream.linear.gather [hbm4b:s7+s4], $0x800, $0x38;
	[tilespmem:$0x19000] =	vst v63  }
0x153: {  	_ =	swait.ge [sflag:s17], $0x800  }
0x154: {  	[sflag:s17] =	ssyncset.done $0x0  }
0x155: {  	[sflag:s17] =	ssyncadd.s32 $0xFFFFF800  }
0x156: {  	[tilespmem:s20], [sflag:$0x1] =	stream.indirect.gather [hbm4b:s5+s19], $0x80, s4, s19, $0xb8;
	[tilespmem:$0x19000] =	vst v63  }
0x157: {  	_ = 	snop  }
0x158: {  	[tilespmem:s22], [sflag:$0x2] =	stream.indirect.gather [hbm4b:s5+s19], $0x80, s15, s19, $0xb8;
	[tilespmem:$0x19000] =	vst v63  }
0x159: {  	_ =	swait.ge [sflag:s23], $0x2000  }
0x15a: {  	[sflag:s23] =	ssyncset.done $0x0  }
0x15b: {  	[sflag:s23] =	ssyncadd.s32 $0xFFFFE000  }
0x15c: {  	[spmem:s3] =	stream.indirect.scatter.add.f32 [tilespmem:s20], [sflag:$0x3], $0x80, s18, s19, $0xb8;
	[tilespmem:$0x19000] =	vst v63  }
0x15d: {  	_ =	swait.ge [sflag:s17], $0x2000  }
0x15e: {  	[sflag:s17] =	ssyncset.done $0x0  }
0x15f: {  	[sflag:s17] =	ssyncadd.s32 $0xFFFFE000  }
0x160: {  	_ =	swait.ge [sflag:s24], $0x2000  }
0x161: {  	[sflag:s24] =	ssyncset.done $0x0  }
0x162: {  	[sflag:s24] =	ssyncadd.s32 $0xFFFFE000  }
0x163: {  	[spmem:s3] =	stream.indirect.scatter.add.f32 [tilespmem:s22], [sflag:$0x3], $0x80, s16, s19, $0xb8;
	[tilespmem:$0x19000] =	vst v63  }
0x164: {  	_ =	swait.ge [sflag:s17], $0x2000  }
0x165: {  	[sflag:s17] =	ssyncset.done $0x0  }
0x166: {  	[sflag:s17] =	ssyncadd.s32 $0xFFFFE000  }
0x167: {  	[tilespmem:s20], [sflag:$0x1] =	stream.indirect.gather [hbm4b:s5+s19], $0x80, s21, s19, $0xb8;
	[tilespmem:$0x19000] =	vst v63  }
0x168: {  	_ = 	snop  }
0x169: {  	[tilespmem:s22], [sflag:$0x2] =	stream.indirect.gather [hbm4b:s5+s19], $0x80, s25, s19, $0xb8;
	[tilespmem:$0x19000] =	vst v63  }
0x16a: {  	_ =	swait.ge [sflag:s23], $0x2000  }
0x16b: {  	[sflag:s23] =	ssyncset.done $0x0  }
0x16c: {  	[sflag:s23] =	ssyncadd.s32 $0xFFFFE000  }
0x16d: {  	[spmem:s3] =	stream.indirect.scatter.add.f32 [tilespmem:s20], [sflag:$0x3], $0x80, s26, s19, $0xb8;
	[tilespmem:$0x19000] =	vst v63  }
0x16e: {  	_ =	swait.ge [sflag:s17], $0x2000  }
0x16f: {  	[sflag:s17] =	ssyncset.done $0x0  }
0x170: {  	[sflag:s17] =	ssyncadd.s32 $0xFFFFE000  }
0x171: {  	_ =	swait.ge [sflag:s24], $0x2000  }
0x172: {  	[sflag:s24] =	ssyncset.done $0x0  }
0x173: {  	[sflag:s24] =	ssyncadd.s32 $0xFFFFE000  }
0x174: {  	[spmem:s3] =	stream.indirect.scatter.add.f32 [tilespmem:s22], [sflag:$0x3], $0x80, s28, s19, $0xb8;
	[tilespmem:$0x19000] =	vst v63  }
0x175: {  	_ =	swait.ge [sflag:s17], $0x2000  }
0x176: {  	[sflag:s17] =	ssyncset.done $0x0  }
0x177: {  	[sflag:s17] =	ssyncadd.s32 $0xFFFFE000  }
0x178: {  	[tilespmem:s20], [sflag:$0x1] =	stream.indirect.gather [hbm4b:s5+s19], $0x80, s29, s19, $0xb8;
	[tilespmem:$0x19000] =	vst v63  }
0x179: {  	_ = 	snop  }
0x17a: {  	[tilespmem:s22], [sflag:$0x2] =	stream.indirect.gather [hbm4b:s5+s19], $0x80, s30, s19, $0xb8;
	[tilespmem:$0x19000] =	vst v63  }
0x17b: {  	_ =	swait.ge [sflag:s23], $0x2000  }
0x17c: {  	[sflag:s23] =	ssyncset.done $0x0  }
0x17d: {  	[sflag:s23] =	ssyncadd.s32 $0xFFFFE000  }
0x17e: {  	[spmem:s3] =	stream.indirect.scatter.add.f32 [tilespmem:s20], [sflag:$0x3], $0x80, s31, s19, $0xb8;
	[tilespmem:$0x19000] =	vst v63  }
0x17f: {  	_ =	swait.ge [sflag:s17], $0x2000  }
0x180: {  	[sflag:s17] =	ssyncset.done $0x0  }
0x181: {  	[sflag:s17] =	ssyncadd.s32 $0xFFFFE000  }
0x182: {  	_ =	swait.ge [sflag:s24], $0x2000  }
0x183: {  	[sflag:s24] =	ssyncset.done $0x0  }
0x184: {  	[sflag:s24] =	ssyncadd.s32 $0xFFFFE000  }
0x185: {  	[spmem:s3] =	stream.indirect.scatter.add.f32 [tilespmem:s22], [sflag:$0x3], $0x80, s0, s19, $0xb8;
	[tilespmem:$0x19000] =	vst v63  }
0x186: {  	_ =	swait.ge [sflag:s17], $0x2000  }
0x187: {  	[sflag:s17] =	ssyncset.done $0x0  }
0x188: {  	[sflag:s17] =	ssyncadd.s32 $0xFFFFE000  }
0x189: {  	[tilespmem:s20], [sflag:$0x1] =	stream.indirect.gather [hbm4b:s5+s19], $0x80, s2, s19, $0xb8;
	[tilespmem:$0x19000] =	vst v63  }
0x18a: {  	_ = 	snop  }
0x18b: {  	[tilespmem:s22], [sflag:$0x2] =	stream.indirect.gather [hbm4b:s5+s19], $0x80, s9, s19, $0xb8;
	[tilespmem:$0x19000] =	vst v63  }
0x18c: {  	_ =	swait.ge [sflag:s23], $0x2000  }
0x18d: {  	[sflag:s23] =	ssyncset.done $0x0  }
0x18e: {  	[sflag:s23] =	ssyncadd.s32 $0xFFFFE000  }
0x18f: {  	[spmem:s3] =	stream.indirect.scatter.add.f32 [tilespmem:s20], [sflag:$0x3], $0x80, s10, s19, $0xb8;
	[tilespmem:$0x19000] =	vst v63  }
0x190: {  	_ =	swait.ge [sflag:s17], $0x2000  }
0x191: {  	[sflag:s17] =	ssyncset.done $0x0  }
0x192: {  	[sflag:s17] =	ssyncadd.s32 $0xFFFFE000  }
0x193: {  	_ =	swait.ge [sflag:s24], $0x2000  }
0x194: {  	[sflag:s24] =	ssyncset.done $0x0  }
0x195: {  	[sflag:s24] =	ssyncadd.s32 $0xFFFFE000  }
0x196: {  	[spmem:s3] =	stream.indirect.scatter.add.f32 [tilespmem:s22], [sflag:$0x3], $0x80, s6, s19, $0xb8;
	[tilespmem:$0x19000] =	vst v63  }
0x197: {  	_ =	swait.ge [sflag:s17], $0x2000  }
0x198: {  	[sflag:s17] =	ssyncset.done $0x0  }
0x199: {  	s7 =	simm.s32 $0x400;
	[sflag:s17] =	ssyncadd.s32 $0xFFFFE000  }
0x19a: {  	[tilespmem:s20], [sflag:$0x1] =	stream.indirect.gather [hbm4b:s5+s19], $0x80, s7, s19, $0xb8;
	[tilespmem:$0x19000] =	vst v63  }
0x19b: {  	s7 =	simm.s32 $0x480  }
0x19c: {  	[tilespmem:s22], [sflag:$0x2] =	stream.indirect.gather [hbm4b:s5+s19], $0x80, s7, s19, $0xb8;
	[tilespmem:$0x19000] =	vst v63  }
0x19d: {  	_ =	swait.ge [sflag:s23], $0x2000  }
0x19e: {  	[sflag:s23] =	ssyncset.done $0x0  }
0x19f: {  	s7 =	simm.s32 $0xC00;
	[sflag:s23] =	ssyncadd.s32 $0xFFFFE000  }
0x1a0: {  	[spmem:s3] =	stream.indirect.scatter.add.f32 [tilespmem:s20], [sflag:$0x3], $0x80, s7, s19, $0xb8;
	[tilespmem:$0x19000] =	vst v63  }
0x1a1: {  	_ =	swait.ge [sflag:s17], $0x2000  }
0x1a2: {  	[sflag:s17] =	ssyncset.done $0x0  }
0x1a3: {  	[sflag:s17] =	ssyncadd.s32 $0xFFFFE000  }
0x1a4: {  	_ =	swait.ge [sflag:s24], $0x2000  }
0x1a5: {  	[sflag:s24] =	ssyncset.done $0x0  }
0x1a6: {  	s7 =	simm.s32 $0xC80;
	[sflag:s24] =	ssyncadd.s32 $0xFFFFE000  }
0x1a7: {  	[spmem:s3] =	stream.indirect.scatter.add.f32 [tilespmem:s22], [sflag:$0x3], $0x80, s7, s19, $0xb8;
	[tilespmem:$0x19000] =	vst v63  }
0x1a8: {  	_ =	swait.ge [sflag:s17], $0x2000  }
0x1a9: {  	[sflag:s17] =	ssyncset.done $0x0  }
0x1aa: {  	s7 =	simm.s32 $0x500;
	[sflag:s17] =	ssyncadd.s32 $0xFFFFE000  }
0x1ab: {  	[tilespmem:s20], [sflag:$0x1] =	stream.indirect.gather [hbm4b:s5+s19], $0x80, s7, s19, $0xb8;
	[tilespmem:$0x19000] =	vst v63  }
0x1ac: {  	s7 =	simm.s32 $0x580  }
0x1ad: {  	[tilespmem:s22], [sflag:$0x2] =	stream.indirect.gather [hbm4b:s5+s19], $0x80, s7, s19, $0xb8;
	[tilespmem:$0x19000] =	vst v63  }
0x1ae: {  	_ =	swait.ge [sflag:s23], $0x2000  }
0x1af: {  	[sflag:s23] =	ssyncset.done $0x0  }
0x1b0: {  	s7 =	simm.s32 $0xD00;
	[sflag:s23] =	ssyncadd.s32 $0xFFFFE000  }
0x1b1: {  	[spmem:s3] =	stream.indirect.scatter.add.f32 [tilespmem:s20], [sflag:$0x3], $0x80, s7, s19, $0xb8;
	[tilespmem:$0x19000] =	vst v63  }
0x1b2: {  	_ =	swait.ge [sflag:s17], $0x2000  }
0x1b3: {  	[sflag:s17] =	ssyncset.done $0x0  }
0x1b4: {  	[sflag:s17] =	ssyncadd.s32 $0xFFFFE000  }
0x1b5: {  	_ =	swait.ge [sflag:s24], $0x2000  }
0x1b6: {  	[sflag:s24] =	ssyncset.done $0x0  }
0x1b7: {  	s7 =	simm.s32 $0xD80;
	[sflag:s24] =	ssyncadd.s32 $0xFFFFE000  }
0x1b8: {  	[spmem:s3] =	stream.indirect.scatter.add.f32 [tilespmem:s22], [sflag:$0x3], $0x80, s7, s19, $0xb8;
	[tilespmem:$0x19000] =	vst v63  }
0x1b9: {  	_ =	swait.ge [sflag:s17], $0x2000  }
0x1ba: {  	[sflag:s17] =	ssyncset.done $0x0  }
0x1bb: {  	s7 =	simm.s32 $0x600;
	[sflag:s17] =	ssyncadd.s32 $0xFFFFE000  }
0x1bc: {  	[tilespmem:s20], [sflag:$0x1] =	stream.indirect.gather [hbm4b:s5+s19], $0x80, s7, s19, $0xb8;
	[tilespmem:$0x19000] =	vst v63  }
0x1bd: {  	s7 =	simm.s32 $0x680  }
0x1be: {  	[tilespmem:s22], [sflag:$0x2] =	stream.indirect.gather [hbm4b:s5+s19], $0x80, s7, s19, $0xb8;
	[tilespmem:$0x19000] =	vst v63  }
0x1bf: {  	_ =	swait.ge [sflag:s23], $0x2000  }
0x1c0: {  	[sflag:s23] =	ssyncset.done $0x0  }
0x1c1: {  	s7 =	simm.s32 $0xE00;
	[sflag:s23] =	ssyncadd.s32 $0xFFFFE000  }
0x1c2: {  	[spmem:s3] =	stream.indirect.scatter.add.f32 [tilespmem:s20], [sflag:$0x3], $0x80, s7, s19, $0xb8;
	[tilespmem:$0x19000] =	vst v63  }
0x1c3: {  	_ =	swait.ge [sflag:s17], $0x2000  }
0x1c4: {  	[sflag:s17] =	ssyncset.done $0x0  }
0x1c5: {  	[sflag:s17] =	ssyncadd.s32 $0xFFFFE000  }
0x1c6: {  	_ =	swait.ge [sflag:s24], $0x2000  }
0x1c7: {  	[sflag:s24] =	ssyncset.done $0x0  }
0x1c8: {  	s7 =	simm.s32 $0xE80;
	[sflag:s24] =	ssyncadd.s32 $0xFFFFE000  }
0x1c9: {  	[spmem:s3] =	stream.indirect.scatter.add.f32 [tilespmem:s22], [sflag:$0x3], $0x80, s7, s19, $0xb8;
	[tilespmem:$0x19000] =	vst v63  }
0x1ca: {  	_ =	swait.ge [sflag:s17], $0x2000  }
0x1cb: {  	[sflag:s17] =	ssyncset.done $0x0  }
0x1cc: {  	s7 =	simm.s32 $0x700;
	[sflag:s17] =	ssyncadd.s32 $0xFFFFE000  }
0x1cd: {  	[tilespmem:s20], [sflag:$0x1] =	stream.indirect.gather [hbm4b:s5+s19], $0x80, s7, s19, $0xb8;
	[tilespmem:$0x19000] =	vst v63  }
0x1ce: {  	s7 =	simm.s32 $0x780  }
0x1cf: {  	[tilespmem:s22], [sflag:$0x2] =	stream.indirect.gather [hbm4b:s5+s19], $0x80, s7, s19, $0xb8;
	[tilespmem:$0x19000] =	vst v63  }
0x1d0: {  	_ =	swait.ge [sflag:s23], $0x2000  }
0x1d1: {  	[sflag:s23] =	ssyncset.done $0x0  }
0x1d2: {  	s7 =	simm.s32 $0xF00;
	[sflag:s23] =	ssyncadd.s32 $0xFFFFE000  }
0x1d3: {  	[spmem:s3] =	stream.indirect.scatter.add.f32 [tilespmem:s20], [sflag:$0x3], $0x80, s7, s19, $0xb8;
	[tilespmem:$0x19000] =	vst v63  }
0x1d4: {  	_ =	swait.ge [sflag:s17], $0x2000  }
0x1d5: {  	[sflag:s17] =	ssyncset.done $0x0  }
0x1d6: {  	[sflag:s17] =	ssyncadd.s32 $0xFFFFE000  }
0x1d7: {  	_ =	swait.ge [sflag:s24], $0x2000  }
.Ltmp3:
0x1d8: {  	[sflag:s24] =	ssyncset.done $0x0;
	(pc) =	sbr.rel @p1 .LBB2_6-.Ltmp3, $4  }
0x1d9: {  	s7 =	simm.s32 $0xF80;
	[sflag:s24] =	ssyncadd.s32 $0xFFFFE000  }
0x1da: {  	[spmem:s3] =	stream.indirect.scatter.add.f32 [tilespmem:s22], [sflag:$0x3], $0x80, s7, s19, $0xb8;
	[tilespmem:$0x19000] =	vst v63  }
0x1db: {  	_ =	swait.ge [sflag:s17], $0x2000  }
0x1dc: {  	s11 =	smov.u32 s12;
	[sflag:s17] =	ssyncset.done $0x0  }
.Ltmp4:
0x1dd: {  	_ = 	snop;
	(pc) =	sbr.rel .LBB2_7-.Ltmp4, $1  }
0x1de: {  	_ =	sdelay $0x3  }
.LBB2_2:
0x1df: {  	s7 =	rddreg [dreg:$0xa]  }
0x1e0: {  	s8 =	rddreg [dreg:$0x7];
	s6 =	sor.u32 $0x1C03, s7  }
0x1e1: {  	[dreg:$0xe] =	wrdreg s6  }
0x1e2: {  	[spmem:s11], [sflag:s6] =	dma.local [hbm:s8], $0x2800  }
0x1e3: {  	_ =	swait.ge [sflag:s17], $0x2800  }
0x1e4: {  	[sflag:s17] =	ssyncset.done $0x0  }
0x1e5: {  	[sflag:s17] =	ssyncadd.s32 $0xFFFFD800  }
0x1e6: {  	s8 =	sadd.s32 $0x0, s14;
	[bflag:$0x0] =	sbarrier.arrive $0xFFFF  }
0x1e7: {  	[tilespmem:s4], [sflag:$0x3] =	stream.linear.gather [hbm4b:s8+s4], $0x800, $0x38;
	[tilespmem:$0x19000] =	vst v63  }
0x1e8: {  	_ =	swait.ge [sflag:s17], $0x800  }
0x1e9: {  	[sflag:s17] =	ssyncset.done $0x0  }
0x1ea: {  	s11 =	sadd.s32 $0x0, s13;
	[sflag:s17] =	ssyncadd.s32 $0xFFFFF800  }
0x1eb: {  	[tilespmem:s18], [sflag:$0x3] =	stream.linear.gather [hbm4b:s11+s4], $0x800, $0x38;
	[tilespmem:$0x19000] =	vst v63  }
0x1ec: {  	_ =	swait.ge [sflag:s17], $0x800  }
0x1ed: {  	[sflag:s17] =	ssyncset.done $0x0  }
0x1ee: {  	[sflag:s17] =	ssyncadd.s32 $0xFFFFF800  }
0x1ef: {  	[tilespmem:s20], [sflag:$0x1] =	stream.indirect.gather [hbm4b:s1+s19], $0x80, s4, s19, $0xb8;
	[tilespmem:$0x19000] =	vst v63  }
0x1f0: {  	_ = 	snop  }
0x1f1: {  	[tilespmem:s22], [sflag:$0x2] =	stream.indirect.gather [hbm4b:s1+s19], $0x80, s15, s19, $0xb8;
	[tilespmem:$0x19000] =	vst v63  }
0x1f2: {  	_ =	swait.ge [sflag:s23], $0x2000  }
0x1f3: {  	[sflag:s23] =	ssyncset.done $0x0  }
0x1f4: {  	[sflag:s23] =	ssyncadd.s32 $0xFFFFE000  }
0x1f5: {  	[spmem:s3] =	stream.indirect.scatter.add.f32 [tilespmem:s20], [sflag:$0x3], $0x80, s18, s19, $0xb8;
	[tilespmem:$0x19000] =	vst v63  }
0x1f6: {  	_ =	swait.ge [sflag:s17], $0x2000  }
0x1f7: {  	[sflag:s17] =	ssyncset.done $0x0  }
0x1f8: {  	[sflag:s17] =	ssyncadd.s32 $0xFFFFE000  }
0x1f9: {  	_ =	swait.ge [sflag:s24], $0x2000  }
0x1fa: {  	[sflag:s24] =	ssyncset.done $0x0  }
0x1fb: {  	[sflag:s24] =	ssyncadd.s32 $0xFFFFE000  }
0x1fc: {  	[spmem:s3] =	stream.indirect.scatter.add.f32 [tilespmem:s22], [sflag:$0x3], $0x80, s12, s19, $0xb8;
	[tilespmem:$0x19000] =	vst v63  }
0x1fd: {  	_ =	swait.ge [sflag:s17], $0x2000  }
0x1fe: {  	[sflag:s17] =	ssyncset.done $0x0  }
0x1ff: {  	[sflag:s17] =	ssyncadd.s32 $0xFFFFE000  }
0x200: {  	[tilespmem:s20], [sflag:$0x1] =	stream.indirect.gather [hbm4b:s1+s19], $0x80, s16, s19, $0xb8;
	[tilespmem:$0x19000] =	vst v63  }
0x201: {  	_ = 	snop  }
0x202: {  	[tilespmem:s22], [sflag:$0x2] =	stream.indirect.gather [hbm4b:s1+s19], $0x80, s21, s19, $0xb8;
	[tilespmem:$0x19000] =	vst v63  }
0x203: {  	_ =	swait.ge [sflag:s23], $0x2000  }
0x204: {  	[sflag:s23] =	ssyncset.done $0x0  }
0x205: {  	[sflag:s23] =	ssyncadd.s32 $0xFFFFE000  }
0x206: {  	[spmem:s3] =	stream.indirect.scatter.add.f32 [tilespmem:s20], [sflag:$0x3], $0x80, s25, s19, $0xb8;
	[tilespmem:$0x19000] =	vst v63  }
0x207: {  	_ =	swait.ge [sflag:s17], $0x2000  }
0x208: {  	[sflag:s17] =	ssyncset.done $0x0  }
0x209: {  	[sflag:s17] =	ssyncadd.s32 $0xFFFFE000  }
0x20a: {  	_ =	swait.ge [sflag:s24], $0x2000  }
0x20b: {  	[sflag:s24] =	ssyncset.done $0x0  }
0x20c: {  	[sflag:s24] =	ssyncadd.s32 $0xFFFFE000  }
0x20d: {  	[spmem:s3] =	stream.indirect.scatter.add.f32 [tilespmem:s22], [sflag:$0x3], $0x80, s26, s19, $0xb8;
	[tilespmem:$0x19000] =	vst v63  }
0x20e: {  	_ =	swait.ge [sflag:s17], $0x2000  }
0x20f: {  	[sflag:s17] =	ssyncset.done $0x0  }
0x210: {  	[sflag:s17] =	ssyncadd.s32 $0xFFFFE000  }
0x211: {  	[tilespmem:s20], [sflag:$0x1] =	stream.indirect.gather [hbm4b:s1+s19], $0x80, s28, s19, $0xb8;
	[tilespmem:$0x19000] =	vst v63  }
0x212: {  	_ = 	snop  }
0x213: {  	[tilespmem:s22], [sflag:$0x2] =	stream.indirect.gather [hbm4b:s1+s19], $0x80, s29, s19, $0xb8;
	[tilespmem:$0x19000] =	vst v63  }
0x214: {  	_ =	swait.ge [sflag:s23], $0x2000  }
0x215: {  	[sflag:s23] =	ssyncset.done $0x0  }
0x216: {  	[sflag:s23] =	ssyncadd.s32 $0xFFFFE000  }
0x217: {  	[spmem:s3] =	stream.indirect.scatter.add.f32 [tilespmem:s20], [sflag:$0x3], $0x80, s30, s19, $0xb8;
	[tilespmem:$0x19000] =	vst v63  }
0x218: {  	_ =	swait.ge [sflag:s17], $0x2000  }
0x219: {  	[sflag:s17] =	ssyncset.done $0x0  }
0x21a: {  	[sflag:s17] =	ssyncadd.s32 $0xFFFFE000  }
0x21b: {  	_ =	swait.ge [sflag:s24], $0x2000  }
0x21c: {  	[sflag:s24] =	ssyncset.done $0x0  }
0x21d: {  	[sflag:s24] =	ssyncadd.s32 $0xFFFFE000  }
0x21e: {  	[spmem:s3] =	stream.indirect.scatter.add.f32 [tilespmem:s22], [sflag:$0x3], $0x80, s0, s19, $0xb8;
	[tilespmem:$0x19000] =	vst v63  }
0x21f: {  	_ =	swait.ge [sflag:s17], $0x2000  }
0x220: {  	[sflag:s17] =	ssyncset.done $0x0  }
0x221: {  	[sflag:s17] =	ssyncadd.s32 $0xFFFFE000  }
0x222: {  	[tilespmem:s20], [sflag:$0x1] =	stream.indirect.gather [hbm4b:s1+s19], $0x80, s2, s19, $0xb8;
	[tilespmem:$0x19000] =	vst v63  }
0x223: {  	_ = 	snop  }
0x224: {  	[tilespmem:s22], [sflag:$0x2] =	stream.indirect.gather [hbm4b:s1+s19], $0x80, s9, s19, $0xb8;
	[tilespmem:$0x19000] =	vst v63  }
0x225: {  	_ =	swait.ge [sflag:s23], $0x2000  }
0x226: {  	[sflag:s23] =	ssyncset.done $0x0  }
0x227: {  	[sflag:s23] =	ssyncadd.s32 $0xFFFFE000  }
0x228: {  	[spmem:s3] =	stream.indirect.scatter.add.f32 [tilespmem:s20], [sflag:$0x3], $0x80, s10, s19, $0xb8;
	[tilespmem:$0x19000] =	vst v63  }
0x229: {  	_ =	swait.ge [sflag:s17], $0x2000  }
0x22a: {  	[sflag:s17] =	ssyncset.done $0x0  }
0x22b: {  	[sflag:s17] =	ssyncadd.s32 $0xFFFFE000  }
0x22c: {  	_ =	swait.ge [sflag:s24], $0x2000  }
0x22d: {  	[sflag:s24] =	ssyncset.done $0x0  }
0x22e: {  	s16 =	simm.s32 $0xB80;
	[sflag:s24] =	ssyncadd.s32 $0xFFFFE000  }
0x22f: {  	[spmem:s3] =	stream.indirect.scatter.add.f32 [tilespmem:s22], [sflag:$0x3], $0x80, s16, s19, $0xb8;
	[tilespmem:$0x19000] =	vst v63  }
0x230: {  	_ =	swait.ge [sflag:s17], $0x2000  }
0x231: {  	[sflag:s17] =	ssyncset.done $0x0  }
0x232: {  	s21 =	simm.s32 $0x400;
	[sflag:s17] =	ssyncadd.s32 $0xFFFFE000  }
0x233: {  	[tilespmem:s20], [sflag:$0x1] =	stream.indirect.gather [hbm4b:s1+s19], $0x80, s21, s19, $0xb8;
	[tilespmem:$0x19000] =	vst v63  }
0x234: {  	s25 =	simm.s32 $0x480  }
0x235: {  	[tilespmem:s22], [sflag:$0x2] =	stream.indirect.gather [hbm4b:s1+s19], $0x80, s25, s19, $0xb8;
	[tilespmem:$0x19000] =	vst v63  }
0x236: {  	_ =	swait.ge [sflag:s23], $0x2000  }
0x237: {  	[sflag:s23] =	ssyncset.done $0x0  }
0x238: {  	s26 =	simm.s32 $0xC00;
	[sflag:s23] =	ssyncadd.s32 $0xFFFFE000  }
0x239: {  	[spmem:s3] =	stream.indirect.scatter.add.f32 [tilespmem:s20], [sflag:$0x3], $0x80, s26, s19, $0xb8;
	[tilespmem:$0x19000] =	vst v63  }
0x23a: {  	_ =	swait.ge [sflag:s17], $0x2000  }
0x23b: {  	[sflag:s17] =	ssyncset.done $0x0  }
0x23c: {  	[sflag:s17] =	ssyncadd.s32 $0xFFFFE000  }
0x23d: {  	_ =	swait.ge [sflag:s24], $0x2000  }
0x23e: {  	[sflag:s24] =	ssyncset.done $0x0  }
0x23f: {  	s2 =	simm.s32 $0xC80;
	[sflag:s24] =	ssyncadd.s32 $0xFFFFE000  }
0x240: {  	[spmem:s3] =	stream.indirect.scatter.add.f32 [tilespmem:s22], [sflag:$0x3], $0x80, s2, s19, $0xb8;
	[tilespmem:$0x19000] =	vst v63  }
0x241: {  	_ =	swait.ge [sflag:s17], $0x2000  }
0x242: {  	[sflag:s17] =	ssyncset.done $0x0  }
0x243: {  	s6 =	simm.s32 $0x500;
	[sflag:s17] =	ssyncadd.s32 $0xFFFFE000  }
0x244: {  	[tilespmem:s20], [sflag:$0x1] =	stream.indirect.gather [hbm4b:s1+s19], $0x80, s6, s19, $0xb8;
	[tilespmem:$0x19000] =	vst v63  }
0x245: {  	s7 =	simm.s32 $0x580  }
0x246: {  	[tilespmem:s22], [sflag:$0x2] =	stream.indirect.gather [hbm4b:s1+s19], $0x80, s7, s19, $0xb8;
	[tilespmem:$0x19000] =	vst v63  }
0x247: {  	_ =	swait.ge [sflag:s23], $0x2000  }
0x248: {  	[sflag:s23] =	ssyncset.done $0x0  }
0x249: {  	s8 =	simm.s32 $0xD00;
	[sflag:s23] =	ssyncadd.s32 $0xFFFFE000  }
0x24a: {  	[spmem:s3] =	stream.indirect.scatter.add.f32 [tilespmem:s20], [sflag:$0x3], $0x80, s8, s19, $0xb8;
	[tilespmem:$0x19000] =	vst v63  }
0x24b: {  	_ =	swait.ge [sflag:s17], $0x2000  }
0x24c: {  	[sflag:s17] =	ssyncset.done $0x0  }
0x24d: {  	[sflag:s17] =	ssyncadd.s32 $0xFFFFE000  }
0x24e: {  	_ =	swait.ge [sflag:s24], $0x2000  }
0x24f: {  	[sflag:s24] =	ssyncset.done $0x0  }
0x250: {  	s9 =	simm.s32 $0xD80;
	[sflag:s24] =	ssyncadd.s32 $0xFFFFE000  }
0x251: {  	[spmem:s3] =	stream.indirect.scatter.add.f32 [tilespmem:s22], [sflag:$0x3], $0x80, s9, s19, $0xb8;
	[tilespmem:$0x19000] =	vst v63  }
0x252: {  	_ =	swait.ge [sflag:s17], $0x2000  }
0x253: {  	[sflag:s17] =	ssyncset.done $0x0  }
0x254: {  	s10 =	simm.s32 $0x600;
	[sflag:s17] =	ssyncadd.s32 $0xFFFFE000  }
0x255: {  	[tilespmem:s20], [sflag:$0x1] =	stream.indirect.gather [hbm4b:s1+s19], $0x80, s10, s19, $0xb8;
	[tilespmem:$0x19000] =	vst v63  }
0x256: {  	s11 =	simm.s32 $0x680  }
0x257: {  	[tilespmem:s22], [sflag:$0x2] =	stream.indirect.gather [hbm4b:s1+s19], $0x80, s11, s19, $0xb8;
	[tilespmem:$0x19000] =	vst v63  }
0x258: {  	_ =	swait.ge [sflag:s23], $0x2000  }
0x259: {  	[sflag:s23] =	ssyncset.done $0x0  }
0x25a: {  	s12 =	simm.s32 $0xE00;
	[sflag:s23] =	ssyncadd.s32 $0xFFFFE000  }
0x25b: {  	[spmem:s3] =	stream.indirect.scatter.add.f32 [tilespmem:s20], [sflag:$0x3], $0x80, s12, s19, $0xb8;
	[tilespmem:$0x19000] =	vst v63  }
0x25c: {  	_ =	swait.ge [sflag:s17], $0x2000  }
0x25d: {  	[sflag:s17] =	ssyncset.done $0x0  }
0x25e: {  	[sflag:s17] =	ssyncadd.s32 $0xFFFFE000  }
0x25f: {  	_ =	swait.ge [sflag:s24], $0x2000  }
0x260: {  	[sflag:s24] =	ssyncset.done $0x0  }
0x261: {  	s15 =	simm.s32 $0xE80;
	[sflag:s24] =	ssyncadd.s32 $0xFFFFE000  }
0x262: {  	[spmem:s3] =	stream.indirect.scatter.add.f32 [tilespmem:s22], [sflag:$0x3], $0x80, s15, s19, $0xb8;
	[tilespmem:$0x19000] =	vst v63  }
0x263: {  	_ =	swait.ge [sflag:s17], $0x2000  }
0x264: {  	[sflag:s17] =	ssyncset.done $0x0  }
0x265: {  	s16 =	simm.s32 $0x700;
	[sflag:s17] =	ssyncadd.s32 $0xFFFFE000  }
0x266: {  	[tilespmem:s20], [sflag:$0x1] =	stream.indirect.gather [hbm4b:s1+s19], $0x80, s16, s19, $0xb8;
	[tilespmem:$0x19000] =	vst v63  }
0x267: {  	s21 =	simm.s32 $0x780  }
0x268: {  	[tilespmem:s22], [sflag:$0x2] =	stream.indirect.gather [hbm4b:s1+s19], $0x80, s21, s19, $0xb8;
	[tilespmem:$0x19000] =	vst v63  }
0x269: {  	_ =	swait.ge [sflag:s23], $0x2000  }
0x26a: {  	[sflag:s23] =	ssyncset.done $0x0  }
0x26b: {  	s25 =	simm.s32 $0xF00;
	[sflag:s23] =	ssyncadd.s32 $0xFFFFE000  }
0x26c: {  	[spmem:s3] =	stream.indirect.scatter.add.f32 [tilespmem:s20], [sflag:$0x3], $0x80, s25, s19, $0xb8;
	[tilespmem:$0x19000] =	vst v63  }
0x26d: {  	s31 =	simm.s32 $0xA00;
	s28 =	simm.s32 $0x980;
	_ =	swait.ge [sflag:s17], $0x2000  }
0x26e: {  	s29 =	simm.s32 $0x200;
	s30 =	simm.s32 $0x280;
	[sflag:s17] =	ssyncset.done $0x0  }
0x26f: {  	s0 =	simm.s32 $0xA80;
	s26 =	simm.s32 $0xF80;
	[sflag:s17] =	ssyncadd.s32 $0xFFFFE000  }
0x270: {  	s2 =	simm.s32 $0x300;
	s6 =	simm.s32 $0xB80;
	_ =	swait.ge [sflag:s24], $0x2000  }
0x271: {  	s8 =	simm.s32 $0x100;
	s9 =	simm.s32 $0x380;
	[sflag:s24] =	ssyncset.done $0x0  }
0x272: {  	s10 =	simm.s32 $0xB00;
	s12 =	simm.s32 $0x200;
	[sflag:s24] =	ssyncadd.s32 $0xFFFFE000  }
0x273: {  	[spmem:s3] =	stream.indirect.scatter.add.f32 [tilespmem:s22], [sflag:$0x3], $0x80, s26, s19, $0xb8;
	[tilespmem:$0x19000] =	vst v63  }
0x274: {  	s16 =	simm.s32 $0x880;
	s21 =	simm.s32 $0x100;
	_ =	swait.ge [sflag:s17], $0x2000  }
0x275: {  	s25 =	simm.s32 $0x180;
	s26 =	simm.s32 $0x900;
	[sflag:s17] =	ssyncset.done $0x0  }
.LBB2_3:
0x276: {  	s15 =	sadd.s32 s8, s14  }
0x277: {  	[sflag:s17] =	ssyncadd.s32 $0xFFFFE000;
	s7 =	smov.u32 s12;
	s11 =	sadd.s32 $0x100, s12  }
0x278: {  	[tilespmem:s4], [sflag:$0x3] =	stream.linear.gather [hbm4b:s15+s4], $0x800, $0x38;
	[tilespmem:$0x19000] =	vst v63  }
0x279: {  	s15 =	simm.s32 $0x80  }
0x27a: {  	p1 =	seq.s32 s12, $0x900;
	_ =	swait.ge [sflag:s17], $0x800  }
0x27b: {  	[sflag:s17] =	ssyncset.done $0x0  }
0x27c: {  	s12 =	sadd.s32 s8, s13;
	s8 =	smov.u32 s7;
	[sflag:s17] =	ssyncadd.s32 $0xFFFFF800  }
0x27d: {  	[tilespmem:s18], [sflag:$0x3] =	stream.linear.gather [hbm4b:s12+s4], $0x800, $0x38;
	[tilespmem:$0x19000] =	vst v63  }
0x27e: {  	_ =	swait.ge [sflag:s17], $0x800  }
0x27f: {  	[sflag:s17] =	ssyncset.done $0x0  }
0x280: {  	[sflag:s17] =	ssyncadd.s32 $0xFFFFF800  }
0x281: {  	[tilespmem:s20], [sflag:$0x1] =	stream.indirect.gather [hbm4b:s1+s19], $0x80, s4, s19, $0xb8;
	[tilespmem:$0x19000] =	vst v63  }
0x282: {  	_ = 	snop  }
0x283: {  	[tilespmem:s22], [sflag:$0x2] =	stream.indirect.gather [hbm4b:s1+s19], $0x80, s15, s19, $0xb8;
	[tilespmem:$0x19000] =	vst v63  }
0x284: {  	_ =	swait.ge [sflag:s23], $0x2000  }
0x285: {  	[sflag:s23] =	ssyncset.done $0x0  }
0x286: {  	[sflag:s23] =	ssyncadd.s32 $0xFFFFE000  }
0x287: {  	[spmem:s3] =	stream.indirect.scatter.add.f32 [tilespmem:s20], [sflag:$0x3], $0x80, s18, s19, $0xb8;
	[tilespmem:$0x19000] =	vst v63  }
0x288: {  	_ =	swait.ge [sflag:s17], $0x2000  }
0x289: {  	[sflag:s17] =	ssyncset.done $0x0  }
0x28a: {  	[sflag:s17] =	ssyncadd.s32 $0xFFFFE000  }
0x28b: {  	_ =	swait.ge [sflag:s24], $0x2000  }
0x28c: {  	[sflag:s24] =	ssyncset.done $0x0  }
0x28d: {  	[sflag:s24] =	ssyncadd.s32 $0xFFFFE000  }
0x28e: {  	[spmem:s3] =	stream.indirect.scatter.add.f32 [tilespmem:s22], [sflag:$0x3], $0x80, s16, s19, $0xb8;
	[tilespmem:$0x19000] =	vst v63  }
0x28f: {  	_ =	swait.ge [sflag:s17], $0x2000  }
0x290: {  	[sflag:s17] =	ssyncset.done $0x0  }
0x291: {  	[sflag:s17] =	ssyncadd.s32 $0xFFFFE000  }
0x292: {  	[tilespmem:s20], [sflag:$0x1] =	stream.indirect.gather [hbm4b:s1+s19], $0x80, s21, s19, $0xb8;
	[tilespmem:$0x19000] =	vst v63  }
0x293: {  	_ = 	snop  }
0x294: {  	[tilespmem:s22], [sflag:$0x2] =	stream.indirect.gather [hbm4b:s1+s19], $0x80, s25, s19, $0xb8;
	[tilespmem:$0x19000] =	vst v63  }
0x295: {  	_ =	swait.ge [sflag:s23], $0x2000  }
0x296: {  	[sflag:s23] =	ssyncset.done $0x0  }
0x297: {  	[sflag:s23] =	ssyncadd.s32 $0xFFFFE000  }
0x298: {  	[spmem:s3] =	stream.indirect.scatter.add.f32 [tilespmem:s20], [sflag:$0x3], $0x80, s26, s19, $0xb8;
	[tilespmem:$0x19000] =	vst v63  }
0x299: {  	_ =	swait.ge [sflag:s17], $0x2000  }
0x29a: {  	[sflag:s17] =	ssyncset.done $0x0  }
0x29b: {  	[sflag:s17] =	ssyncadd.s32 $0xFFFFE000  }
0x29c: {  	_ =	swait.ge [sflag:s24], $0x2000  }
0x29d: {  	[sflag:s24] =	ssyncset.done $0x0  }
0x29e: {  	[sflag:s24] =	ssyncadd.s32 $0xFFFFE000  }
0x29f: {  	[spmem:s3] =	stream.indirect.scatter.add.f32 [tilespmem:s22], [sflag:$0x3], $0x80, s28, s19, $0xb8;
	[tilespmem:$0x19000] =	vst v63  }
0x2a0: {  	_ =	swait.ge [sflag:s17], $0x2000  }
0x2a1: {  	[sflag:s17] =	ssyncset.done $0x0  }
0x2a2: {  	[sflag:s17] =	ssyncadd.s32 $0xFFFFE000  }
0x2a3: {  	[tilespmem:s20], [sflag:$0x1] =	stream.indirect.gather [hbm4b:s1+s19], $0x80, s29, s19, $0xb8;
	[tilespmem:$0x19000] =	vst v63  }
0x2a4: {  	_ = 	snop  }
0x2a5: {  	[tilespmem:s22], [sflag:$0x2] =	stream.indirect.gather [hbm4b:s1+s19], $0x80, s30, s19, $0xb8;
	[tilespmem:$0x19000] =	vst v63  }
0x2a6: {  	_ =	swait.ge [sflag:s23], $0x2000  }
0x2a7: {  	[sflag:s23] =	ssyncset.done $0x0  }
0x2a8: {  	[sflag:s23] =	ssyncadd.s32 $0xFFFFE000  }
0x2a9: {  	[spmem:s3] =	stream.indirect.scatter.add.f32 [tilespmem:s20], [sflag:$0x3], $0x80, s31, s19, $0xb8;
	[tilespmem:$0x19000] =	vst v63  }
0x2aa: {  	_ =	swait.ge [sflag:s17], $0x2000  }
0x2ab: {  	[sflag:s17] =	ssyncset.done $0x0  }
0x2ac: {  	[sflag:s17] =	ssyncadd.s32 $0xFFFFE000  }
0x2ad: {  	_ =	swait.ge [sflag:s24], $0x2000  }
0x2ae: {  	[sflag:s24] =	ssyncset.done $0x0  }
0x2af: {  	[sflag:s24] =	ssyncadd.s32 $0xFFFFE000  }
0x2b0: {  	[spmem:s3] =	stream.indirect.scatter.add.f32 [tilespmem:s22], [sflag:$0x3], $0x80, s0, s19, $0xb8;
	[tilespmem:$0x19000] =	vst v63  }
0x2b1: {  	_ =	swait.ge [sflag:s17], $0x2000  }
0x2b2: {  	[sflag:s17] =	ssyncset.done $0x0  }
0x2b3: {  	[sflag:s17] =	ssyncadd.s32 $0xFFFFE000  }
0x2b4: {  	[tilespmem:s20], [sflag:$0x1] =	stream.indirect.gather [hbm4b:s1+s19], $0x80, s2, s19, $0xb8;
	[tilespmem:$0x19000] =	vst v63  }
0x2b5: {  	_ = 	snop  }
0x2b6: {  	[tilespmem:s22], [sflag:$0x2] =	stream.indirect.gather [hbm4b:s1+s19], $0x80, s9, s19, $0xb8;
	[tilespmem:$0x19000] =	vst v63  }
0x2b7: {  	_ =	swait.ge [sflag:s23], $0x2000  }
0x2b8: {  	[sflag:s23] =	ssyncset.done $0x0  }
0x2b9: {  	[sflag:s23] =	ssyncadd.s32 $0xFFFFE000  }
0x2ba: {  	[spmem:s3] =	stream.indirect.scatter.add.f32 [tilespmem:s20], [sflag:$0x3], $0x80, s10, s19, $0xb8;
	[tilespmem:$0x19000] =	vst v63  }
0x2bb: {  	_ =	swait.ge [sflag:s17], $0x2000  }
0x2bc: {  	[sflag:s17] =	ssyncset.done $0x0  }
0x2bd: {  	[sflag:s17] =	ssyncadd.s32 $0xFFFFE000  }
0x2be: {  	_ =	swait.ge [sflag:s24], $0x2000  }
0x2bf: {  	[sflag:s24] =	ssyncset.done $0x0  }
0x2c0: {  	[sflag:s24] =	ssyncadd.s32 $0xFFFFE000  }
0x2c1: {  	[spmem:s3] =	stream.indirect.scatter.add.f32 [tilespmem:s22], [sflag:$0x3], $0x80, s6, s19, $0xb8;
	[tilespmem:$0x19000] =	vst v63  }
0x2c2: {  	_ =	swait.ge [sflag:s17], $0x2000  }
0x2c3: {  	[sflag:s17] =	ssyncset.done $0x0  }
0x2c4: {  	s7 =	simm.s32 $0x400;
	[sflag:s17] =	ssyncadd.s32 $0xFFFFE000  }
0x2c5: {  	[tilespmem:s20], [sflag:$0x1] =	stream.indirect.gather [hbm4b:s1+s19], $0x80, s7, s19, $0xb8;
	[tilespmem:$0x19000] =	vst v63  }
0x2c6: {  	s7 =	simm.s32 $0x480  }
0x2c7: {  	[tilespmem:s22], [sflag:$0x2] =	stream.indirect.gather [hbm4b:s1+s19], $0x80, s7, s19, $0xb8;
	[tilespmem:$0x19000] =	vst v63  }
0x2c8: {  	_ =	swait.ge [sflag:s23], $0x2000  }
0x2c9: {  	[sflag:s23] =	ssyncset.done $0x0  }
0x2ca: {  	s7 =	simm.s32 $0xC00;
	[sflag:s23] =	ssyncadd.s32 $0xFFFFE000  }
0x2cb: {  	[spmem:s3] =	stream.indirect.scatter.add.f32 [tilespmem:s20], [sflag:$0x3], $0x80, s7, s19, $0xb8;
	[tilespmem:$0x19000] =	vst v63  }
0x2cc: {  	_ =	swait.ge [sflag:s17], $0x2000  }
0x2cd: {  	[sflag:s17] =	ssyncset.done $0x0  }
0x2ce: {  	[sflag:s17] =	ssyncadd.s32 $0xFFFFE000  }
0x2cf: {  	_ =	swait.ge [sflag:s24], $0x2000  }
0x2d0: {  	[sflag:s24] =	ssyncset.done $0x0  }
0x2d1: {  	s7 =	simm.s32 $0xC80;
	[sflag:s24] =	ssyncadd.s32 $0xFFFFE000  }
0x2d2: {  	[spmem:s3] =	stream.indirect.scatter.add.f32 [tilespmem:s22], [sflag:$0x3], $0x80, s7, s19, $0xb8;
	[tilespmem:$0x19000] =	vst v63  }
0x2d3: {  	_ =	swait.ge [sflag:s17], $0x2000  }
0x2d4: {  	[sflag:s17] =	ssyncset.done $0x0  }
0x2d5: {  	s7 =	simm.s32 $0x500;
	[sflag:s17] =	ssyncadd.s32 $0xFFFFE000  }
0x2d6: {  	[tilespmem:s20], [sflag:$0x1] =	stream.indirect.gather [hbm4b:s1+s19], $0x80, s7, s19, $0xb8;
	[tilespmem:$0x19000] =	vst v63  }
0x2d7: {  	s7 =	simm.s32 $0x580  }
0x2d8: {  	[tilespmem:s22], [sflag:$0x2] =	stream.indirect.gather [hbm4b:s1+s19], $0x80, s7, s19, $0xb8;
	[tilespmem:$0x19000] =	vst v63  }
0x2d9: {  	_ =	swait.ge [sflag:s23], $0x2000  }
0x2da: {  	[sflag:s23] =	ssyncset.done $0x0  }
0x2db: {  	s7 =	simm.s32 $0xD00;
	[sflag:s23] =	ssyncadd.s32 $0xFFFFE000  }
0x2dc: {  	[spmem:s3] =	stream.indirect.scatter.add.f32 [tilespmem:s20], [sflag:$0x3], $0x80, s7, s19, $0xb8;
	[tilespmem:$0x19000] =	vst v63  }
0x2dd: {  	_ =	swait.ge [sflag:s17], $0x2000  }
0x2de: {  	[sflag:s17] =	ssyncset.done $0x0  }
0x2df: {  	[sflag:s17] =	ssyncadd.s32 $0xFFFFE000  }
0x2e0: {  	_ =	swait.ge [sflag:s24], $0x2000  }
0x2e1: {  	[sflag:s24] =	ssyncset.done $0x0  }
0x2e2: {  	s7 =	simm.s32 $0xD80;
	[sflag:s24] =	ssyncadd.s32 $0xFFFFE000  }
0x2e3: {  	[spmem:s3] =	stream.indirect.scatter.add.f32 [tilespmem:s22], [sflag:$0x3], $0x80, s7, s19, $0xb8;
	[tilespmem:$0x19000] =	vst v63  }
0x2e4: {  	_ =	swait.ge [sflag:s17], $0x2000  }
0x2e5: {  	[sflag:s17] =	ssyncset.done $0x0  }
0x2e6: {  	s7 =	simm.s32 $0x600;
	[sflag:s17] =	ssyncadd.s32 $0xFFFFE000  }
0x2e7: {  	[tilespmem:s20], [sflag:$0x1] =	stream.indirect.gather [hbm4b:s1+s19], $0x80, s7, s19, $0xb8;
	[tilespmem:$0x19000] =	vst v63  }
0x2e8: {  	s7 =	simm.s32 $0x680  }
0x2e9: {  	[tilespmem:s22], [sflag:$0x2] =	stream.indirect.gather [hbm4b:s1+s19], $0x80, s7, s19, $0xb8;
	[tilespmem:$0x19000] =	vst v63  }
0x2ea: {  	_ =	swait.ge [sflag:s23], $0x2000  }
0x2eb: {  	[sflag:s23] =	ssyncset.done $0x0  }
0x2ec: {  	s7 =	simm.s32 $0xE00;
	[sflag:s23] =	ssyncadd.s32 $0xFFFFE000  }
0x2ed: {  	[spmem:s3] =	stream.indirect.scatter.add.f32 [tilespmem:s20], [sflag:$0x3], $0x80, s7, s19, $0xb8;
	[tilespmem:$0x19000] =	vst v63  }
0x2ee: {  	_ =	swait.ge [sflag:s17], $0x2000  }
0x2ef: {  	[sflag:s17] =	ssyncset.done $0x0  }
0x2f0: {  	[sflag:s17] =	ssyncadd.s32 $0xFFFFE000  }
0x2f1: {  	_ =	swait.ge [sflag:s24], $0x2000  }
0x2f2: {  	[sflag:s24] =	ssyncset.done $0x0  }
0x2f3: {  	s7 =	simm.s32 $0xE80;
	[sflag:s24] =	ssyncadd.s32 $0xFFFFE000  }
0x2f4: {  	[spmem:s3] =	stream.indirect.scatter.add.f32 [tilespmem:s22], [sflag:$0x3], $0x80, s7, s19, $0xb8;
	[tilespmem:$0x19000] =	vst v63  }
0x2f5: {  	_ =	swait.ge [sflag:s17], $0x2000  }
0x2f6: {  	[sflag:s17] =	ssyncset.done $0x0  }
0x2f7: {  	s7 =	simm.s32 $0x700;
	[sflag:s17] =	ssyncadd.s32 $0xFFFFE000  }
0x2f8: {  	[tilespmem:s20], [sflag:$0x1] =	stream.indirect.gather [hbm4b:s1+s19], $0x80, s7, s19, $0xb8;
	[tilespmem:$0x19000] =	vst v63  }
0x2f9: {  	s7 =	simm.s32 $0x780  }
0x2fa: {  	[tilespmem:s22], [sflag:$0x2] =	stream.indirect.gather [hbm4b:s1+s19], $0x80, s7, s19, $0xb8;
	[tilespmem:$0x19000] =	vst v63  }
0x2fb: {  	_ =	swait.ge [sflag:s23], $0x2000  }
0x2fc: {  	[sflag:s23] =	ssyncset.done $0x0  }
0x2fd: {  	s7 =	simm.s32 $0xF00;
	[sflag:s23] =	ssyncadd.s32 $0xFFFFE000  }
0x2fe: {  	[spmem:s3] =	stream.indirect.scatter.add.f32 [tilespmem:s20], [sflag:$0x3], $0x80, s7, s19, $0xb8;
	[tilespmem:$0x19000] =	vst v63  }
0x2ff: {  	_ =	swait.ge [sflag:s17], $0x2000  }
0x300: {  	[sflag:s17] =	ssyncset.done $0x0  }
0x301: {  	[sflag:s17] =	ssyncadd.s32 $0xFFFFE000  }
0x302: {  	_ =	swait.ge [sflag:s24], $0x2000  }
.Ltmp5:
0x303: {  	[sflag:s24] =	ssyncset.done $0x0;
	(pc) =	sbr.rel @!p1 .LBB2_3-.Ltmp5, $4  }
0x304: {  	s7 =	simm.s32 $0xF80;
	[sflag:s24] =	ssyncadd.s32 $0xFFFFE000  }
0x305: {  	[spmem:s3] =	stream.indirect.scatter.add.f32 [tilespmem:s22], [sflag:$0x3], $0x80, s7, s19, $0xb8;
	[tilespmem:$0x19000] =	vst v63  }
0x306: {  	_ =	swait.ge [sflag:s17], $0x2000  }
0x307: {  	s12 =	smov.u32 s11;
	[sflag:s17] =	ssyncset.done $0x0  }
0x308: {  	s7 =	sadd.s32 s8, s14;
	[sflag:s17] =	ssyncadd.s32 $0xFFFFE000  }
0x309: {  	[tilespmem:s4], [sflag:$0x3] =	stream.linear.gather [hbm4b:s7+s4], $0x800, $0x38;
	[tilespmem:$0x19000] =	vst v63  }
0x30a: {  	_ =	swait.ge [sflag:s17], $0x800  }
0x30b: {  	[sflag:s17] =	ssyncset.done $0x0  }
0x30c: {  	s12 =	sadd.s32 s8, s13;
	[sflag:s17] =	ssyncadd.s32 $0xFFFFF800  }
0x30d: {  	[tilespmem:s18], [sflag:$0x3] =	stream.linear.gather [hbm4b:s12+s4], $0x800, $0x38;
	[tilespmem:$0x19000] =	vst v63  }
0x30e: {  	_ =	swait.ge [sflag:s17], $0x800  }
0x30f: {  	[sflag:s17] =	ssyncset.done $0x0  }
0x310: {  	[sflag:s17] =	ssyncadd.s32 $0xFFFFF800  }
0x311: {  	[tilespmem:s20], [sflag:$0x1] =	stream.indirect.gather [hbm4b:s1+s19], $0x80, s4, s19, $0xb8;
	[tilespmem:$0x19000] =	vst v63  }
0x312: {  	_ = 	snop  }
0x313: {  	[tilespmem:s22], [sflag:$0x2] =	stream.indirect.gather [hbm4b:s1+s19], $0x80, s15, s19, $0xb8;
	[tilespmem:$0x19000] =	vst v63  }
0x314: {  	_ =	swait.ge [sflag:s23], $0x2000  }
0x315: {  	[sflag:s23] =	ssyncset.done $0x0  }
0x316: {  	[sflag:s23] =	ssyncadd.s32 $0xFFFFE000  }
0x317: {  	[spmem:s3] =	stream.indirect.scatter.add.f32 [tilespmem:s20], [sflag:$0x3], $0x80, s18, s19, $0xb8;
	[tilespmem:$0x19000] =	vst v63  }
0x318: {  	_ =	swait.ge [sflag:s17], $0x2000  }
0x319: {  	[sflag:s17] =	ssyncset.done $0x0  }
0x31a: {  	[sflag:s17] =	ssyncadd.s32 $0xFFFFE000  }
0x31b: {  	_ =	swait.ge [sflag:s24], $0x2000  }
0x31c: {  	[sflag:s24] =	ssyncset.done $0x0  }
0x31d: {  	[sflag:s24] =	ssyncadd.s32 $0xFFFFE000  }
0x31e: {  	[spmem:s3] =	stream.indirect.scatter.add.f32 [tilespmem:s22], [sflag:$0x3], $0x80, s16, s19, $0xb8;
	[tilespmem:$0x19000] =	vst v63  }
0x31f: {  	_ =	swait.ge [sflag:s17], $0x2000  }
0x320: {  	[sflag:s17] =	ssyncset.done $0x0  }
0x321: {  	[sflag:s17] =	ssyncadd.s32 $0xFFFFE000  }
0x322: {  	[tilespmem:s20], [sflag:$0x1] =	stream.indirect.gather [hbm4b:s1+s19], $0x80, s21, s19, $0xb8;
	[tilespmem:$0x19000] =	vst v63  }
0x323: {  	_ = 	snop  }
0x324: {  	[tilespmem:s22], [sflag:$0x2] =	stream.indirect.gather [hbm4b:s1+s19], $0x80, s25, s19, $0xb8;
	[tilespmem:$0x19000] =	vst v63  }
0x325: {  	_ =	swait.ge [sflag:s23], $0x2000  }
0x326: {  	[sflag:s23] =	ssyncset.done $0x0  }
0x327: {  	[sflag:s23] =	ssyncadd.s32 $0xFFFFE000  }
0x328: {  	[spmem:s3] =	stream.indirect.scatter.add.f32 [tilespmem:s20], [sflag:$0x3], $0x80, s26, s19, $0xb8;
	[tilespmem:$0x19000] =	vst v63  }
0x329: {  	_ =	swait.ge [sflag:s17], $0x2000  }
0x32a: {  	[sflag:s17] =	ssyncset.done $0x0  }
0x32b: {  	[sflag:s17] =	ssyncadd.s32 $0xFFFFE000  }
0x32c: {  	_ =	swait.ge [sflag:s24], $0x2000  }
0x32d: {  	[sflag:s24] =	ssyncset.done $0x0  }
0x32e: {  	[sflag:s24] =	ssyncadd.s32 $0xFFFFE000  }
0x32f: {  	[spmem:s3] =	stream.indirect.scatter.add.f32 [tilespmem:s22], [sflag:$0x3], $0x80, s28, s19, $0xb8;
	[tilespmem:$0x19000] =	vst v63  }
0x330: {  	_ =	swait.ge [sflag:s17], $0x2000  }
0x331: {  	[sflag:s17] =	ssyncset.done $0x0  }
0x332: {  	[sflag:s17] =	ssyncadd.s32 $0xFFFFE000  }
0x333: {  	[tilespmem:s20], [sflag:$0x1] =	stream.indirect.gather [hbm4b:s1+s19], $0x80, s29, s19, $0xb8;
	[tilespmem:$0x19000] =	vst v63  }
0x334: {  	_ = 	snop  }
0x335: {  	[tilespmem:s22], [sflag:$0x2] =	stream.indirect.gather [hbm4b:s1+s19], $0x80, s30, s19, $0xb8;
	[tilespmem:$0x19000] =	vst v63  }
0x336: {  	_ =	swait.ge [sflag:s23], $0x2000  }
0x337: {  	[sflag:s23] =	ssyncset.done $0x0  }
0x338: {  	[sflag:s23] =	ssyncadd.s32 $0xFFFFE000  }
0x339: {  	[spmem:s3] =	stream.indirect.scatter.add.f32 [tilespmem:s20], [sflag:$0x3], $0x80, s31, s19, $0xb8;
	[tilespmem:$0x19000] =	vst v63  }
0x33a: {  	_ =	swait.ge [sflag:s17], $0x2000  }
0x33b: {  	[sflag:s17] =	ssyncset.done $0x0  }
0x33c: {  	[sflag:s17] =	ssyncadd.s32 $0xFFFFE000  }
0x33d: {  	_ =	swait.ge [sflag:s24], $0x2000  }
0x33e: {  	[sflag:s24] =	ssyncset.done $0x0  }
0x33f: {  	[sflag:s24] =	ssyncadd.s32 $0xFFFFE000  }
0x340: {  	[spmem:s3] =	stream.indirect.scatter.add.f32 [tilespmem:s22], [sflag:$0x3], $0x80, s0, s19, $0xb8;
	[tilespmem:$0x19000] =	vst v63  }
0x341: {  	_ =	swait.ge [sflag:s17], $0x2000  }
0x342: {  	[sflag:s17] =	ssyncset.done $0x0  }
0x343: {  	[sflag:s17] =	ssyncadd.s32 $0xFFFFE000  }
0x344: {  	[tilespmem:s20], [sflag:$0x1] =	stream.indirect.gather [hbm4b:s1+s19], $0x80, s2, s19, $0xb8;
	[tilespmem:$0x19000] =	vst v63  }
0x345: {  	_ = 	snop  }
0x346: {  	[tilespmem:s22], [sflag:$0x2] =	stream.indirect.gather [hbm4b:s1+s19], $0x80, s9, s19, $0xb8;
	[tilespmem:$0x19000] =	vst v63  }
0x347: {  	_ =	swait.ge [sflag:s23], $0x2000  }
0x348: {  	[sflag:s23] =	ssyncset.done $0x0  }
0x349: {  	[sflag:s23] =	ssyncadd.s32 $0xFFFFE000  }
0x34a: {  	[spmem:s3] =	stream.indirect.scatter.add.f32 [tilespmem:s20], [sflag:$0x3], $0x80, s10, s19, $0xb8;
	[tilespmem:$0x19000] =	vst v63  }
0x34b: {  	_ =	swait.ge [sflag:s17], $0x2000  }
0x34c: {  	[sflag:s17] =	ssyncset.done $0x0  }
0x34d: {  	[sflag:s17] =	ssyncadd.s32 $0xFFFFE000  }
0x34e: {  	_ =	swait.ge [sflag:s24], $0x2000  }
0x34f: {  	[sflag:s24] =	ssyncset.done $0x0  }
0x350: {  	[sflag:s24] =	ssyncadd.s32 $0xFFFFE000  }
0x351: {  	[spmem:s3] =	stream.indirect.scatter.add.f32 [tilespmem:s22], [sflag:$0x3], $0x80, s6, s19, $0xb8;
	[tilespmem:$0x19000] =	vst v63  }
0x352: {  	_ =	swait.ge [sflag:s17], $0x2000  }
0x353: {  	[sflag:s17] =	ssyncset.done $0x0  }
0x354: {  	s16 =	simm.s32 $0x400;
	[sflag:s17] =	ssyncadd.s32 $0xFFFFE000  }
0x355: {  	[tilespmem:s20], [sflag:$0x1] =	stream.indirect.gather [hbm4b:s1+s19], $0x80, s16, s19, $0xb8;
	[tilespmem:$0x19000] =	vst v63  }
0x356: {  	s21 =	simm.s32 $0x480  }
0x357: {  	[tilespmem:s22], [sflag:$0x2] =	stream.indirect.gather [hbm4b:s1+s19], $0x80, s21, s19, $0xb8;
	[tilespmem:$0x19000] =	vst v63  }
0x358: {  	_ =	swait.ge [sflag:s23], $0x2000  }
0x359: {  	[sflag:s23] =	ssyncset.done $0x0  }
0x35a: {  	s25 =	simm.s32 $0xC00;
	[sflag:s23] =	ssyncadd.s32 $0xFFFFE000  }
0x35b: {  	[spmem:s3] =	stream.indirect.scatter.add.f32 [tilespmem:s20], [sflag:$0x3], $0x80, s25, s19, $0xb8;
	[tilespmem:$0x19000] =	vst v63  }
0x35c: {  	_ =	swait.ge [sflag:s17], $0x2000  }
0x35d: {  	[sflag:s17] =	ssyncset.done $0x0  }
0x35e: {  	[sflag:s17] =	ssyncadd.s32 $0xFFFFE000  }
0x35f: {  	_ =	swait.ge [sflag:s24], $0x2000  }
0x360: {  	[sflag:s24] =	ssyncset.done $0x0  }
0x361: {  	s26 =	simm.s32 $0xC80;
	[sflag:s24] =	ssyncadd.s32 $0xFFFFE000  }
0x362: {  	[spmem:s3] =	stream.indirect.scatter.add.f32 [tilespmem:s22], [sflag:$0x3], $0x80, s26, s19, $0xb8;
	[tilespmem:$0x19000] =	vst v63  }
0x363: {  	_ =	swait.ge [sflag:s17], $0x2000  }
0x364: {  	[sflag:s17] =	ssyncset.done $0x0  }
0x365: {  	s2 =	simm.s32 $0x500;
	[sflag:s17] =	ssyncadd.s32 $0xFFFFE000  }
0x366: {  	[tilespmem:s20], [sflag:$0x1] =	stream.indirect.gather [hbm4b:s1+s19], $0x80, s2, s19, $0xb8;
	[tilespmem:$0x19000] =	vst v63  }
0x367: {  	s6 =	simm.s32 $0x580  }
0x368: {  	[tilespmem:s22], [sflag:$0x2] =	stream.indirect.gather [hbm4b:s1+s19], $0x80, s6, s19, $0xb8;
	[tilespmem:$0x19000] =	vst v63  }
0x369: {  	_ =	swait.ge [sflag:s23], $0x2000  }
0x36a: {  	[sflag:s23] =	ssyncset.done $0x0  }
0x36b: {  	s7 =	simm.s32 $0xD00;
	[sflag:s23] =	ssyncadd.s32 $0xFFFFE000  }
0x36c: {  	[spmem:s3] =	stream.indirect.scatter.add.f32 [tilespmem:s20], [sflag:$0x3], $0x80, s7, s19, $0xb8;
	[tilespmem:$0x19000] =	vst v63  }
0x36d: {  	_ =	swait.ge [sflag:s17], $0x2000  }
0x36e: {  	[sflag:s17] =	ssyncset.done $0x0  }
0x36f: {  	[sflag:s17] =	ssyncadd.s32 $0xFFFFE000  }
0x370: {  	_ =	swait.ge [sflag:s24], $0x2000  }
0x371: {  	[sflag:s24] =	ssyncset.done $0x0  }
0x372: {  	s8 =	simm.s32 $0xD80;
	[sflag:s24] =	ssyncadd.s32 $0xFFFFE000  }
0x373: {  	[spmem:s3] =	stream.indirect.scatter.add.f32 [tilespmem:s22], [sflag:$0x3], $0x80, s8, s19, $0xb8;
	[tilespmem:$0x19000] =	vst v63  }
0x374: {  	_ =	swait.ge [sflag:s17], $0x2000  }
0x375: {  	[sflag:s17] =	ssyncset.done $0x0  }
0x376: {  	s9 =	simm.s32 $0x600;
	[sflag:s17] =	ssyncadd.s32 $0xFFFFE000  }
0x377: {  	[tilespmem:s20], [sflag:$0x1] =	stream.indirect.gather [hbm4b:s1+s19], $0x80, s9, s19, $0xb8;
	[tilespmem:$0x19000] =	vst v63  }
0x378: {  	s10 =	simm.s32 $0x680  }
0x379: {  	[tilespmem:s22], [sflag:$0x2] =	stream.indirect.gather [hbm4b:s1+s19], $0x80, s10, s19, $0xb8;
	[tilespmem:$0x19000] =	vst v63  }
0x37a: {  	_ =	swait.ge [sflag:s23], $0x2000  }
0x37b: {  	[sflag:s23] =	ssyncset.done $0x0  }
0x37c: {  	s11 =	simm.s32 $0xE00;
	[sflag:s23] =	ssyncadd.s32 $0xFFFFE000  }
0x37d: {  	[spmem:s3] =	stream.indirect.scatter.add.f32 [tilespmem:s20], [sflag:$0x3], $0x80, s11, s19, $0xb8;
	[tilespmem:$0x19000] =	vst v63  }
0x37e: {  	_ =	swait.ge [sflag:s17], $0x2000  }
0x37f: {  	[sflag:s17] =	ssyncset.done $0x0  }
0x380: {  	[sflag:s17] =	ssyncadd.s32 $0xFFFFE000  }
0x381: {  	_ =	swait.ge [sflag:s24], $0x2000  }
0x382: {  	[sflag:s24] =	ssyncset.done $0x0  }
0x383: {  	s12 =	simm.s32 $0xE80;
	[sflag:s24] =	ssyncadd.s32 $0xFFFFE000  }
0x384: {  	[spmem:s3] =	stream.indirect.scatter.add.f32 [tilespmem:s22], [sflag:$0x3], $0x80, s12, s19, $0xb8;
	[tilespmem:$0x19000] =	vst v63  }
0x385: {  	_ =	swait.ge [sflag:s17], $0x2000  }
0x386: {  	[sflag:s17] =	ssyncset.done $0x0  }
0x387: {  	s16 =	simm.s32 $0x700;
	[sflag:s17] =	ssyncadd.s32 $0xFFFFE000  }
0x388: {  	[tilespmem:s20], [sflag:$0x1] =	stream.indirect.gather [hbm4b:s1+s19], $0x80, s16, s19, $0xb8;
	[tilespmem:$0x19000] =	vst v63  }
0x389: {  	s21 =	simm.s32 $0x780  }
0x38a: {  	[tilespmem:s22], [sflag:$0x2] =	stream.indirect.gather [hbm4b:s1+s19], $0x80, s21, s19, $0xb8;
	[tilespmem:$0x19000] =	vst v63  }
0x38b: {  	_ =	swait.ge [sflag:s23], $0x2000  }
0x38c: {  	[sflag:s23] =	ssyncset.done $0x0  }
0x38d: {  	s25 =	simm.s32 $0xF00;
	[sflag:s23] =	ssyncadd.s32 $0xFFFFE000  }
0x38e: {  	[spmem:s3] =	stream.indirect.scatter.add.f32 [tilespmem:s20], [sflag:$0x3], $0x80, s25, s19, $0xb8;
	[tilespmem:$0x19000] =	vst v63  }
0x38f: {  	_ =	swait.ge [sflag:s17], $0x2000  }
0x390: {  	[sflag:s17] =	ssyncset.done $0x0  }
0x391: {  	[sflag:s17] =	ssyncadd.s32 $0xFFFFE000  }
0x392: {  	s28 =	simm.s32 $0x200;
	_ =	swait.ge [sflag:s24], $0x2000  }
0x393: {  	s29 =	simm.s32 $0x280;
	s30 =	simm.s32 $0xA00;
	[sflag:s24] =	ssyncset.done $0x0  }
0x394: {  	s0 =	simm.s32 $0xA80;
	s26 =	simm.s32 $0xF80;
	[sflag:s24] =	ssyncadd.s32 $0xFFFFE000  }
0x395: {  	[spmem:s3] =	stream.indirect.scatter.add.f32 [tilespmem:s22], [sflag:$0x3], $0x80, s26, s19, $0xb8;
	[tilespmem:$0x19000] =	vst v63  }
.Ltmp6:
0x396: {  	s2 =	simm.s32 $0x300;
	s9 =	simm.s32 $0x380;
	(pc) =	sbr.rel .LBB2_8-.Ltmp6, $4  }
0x397: {  	s10 =	simm.s32 $0xB00;
	s12 =	simm.s32 $0x880;
	_ =	swait.ge [sflag:s17], $0x2000  }
0x398: {  	s16 =	simm.s32 $0x100;
	s21 =	simm.s32 $0x180;
	s8 =	rddreg [dreg:$0x4]  }
0x399: {  	s25 =	simm.s32 $0x900;
	[sflag:s17] =	ssyncset.done $0x0;
	s31 =	rddreg [dreg:$0xd]  }
0x39a: {  	s26 =	simm.s32 $0x980;
	s6 =	rddreg [dreg:$0xe];
	[sflag:s17] =	ssyncadd.s32 $0xFFFFE000  }
.LBB2_9:
0x39b: {  	_ =	sfence.sel $0x180000  }
0x39c: {  	[bflag:$0x0] =	sbarrier.arrive $0xFFFF  }
0x39d: {  	_ =	strace $0x9000004D  }
0x39e: {  	s0 =	stileid.u32;
	[bflag:$0x2] =	sbarrier.arrive $0xFFFF  }
0x39f: {  	p0 =	sne.s32 s0, $0x0;
	s0 =	rddreg [dreg:$0x3]  }
0x3a0: {  	s0 =	sadd.s32 @!p0 $0x100000, s0  }
0x3a1: {  	[sflag:s0] =	ssyncadd.tile.s32 @!p0 $0x1;
	_ =	shalt  }
.Lfunc_end2:
_tile_overlayer_lowered:
.L_overlay_start_2:
0x3a2: {  	(tag) =	ssettag $0x2  }
0x3a3: {  	s0 =	rddreg [dreg:$0x0];
	s2 =	stileid.u32  }
0x3a4: {  	s1 =	rddreg [dreg:$0x1];
	p0 =	sne.s32 s2, $0x0  }
0x3a5: {  	s3 =	rddreg [dreg:$0x2];
	[bflag:$0x3] =	sbarrier.arrive $0xFFFF;
	s2 =	simm.s32 @!p0 $0x1C03  }
0x3a6: {  	[timem:s3], [sflag:s2] =	dma.local @!p0 [hbm:s0], s1  }
0x3a7: {  	s0 =	simm.s32 @!p0 $0x3  }
0x3a8: {  	_ =	swait.ge @!p0 [sflag:s0], s1  }
0x3a9: {  	s1 =	ssub.s32 @!p0 $0x0, s1;
	[sflag:s0] =	ssyncset.done @!p0 $0x0  }
0x3aa: {  	[sflag:s0] =	ssyncadd.s32 @!p0 s1  }
0x3ab: {  	[bflag:$0x3] =	sbarrier.arrive $0xFFFF  }
0x3ac: {  	_ =	shalt  }

// kernel: kernel.8.cloned.1.call-start
scs
__scs_entry_jumppad:
0x0: {  	(pc) =	sbr.rel $0x88, $3  }
0x1: {  	(tag) =	ssettag $0x0;
	lr =	simm.s32 $0x1  }
0x2: {  	[smem:$0x3F9B] =	sst lr;
	_ =	strace $0xD0000000  }
0x3: {  	_ = 	snop  }
0x4: {  	_ = 	snop  }
0x5: {  	_ = 	snop  }
0x6: {  	_ = 	snop  }
0x7: {  	_ = 	snop  }
__scs_overlays_trampoline_lowered:
0x8: {  	[smem:$0x3FAA] =	sst s0  }
0x9: {  	[smem:$0x3FAB] =	sst s1  }
0xa: {  	[smem:$0x3FAC] =	sst s2  }
0xb: {  	[smem:$0x3FAD] =	sst s3  }
0xc: {  	[smem:$0x3FAE] =	sst s4  }
0xd: {  	[smem:$0x3FAF] =	sst s5  }
0xe: {  	[smem:$0x3FB0] =	sst s6  }
0xf: {  	[smem:$0x3FB1] =	sst s7  }
0x10: {  	[smem:$0x3FB2] =	sst s8  }
0x11: {  	[smem:$0x3FB3] =	sst s9;
	s0 =	simm.s32 @!p0 $0x0  }
0x12: {  	s1 =	sld [smem:$0x3F99];
	s0 =	simm.s32 @p0 $0x1  }
0x13: {  	[smem:$0x3FB4] =	sst s0;
	s0 =	simm.s32 @!p1 $0x0  }
0x14: {  	s2 =	sld [smem:$0x3F98];
	s0 =	simm.s32 @p1 $0x1  }
0x15: {  	[smem:$0x3FB5] =	sst s0;
	s0 =	simm.s32 @!p2 $0x0  }
0x16: {  	s3 =	sld [smem:$0x3FDB];
	s0 =	simm.s32 @p2 $0x1  }
0x17: {  	s4 =	simm.s32 $0x1BF5;
	[smem:$0x3FB7] =	sst s0  }
0x18: {  	s0 =	sld [smem:$0x3F9A];
	_ =	swait.ge [sflag:s4], $0x0  }
0x19: {  	s7 =	sld [smem:$0x3F9B]  }
0x1a: {  	s8 =	sadd.s32 $0xFFFFE003, lr  }
0x1b: {  	s9 =	sadd.s32 $0xFFFFFEF7, lr;
	s5 =	simm.s32 $0xFFFFFFFF;
	p2 =	slt.u32 s8, $0xFFFFF086  }
0x1c: {  	p1 =	slt.u32 s9, $0xF7A;
	s5 =	simm.s32 @!p2 $0x0  }
0x1d: {  	s5 =	simm.s32 @p1 $0x1;
	p0 =	seq.s32 s7, s2  }
0x1e: {  	s7 =	smul.u32 @!p0 $0xF7A, s2;
	p2 =	seq.s32 @!p0 s5, $0x0  }
0x1f: {  	s9 =	smul.u32 $0xF7A, s1;
	s8 =	simm.s32 @!p0 $0x1BF5;
	p2 =	por !p2, p0  }
0x20: {  	[sflag:s8] =	ssyncset.s32 @!p0 $0xFFFFF086;
	s6 =	sadd.s32 @!p0 s3, s7;
	s7 =	simm.s32 @!p0 $0x108  }
0x21: {  	s3 =	sadd.s32 s3, s9;
	s6 =	sadd.s32 @!p0 $0x88, s6;
	s7 =	simm.s32 @p2 $0x1082  }
0x22: {  	[simem:s7], [sflag:s8] =	dma.local @!p0 [hbm:s6], $0xF7A  }
0x23: {  	s9 =	sor.u32 $0xD0000000, s2;
	s6 =	simm.s32 $0x108;
	_ =	swait.ge @!p0 [sflag:s8], $0x0  }
0x24: {  	s3 =	sadd.s32 $0x88, s3;
	s6 =	simm.s32 @!p1 $0x1082;
	[sflag:s4] =	ssyncset.s32 $0xFFFFF086  }
0x25: {  	[simem:s6], [sflag:s4] =	dma.local [hbm:s3], $0xF7A  }
0x26: {  	[smem:$0x3F9B] =	sst s1;
	(tag) =	ssettag s2;
	_ =	strace s9  }
0x27: {  	s1 =	sld [smem:$0x3FAB]  }
0x28: {  	s2 =	sld [smem:$0x3FAC]  }
0x29: {  	s4 =	sld [smem:$0x3FAE]  }
0x2a: {  	p0 =	seq.s32 s5, $0x0;
	s5 =	sld [smem:$0x3FAF]  }
0x2b: {  	s6 =	sld [smem:$0x3FB0]  }
0x2c: {  	s7 =	sld [smem:$0x3FB1]  }
0x2d: {  	s3 =	simm.s32 $0x108;
	s8 =	sld [smem:$0x3FB2]  }
0x2e: {  	s3 =	simm.s32 @!p0 $0x1082;
	s9 =	sld [smem:$0x3FB3]  }
0x2f: {  	lr =	sadd.s32 s0, s3;
	s0 =	sld [smem:$0x3FAA]  }
0x30: {  	s3 =	sld [smem:$0x3FAD]  }
0x31: {  	[smem:$0x3FB6] =	sst s10  }
0x32: {  	s10 =	sld [smem:$0x3FB4];
	_ =	sdelay $0x3  }
0x33: {  	p0 =	seq.s32 s10, $0x1;
	s10 =	sld [smem:$0x3FB6];
	_ =	sdelay $0x3  }
0x34: {  	[smem:$0x3FB6] =	sst s10  }
0x35: {  	s10 =	sld [smem:$0x3FB5];
	_ =	sdelay $0x3  }
0x36: {  	p1 =	seq.s32 s10, $0x1;
	s10 =	sld [smem:$0x3FB6];
	_ =	sdelay $0x3  }
0x37: {  	[smem:$0x3FB6] =	sst s10  }
0x38: {  	s10 =	sld [smem:$0x3FB7]  }
0x39: {  	_ = 	snop;
	(pc) =	sbr.ind lr, $3  }
0x3a: {  	_ = 	snop  }
0x3b: {  	_ = 	snop  }
0x3c: {  	p2 =	seq.s32 s10, $0x1;
	s10 =	sld [smem:$0x3FB6]  }
0x3d: {  	_ =	shalt  }
0x3e: {  	_ =	shalt  }
0x3f: {  	_ =	shalt  }
0x40: {  	_ =	shalt  }
0x41: {  	_ =	shalt  }
0x42: {  	_ =	shalt  }
0x43: {  	_ =	shalt  }
0x44: {  	_ =	shalt  }
0x45: {  	_ =	shalt  }
0x46: {  	_ =	shalt  }
0x47: {  	_ =	shalt  }
0x48: {  	_ =	shalt  }
0x49: {  	_ =	shalt  }
0x4a: {  	_ =	shalt  }
0x4b: {  	_ =	shalt  }
0x4c: {  	_ =	shalt  }
0x4d: {  	_ =	shalt  }
0x4e: {  	_ =	shalt  }
0x4f: {  	_ =	shalt  }
0x50: {  	_ =	shalt  }
0x51: {  	_ =	shalt  }
0x52: {  	_ =	shalt  }
0x53: {  	_ =	shalt  }
0x54: {  	_ =	shalt  }
0x55: {  	_ =	shalt  }
0x56: {  	_ =	shalt  }
0x57: {  	_ =	shalt  }
0x58: {  	_ =	shalt  }
0x59: {  	_ =	shalt  }
0x5a: {  	_ =	shalt  }
0x5b: {  	_ =	shalt  }
0x5c: {  	_ =	shalt  }
0x5d: {  	_ =	shalt  }
0x5e: {  	_ =	shalt  }
0x5f: {  	_ =	shalt  }
0x60: {  	_ =	shalt  }
0x61: {  	_ =	shalt  }
0x62: {  	_ =	shalt  }
0x63: {  	_ =	shalt  }
0x64: {  	_ =	shalt  }
0x65: {  	_ =	shalt  }
0x66: {  	_ =	shalt  }
0x67: {  	_ =	shalt  }
0x68: {  	_ =	shalt  }
0x69: {  	_ =	shalt  }
0x6a: {  	_ =	shalt  }
0x6b: {  	_ =	shalt  }
0x6c: {  	_ =	shalt  }
0x6d: {  	_ =	shalt  }
0x6e: {  	_ =	shalt  }
0x6f: {  	_ =	shalt  }
0x70: {  	_ =	shalt  }
0x71: {  	_ =	shalt  }
0x72: {  	_ =	shalt  }
0x73: {  	_ =	shalt  }
0x74: {  	_ =	shalt  }
0x75: {  	_ =	shalt  }
0x76: {  	_ =	shalt  }
0x77: {  	_ =	shalt  }
0x78: {  	_ =	shalt  }
0x79: {  	_ =	shalt  }
0x7a: {  	_ =	shalt  }
0x7b: {  	_ =	shalt  }
0x7c: {  	_ =	shalt  }
0x7d: {  	_ =	shalt  }
0x7e: {  	_ =	shalt  }
0x7f: {  	_ =	shalt  }
0x80: {  	_ =	shalt  }
0x81: {  	_ =	shalt  }
0x82: {  	_ =	shalt  }
0x83: {  	_ =	shalt  }
0x84: {  	_ =	shalt  }
0x85: {  	_ =	shalt  }
0x86: {  	_ =	shalt  }
0x87: {  	_ =	shalt  }
.Lfunc_end0:
.L_simem_size_0:
called_computation_lowered:
.L_overlay_start_0:
0x88: {  	s2 =	sld [smem:$0x3FD9]  }
0x89: {  	s3 =	sld [smem:$0x3FFE];
	_ =	sdelay $0x1  }
0x8a: {  	s1 =	srdreg.scid  }
0x8b: {  	s0 =	sand.u32 $0x1, s1  }
0x8c: {  	s17 =	sshll.u32 s0, $0xA;
	s2 =	sadd.s32 s3, s2  }
0x8d: {  	s2 =	sadd.s32 s2, s17  }
0x8e: {  	[smem:$0x3FC2] =	sst s2  }
0x8f: {  	_ = 	snop  }
0x90: {  	s2 =	sld [smem:$0x3FD0];
	(tm) =	ssettm $0x1  }
0x91: {  	s18 =	sld [smem:$0x3FFB];
	_ =	sdelay $0x3  }
0x92: {  	_ =	strace s18  }
0x93: {  	s3 =	sld [smem:$0x3FFC];
	_ =	sdelay $0x3  }
0x94: {  	_ =	strace s3  }
0x95: {  	s3 =	sld [smem:$0x3FFD];
	_ =	sdelay $0x3  }
0x96: {  	_ =	strace s3  }
0x97: {  	_ =	strace $0x8FFFFFFF  }
0x98: {  	s19 =	sld [smem:$0x3FDB];
	_ =	sdelay $0x1  }
0x99: {  	s4 =	simm.s32 $_scs_section_size  }
0x9a: {  	s5 =	simm.s32 $_size__tile_overlayer_lowered;
	s6 =	simm.s32 $_tile_overlayer_lowered  }
0x9b: {  	s22 =	simm.s32 $0x1BFF;
	s21 =	sshll.u32 s6, $0x1;
	s3 =	sadd.s32 s4, s19  }
0x9c: {  	s7 =	simm.s32 $0x0;
	s20 =	sshll.u32 s5, $0x1;
	s5 =	sadd.s32 s21, s3  }
0x9d: {  	[timem:s7], [sflag:s22] =	dma.local [hbm:s5], s20  }
0x9e: {  	_ =	swait.ge [sflag:s22], s20  }
0x9f: {  	s4 =	ssub.s32 $0x0, s20;
	[sflag:s22] =	ssyncset.done $0x0  }
0xa0: {  	[sflag:s22] =	ssyncadd.s32 s4;
	_ =	sdelay $0x1  }
0xa1: {  	s23 =	simm.s32 $0x1B8B  }
0xa2: {  	_ =	swait.ge [sflag:s23], $0x1  }
0xa3: {  	[sflag:s23] =	ssyncset.done $0x0  }
0xa4: {  	s25 =	simm.s32 $0x1B8E;
	s24 =	sld [smem:$0x3FFE];
	[sflag:s23] =	ssyncadd.s32 $0xFFFFFFFF  }
0xa5: {  	s26 =	simm.s32 $execute0_lowered;
	[smem:$0x3FD2] =	sst s25  }
0xa6: {  	s5 =	sshll.u32 s26, $0x1;
	_ =	strace $0x80000046;
	[dreg:$0x1] =	wrdreg $0xFFFFFFFF  }
0xa7: {  	s28 =	simm.s32 $_size_execute0_lowered;
	s3 =	sadd.s32 s3, s5;
	[dreg:$0x0] =	wrdreg $0x0  }
0xa8: {  	s5 =	sshll.u32 s28, $0x1;
	[dreg:$0x2] =	wrdreg s3  }
0xa9: {  	[dreg:$0x3] =	wrdreg s5  }
0xaa: {  	[dreg:$0x4] =	wrdreg $0xC0  }
0xab: {  	_ =	task [dreg:s7], $0x5FFFF  }
0xac: {  	[dreg:$0x1] =	wrdreg $0xFFFFFFFF  }
0xad: {  	[dreg:$0x0] =	wrdreg $0x60  }
0xae: {  	[dreg:$0x2] =	wrdreg s2  }
0xaf: {  	[dreg:$0x3] =	wrdreg s24  }
0xb0: {  	[dreg:$0x4] =	wrdreg $0x17000  }
0xb1: {  	[dreg:$0x5] =	wrdreg $0x9  }
0xb2: {  	_ =	task.clear_ibuf [dreg:s7], $0x6FFFF;
	_ =	strace $0x90000046  }
0xb3: {  	s29 =	simm.s32 $0x9;
	_ =	strace $0x80000048  }
0xb4: {  	_ =	swait.ge [sflag:s29], $0x1  }
0xb5: {  	[sflag:s29] =	ssyncadd.s32 $0xFFFFFFFF  }
0xb6: {  	_ =	strace $0x90000048  }
0xb7: {  	_ =	sfence  }
0xb8: {  	s30 =	sld [smem:$0x0];
	_ =	sdelay $0x2  }
0xb9: {  	s31 =	sshll.u32 s1, $0xD;
	s1 =	sshrl.u32 s1, $0x2  }
0xba: {  	s3 =	sand.u32 $0x4000, s31;
	s1 =	sadd.s32 s1, s30  }
0xbb: {  	s0 =	sor.u32 s3, s0;
	s1 =	sshll.u32 s1, $0x11  }
0xbc: {  	s0 =	sor.u32 s1, s0  }
0xbd: {  	s0 =	sadd.s32 $0x8F2B, s0  }
0xbe: {  	[sflag:s0] =	ssyncadd.remote.s32 $0x1  }
0xbf: {  	_ =	sfence.sel $0xFFFF  }
0xc0: {  	[dreg:$0x0] =	wrdreg $0xFFFFFFFF;
	(pc) =	sbr.abs _section_cstart, $3  }
0xc1: {  	[dreg:$0x1] =	wrdreg $0xFFFFFFFF  }
0xc2: {  	_ =	task.clear_ibuf [dreg:s7], $0x2FFFF;
	_ =	strace $0x9FFFFFFF  }
0xc3: {  	(tm) =	ssettm $0x7FFFFFFF  }
tec
execute0_lowered:
.L_overlay_start_1:
0x0: {  	(tag) =	ssettag $0x1  }
0x1: {  	s5 =	rddreg [dreg:$0x0]  }
0x2: {  	s4 =	rddreg [dreg:$0x1]  }
0x3: {  	s2 =	rddreg [dreg:$0x2]  }
0x4: {  	s0 =	rddreg [dreg:$0x3]  }
0x5: {  	s6 =	srdreg.scid;
	s1 =	stileid.u32;
	s3 =	simm.s32 $0x0  }
0x6: {  	s14 =	simm.f32 $1.000000000e+00;
	s15 =	simm.s32 $0x10;
	s16 =	simm.s32 $0x0  }
0x7: {  	s6 =	sand.u32 $0x1, s6;
	s7 =	smul.u32 $0x500, s1;
	[smem:$0x7FF] =	sst s3  }
0x8: {  	s9 =	sshll.u32 s1, $0x1;
	s11 =	smul.u32 $0xA00, s1;
	s12 =	sshll.u32 s1, $0x6  }
0x9: {  	s8 =	sshll.u32 s6, $0x7;
	_ =	strace $0x80000047;
	s30 =	ssub.s32 $0x2, s6  }
0xa: {  	s9 =	sor.u32 s6, s9;
	p0 =	seq.s32 s6, $0x0;
	s12 =	sor.u32 $0x1C01, s12  }
0xb: {  	s7 =	sor.u32 s8, s7;
	s10 =	sshrl.u32 s30, $0x1;
	s9 =	smul.u32 $0x280, s9  }
0xc: {  	s31 =	sshrl.u32 s11, $0x2;
	s14 =	simm.s32 @!p0 $0x0;
	s11 =	simm.s32 $0x1400  }
0xd: {  	s7 =	sshrl.u32 s7, $0x3;
	s8 =	ssub.s32 s30, s10;
	s10 =	simm.s32 $0x80  }
0xe: {  	v0 =	vmov s14;
	s14 =	simm.s32 $0x20;
	s7 =	sadd.s32 s7, s4;
	s4 =	sadd.s32 s31, s2  }
0xf: {  	s5 =	sadd.s32 s5, s9;
	s9 =	simm.s32 $0x1;
	s6 =	sadd.s32 $0x2C00, s7  }
0x10: {  	v1 =	vimm.f32 $1.000000000e+00;
	s7 =	smax.u32 s8, $0x1;
	s8 =	simm.s32 $0x1480;
	s13 =	sshrl.u32 s4, $0x3  }
.LBB2_1:
0x11: {  	[tilespmem:$0x1480] =	vst v0  }
0x12: {  	[tilespmem:$0x1490] =	vst v0  }
0x13: {  	[tilespmem:$0x14A0] =	vst v0  }
0x14: {  	[tilespmem:$0x14B0] =	vst v0  }
0x15: {  	[tilespmem:$0x14C0] =	vst v0  }
0x16: {  	[tilespmem:$0x14D0] =	vst v0  }
0x17: {  	[tilespmem:$0x14E0] =	vst v0  }
0x18: {  	[tilespmem:$0x14F0] =	vst v0  }
0x19: {  	[tilespmem:$0x1500] =	vst v0  }
0x1a: {  	[tilespmem:$0x1510] =	vst v0  }
0x1b: {  	[tilespmem:$0x1520] =	vst v0  }
0x1c: {  	[tilespmem:$0x1530] =	vst v0  }
0x1d: {  	[tilespmem:$0x1540] =	vst v0  }
0x1e: {  	[tilespmem:$0x1550] =	vst v0  }
0x1f: {  	[tilespmem:$0x1560] =	vst v0  }
0x20: {  	[tilespmem:$0x1570] =	vst v0  }
0x21: {  	[tilespmem:$0x1580] =	vst v0  }
0x22: {  	[tilespmem:$0x1590] =	vst v0  }
0x23: {  	[tilespmem:$0x15A0] =	vst v0  }
0x24: {  	[tilespmem:$0x15B0] =	vst v0  }
0x25: {  	[tilespmem:$0x15C0] =	vst v0  }
0x26: {  	[tilespmem:$0x15D0] =	vst v0  }
0x27: {  	[tilespmem:$0x15E0] =	vst v0  }
0x28: {  	[tilespmem:$0x15F0] =	vst v0  }
0x29: {  	[tilespmem:$0x1600] =	vst v0  }
0x2a: {  	[tilespmem:$0x1610] =	vst v0  }
0x2b: {  	[tilespmem:$0x1620] =	vst v0  }
0x2c: {  	[tilespmem:$0x1630] =	vst v0  }
0x2d: {  	[tilespmem:$0x1640] =	vst v0  }
0x2e: {  	[tilespmem:$0x1650] =	vst v0  }
0x2f: {  	[tilespmem:$0x1660] =	vst v0  }
0x30: {  	[tilespmem:$0x1670] =	vst v0  }
0x31: {  	[tilespmem:$0x1680] =	vst v0  }
0x32: {  	[tilespmem:$0x1690] =	vst v0  }
0x33: {  	[tilespmem:$0x16A0] =	vst v0  }
0x34: {  	[tilespmem:$0x16B0] =	vst v0  }
0x35: {  	[tilespmem:$0x16C0] =	vst v0  }
0x36: {  	[tilespmem:$0x16D0] =	vst v0  }
0x37: {  	[tilespmem:$0x16E0] =	vst v0  }
0x38: {  	[tilespmem:$0x16F0] =	vst v0  }
0x39: {  	[tilespmem:$0x1400] =	vst v1  }
0x3a: {  	[tilespmem:$0x1410] =	vst v1  }
0x3b: {  	[tilespmem:$0x1420] =	vst v1  }
0x3c: {  	[tilespmem:$0x1430] =	vst v1  }
0x3d: {  	[tilespmem:$0x1440] =	vst v1  }
0x3e: {  	[tilespmem:$0x1450] =	vst v1  }
0x3f: {  	[tilespmem:$0x1460] =	vst v1  }
0x40: {  	[tilespmem:$0x1470] =	vst v1  }
0x41: {  	[spmem:s4] =	stream.linear.scatter [tilespmem:s8], [sflag:$0x1], $0x280, $0x38;
	[tilespmem:$0x1980] =	vst v63  }
0x42: {  	_ =	swait.ge [sflag:s9], $0x280  }
0x43: {  	[sflag:s9] =	ssyncset.done $0x0  }
0x44: {  	[sflag:s9] =	ssyncadd.s32 $0xFFFFFD80  }
0x45: {  	[tilespmem:s3], [sflag:$0x1] =	stream.linear.gather [hbm4b:s5+s3], $0x1400, $0x38;
	[tilespmem:$0x1980] =	vst v63  }
0x46: {  	_ =	swait.ge [sflag:s9], $0x1400  }
0x47: {  	[sflag:s9] =	ssyncset.done $0x0  }
0x48: {  	[sflag:s9] =	ssyncadd.s32 $0xFFFFEC00  }
0x49: {  	s17 =	simm.s32 $0x0;
	[bflag:$0x0] =	sbarrier.arrive $0xFFFF  }
0x4a: {  	[spmem:s2] =	stream.indirect.scatter.add.f32 [tilespmem:s11], [sflag:$0x1], $0x1, s17, s10, $0xb8;
	[tilespmem:$0x1980] =	vst v63  }
0x4b: {  	_ =	swait.ge [sflag:s9], $0x80  }
0x4c: {  	s17 =	simm.s32 $0x200;
	[sflag:s9] =	ssyncset.done $0x0  }
.LBB2_2:
0x4d: {  	s18 =	sshra.s32 s17, $0x2;
	[sflag:s9] =	ssyncadd.s32 $0xFFFFFF80;
	p0 =	sne.s32 s17, $0x4E00  }
0x4e: {  	[spmem:s2] =	stream.indirect.scatter.add.f32 [tilespmem:s11], [sflag:$0x1], $0x1, s18, s10, $0xb8;
	[tilespmem:$0x1980] =	vst v63  }
.Ltmp0:
0x4f: {  	_ = 	snop;
	(pc) =	sbr.rel @p0 .LBB2_2-.Ltmp0, $4  }
0x50: {  	_ = 	snop  }
0x51: {  	s17 =	sadd.s32 $0x200, s17  }
0x52: {  	_ =	swait.ge [sflag:s9], $0x80  }
0x53: {  	[sflag:s9] =	ssyncset.done $0x0  }
0x54: {  	s16 =	sadd.s32 $0x1, s16  }
0x55: {  	[sflag:s9] =	ssyncadd.s32 $0xFFFFFF80;
	p0 =	sne.s32 s16, s7  }
.Ltmp1:
0x56: {  	[bflag:$0x0] =	sbarrier.arrive $0xFFFF;
	(pc) =	sbr.rel @p0 .LBB2_1-.Ltmp1, $4  }
0x57: {  	[hbm:s6@s14], [sflag:s12] =	dma.strided [spmem:s13@s15], $0x50, s9, $0x10   }
0x58: {  	_ =	swait.ge [sflag:s9], $0x50  }
0x59: {  	[sflag:s9] =	ssyncset.done $0x0  }
0x5a: {  	[sflag:s9] =	ssyncadd.s32 $0xFFFFFFB0  }
0x5b: {  	_ =	sfence.sel $0x180000  }
0x5c: {  	[bflag:$0x0] =	sbarrier.arrive $0xFFFF  }
0x5d: {  	p0 =	sne.s32 s1, $0x0;
	_ =	strace $0x90000047  }
0x5e: {  	s0 =	sadd.s32 @!p0 $0x100000, s0;
	[bflag:$0x2] =	sbarrier.arrive $0xFFFF  }
0x5f: {  	[sflag:s0] =	ssyncadd.tile.s32 @!p0 $0x1;
	_ =	shalt  }
.Lfunc_end2:
_tile_overlayer_lowered:
.L_overlay_start_2:
0x60: {  	(tag) =	ssettag $0x2  }
0x61: {  	s0 =	rddreg [dreg:$0x0];
	s2 =	stileid.u32  }
0x62: {  	s1 =	rddreg [dreg:$0x1];
	p0 =	sne.s32 s2, $0x0  }
0x63: {  	s3 =	rddreg [dreg:$0x2];
	[bflag:$0x3] =	sbarrier.arrive $0xFFFF;
	s2 =	simm.s32 @!p0 $0x1C01  }
0x64: {  	[timem:s3], [sflag:s2] =	dma.local @!p0 [hbm:s0], s1  }
0x65: {  	s0 =	simm.s32 @!p0 $0x1  }
0x66: {  	_ =	swait.ge @!p0 [sflag:s0], s1  }
0x67: {  	s1 =	ssub.s32 @!p0 $0x0, s1;
	[sflag:s0] =	ssyncset.done @!p0 $0x0  }
0x68: {  	[sflag:s0] =	ssyncadd.s32 @!p0 s1  }
0x69: {  	[bflag:$0x3] =	sbarrier.arrive $0xFFFF  }
0x6a: {  	_ =	shalt  }

</sc_bundles>
